<compile_context>
chip_gen: v7x
topology: tpu7x:2x2x1
jax: 0.10.2.dev20260603
libtpu: 0.0.44.dev20260713+nightly
codegen_flags: <defaults>
</compile_context>

<pallas_src>
import jax
import jax.numpy as jnp
from jax import lax
from jax.experimental import pallas as pl
from jax.experimental.pallas import tpu as pltpu
from jax.experimental.pallas import tpu_sc as plsc

N = 10000
E = 320000
F_IN = 128
H = 64
C = 4
G = 16

NC = 2
NS = 16
NW = NC * NS
EW = E // NW
K = 125
NB = EW // K
N2 = 10240
RPT = N2 // NS
CW = 16

BLK = 1000
M = N // BLK



def _seg_mesh():
    return plsc.VectorSubcoreMesh(
        core_axis_name="c", subcore_axis_name="s", num_cores=NC, num_subcores=NS
    )


def _seg0_body(h_hbm, srcr, dstr, zrow, zcnt, ones_hbm, out_hbm, cnt_hbm,
               srcv, dstv, rba, rbb, onesv, acc, acc_cnt,
               sga, sgb, ssa, ssb, sca, scb):
    c = lax.axis_index("c")
    s = lax.axis_index("s")
    wid = s * NC + c
    rows = pl.ds(s * RPT, RPT)
    pltpu.sync_copy(zrow.at[rows], acc.at[rows])
    pltpu.sync_copy(zcnt.at[rows], acc_cnt.at[rows])
    pltpu.sync_copy(ones_hbm, onesv)
    pltpu.sync_copy(srcr.at[wid], srcv)
    pltpu.sync_copy(dstr.at[wid], dstv)
    plsc.subcore_barrier()

    pltpu.async_copy(h_hbm.at[srcv.at[0]], rba, sga)
    pltpu.async_copy(h_hbm.at[srcv.at[1]], rbb, sgb)

    @pl.loop(0, NB // 2)
    def _chunks(i):
        j = 2 * i
        pltpu.make_async_copy(h_hbm.at[srcv.at[0]], rba, sga).wait()
        pltpu.async_copy(rba, acc.at[dstv.at[j]], ssa, add=True)
        pltpu.async_copy(onesv, acc_cnt.at[dstv.at[j]], sca, add=True)
        pltpu.make_async_copy(rba, acc.at[dstv.at[0]], ssa).wait()
        pltpu.make_async_copy(onesv, acc_cnt.at[dstv.at[0]], sca).wait()

        @pl.when(j + 2 < NB)
        def _():
            pltpu.async_copy(h_hbm.at[srcv.at[j + 2]], rba, sga)

        pltpu.make_async_copy(h_hbm.at[srcv.at[0]], rbb, sgb).wait()
        pltpu.async_copy(rbb, acc.at[dstv.at[j + 1]], ssb, add=True)
        pltpu.async_copy(onesv, acc_cnt.at[dstv.at[j + 1]], scb, add=True)
        pltpu.make_async_copy(rbb, acc.at[dstv.at[0]], ssb).wait()
        pltpu.make_async_copy(onesv, acc_cnt.at[dstv.at[0]], scb).wait()

        @pl.when(j + 3 < NB)
        def _():
            pltpu.async_copy(h_hbm.at[srcv.at[j + 3]], rbb, sgb)

    plsc.subcore_barrier()
    pltpu.sync_copy(acc.at[rows], out_hbm.at[c].at[rows])
    pltpu.sync_copy(acc_cnt.at[rows], cnt_hbm.at[c].at[rows])


def _seg_body(h_hbm, srcr, dstr, zrow, out_hbm,
              srcv, dstv, rba, rbb, acc, sga, sgb, ssa, ssb):
    c = lax.axis_index("c")
    s = lax.axis_index("s")
    wid = s * NC + c
    pltpu.sync_copy(zrow.at[pl.ds(s * RPT, RPT)], acc.at[pl.ds(s * RPT, RPT)])
    pltpu.sync_copy(srcr.at[wid], srcv)
    pltpu.sync_copy(dstr.at[wid], dstv)
    plsc.subcore_barrier()

    pltpu.async_copy(h_hbm.at[srcv.at[0]], rba, sga)
    pltpu.async_copy(h_hbm.at[srcv.at[1]], rbb, sgb)

    @pl.loop(0, NB // 2)
    def _chunks(i):
        j = 2 * i
        pltpu.make_async_copy(h_hbm.at[srcv.at[0]], rba, sga).wait()
        pltpu.async_copy(rba, acc.at[dstv.at[j]], ssa, add=True)
        pltpu.make_async_copy(rba, acc.at[dstv.at[0]], ssa).wait()

        @pl.when(j + 2 < NB)
        def _():
            pltpu.async_copy(h_hbm.at[srcv.at[j + 2]], rba, sga)

        pltpu.make_async_copy(h_hbm.at[srcv.at[0]], rbb, sgb).wait()
        pltpu.async_copy(rbb, acc.at[dstv.at[j + 1]], ssb, add=True)
        pltpu.make_async_copy(rbb, acc.at[dstv.at[0]], ssb).wait()

        @pl.when(j + 3 < NB)
        def _():
            pltpu.async_copy(h_hbm.at[srcv.at[j + 3]], rbb, sgb)

    plsc.subcore_barrier()
    pltpu.sync_copy(acc.at[pl.ds(s * RPT, RPT)],
                    out_hbm.at[c].at[pl.ds(s * RPT, RPT)])


def _seg0(h, src, dst, zrow, zcnt, ones):
    d = h.shape[1]
    return pl.kernel(
        _seg0_body,
        out_type=(
            jax.ShapeDtypeStruct((NC, N2, d), jnp.float32),
            jax.ShapeDtypeStruct((NC, N2, CW), jnp.float32),
        ),
        mesh=_seg_mesh(),
        compiler_params=pltpu.CompilerParams(use_tc_tiling_on_sc=False),
        scratch_types=[
            pltpu.VMEM((NB, K), jnp.int32),
            pltpu.VMEM((NB, K), jnp.int32),
            pltpu.VMEM((K, d), jnp.float32),
            pltpu.VMEM((K, d), jnp.float32),
            pltpu.VMEM((K, CW), jnp.float32),
            pltpu.VMEM_SHARED((N2, d), jnp.float32),
            pltpu.VMEM_SHARED((N2, CW), jnp.float32),
            pltpu.SemaphoreType.DMA,
            pltpu.SemaphoreType.DMA,
            pltpu.SemaphoreType.DMA,
            pltpu.SemaphoreType.DMA,
            pltpu.SemaphoreType.DMA,
            pltpu.SemaphoreType.DMA,
        ],
    )(h, src, dst, zrow, zcnt, ones)


def _seg(h, src, dst, zrow):
    d = h.shape[1]
    return pl.kernel(
        _seg_body,
        out_type=jax.ShapeDtypeStruct((NC, N2, d), jnp.float32),
        mesh=_seg_mesh(),
        compiler_params=pltpu.CompilerParams(use_tc_tiling_on_sc=False),
        scratch_types=[
            pltpu.VMEM((NB, K), jnp.int32),
            pltpu.VMEM((NB, K), jnp.int32),
            pltpu.VMEM((K, d), jnp.float32),
            pltpu.VMEM((K, d), jnp.float32),
            pltpu.VMEM_SHARED((N2, d), jnp.float32),
            pltpu.SemaphoreType.DMA,
            pltpu.SemaphoreType.DMA,
            pltpu.SemaphoreType.DMA,
            pltpu.SemaphoreType.DMA,
        ],
    )(h, src, dst, zrow)



def _dotd(a, b):
    return jax.lax.dot_general(a, b, (((1,), (0,)), ((), ())),
                               preferred_element_type=jnp.float32)


def _dot_t_hi(a, b):
    return jax.lax.dot_general(a, b, (((0,), (0,)), ((), ())),
                               preferred_element_type=jnp.float32,
                               precision=jax.lax.Precision.HIGHEST)


def _elu(hn):
    return jnp.where(hn > 0, hn, jnp.exp(hn) - 1.0)


def _block_stats(u, s1_ref, s2_ref):
    bs1 = jnp.sum(u, axis=0, keepdims=True)
    mu_b = bs1 * (1.0 / BLK)
    d = u - mu_b
    s1_ref[...] = bs1
    s2_ref[...] = jnp.sum(d * d, axis=0, keepdims=True)


def _bn_apply(u, s1, s2, g, be):
    mu = jnp.sum(s1, axis=0) * (1.0 / N)
    mu_b = s1 * (1.0 / BLK)
    d = mu_b - mu
    var = (jnp.sum(s2, axis=0)
           + jnp.sum(d * d, axis=0) * BLK) * (1.0 / N)
    return (u - mu) / jnp.sqrt(var + 1e-5) * g + be


def _uh0_body(qpa_ref, qpb_ref, cp_ref, x_ref, wl_ref, bl_ref, wr_ref,
              g_ref, be_ref, h_ref, cm_ref, u_scr, s1_scr, s2_scr):
    b = pl.program_id(0)

    @pl.when(b < M)
    def _():
        cnt = cp_ref[0, :, 0:1] + cp_ref[1, :, 0:1]
        cm = jnp.maximum(cnt, 1.0)
        cm_ref[...] = cm
        mean_a = (qpa_ref[0] + qpa_ref[1]) / cm
        mean_b = (qpb_ref[0] + qpb_ref[1]) / cm
        u = (_dotd(mean_a, wl_ref[0:H, :]) + _dotd(mean_b, wl_ref[H:F_IN, :])
             + bl_ref[...] + _dotd(x_ref[...], wr_ref[...]))
        u_scr[b] = u
        _block_stats(u, s1_scr.at[b], s2_scr.at[b])

    @pl.when(b >= M)
    def _():
        u = u_scr[b - M]
        h_ref[...] = _elu(_bn_apply(u, s1_scr[...], s2_scr[...],
                                    g_ref[...], be_ref[...]))


def _uh_body(qp_ref, cm_ref, hin_ref, wl_ref, bl_ref, wr_ref,
             g_ref, be_ref, h_ref, u_scr, s1_scr, s2_scr):
    b = pl.program_id(0)

    @pl.when(b < M)
    def _():
        mean = (qp_ref[0] + qp_ref[1]) / cm_ref[...]
        u = (_dotd(mean, wl_ref[...]) + bl_ref[...]
             + _dotd(hin_ref[...], wr_ref[...]))
        u_scr[b] = u
        _block_stats(u, s1_scr.at[b], s2_scr.at[b])

    @pl.when(b >= M)
    def _():
        u = u_scr[b - M]
        h_ref[...] = _elu(_bn_apply(u, s1_scr[...], s2_scr[...],
                                    g_ref[...], be_ref[...]))


def _upool_body(qp_ref, cm_ref, hin_ref, wl_ref, bl_ref, wr_ref,
                g_ref, be_ref, batch_ref, w1_ref, b1_ref, gh_ref, bh_ref,
                w2_ref, b2_ref, out_ref,
                u_scr, s1_scr, s2_scr, gsum_ref, gmax_ref, gcnt_ref):
    b = pl.program_id(0)

    @pl.when(b < M)
    def _():
        mean = (qp_ref[0] + qp_ref[1]) / cm_ref[...]
        u = (_dotd(mean, wl_ref[...]) + bl_ref[...]
             + _dotd(hin_ref[...], wr_ref[...]))
        u_scr[b] = u
        _block_stats(u, s1_scr.at[b], s2_scr.at[b])

    @pl.when(b >= M)
    def _():
        h = _elu(_bn_apply(u_scr[b - M], s1_scr[...], s2_scr[...],
                           g_ref[...], be_ref[...]))
        bt = batch_ref[...]
        onehot = (bt == lax.broadcasted_iota(jnp.int32, (1, G), 1)
                  ).astype(jnp.float32)
        psum = _dot_t_hi(onehot, h)
        pcnt = _dot_t_hi(onehot, jnp.ones((BLK, 1), jnp.float32))
        maxs = [jnp.max(jnp.where(bt == gi, h, -jnp.inf), axis=0,
                        keepdims=True) for gi in range(G)]
        pmax = jnp.concatenate(maxs, axis=0)

        @pl.when(b == M)
        def _():
            gsum_ref[...] = psum
            gcnt_ref[...] = pcnt
            gmax_ref[...] = pmax

        @pl.when(b > M)
        def _():
            gsum_ref[...] = gsum_ref[...] + psum
            gcnt_ref[...] = gcnt_ref[...] + pcnt
            gmax_ref[...] = jnp.maximum(gmax_ref[...], pmax)

        @pl.when(b == 2 * M - 1)
        def _():
            mean_pool = gsum_ref[...] / jnp.maximum(gcnt_ref[...], 1.0)
            emb = jnp.concatenate([mean_pool, gmax_ref[...]], axis=1)
            z = _dotd(emb, w1_ref[...]) + b1_ref[...]
            mu = jnp.mean(z, axis=0, keepdims=True)
            var = jnp.mean((z - mu) * (z - mu), axis=0, keepdims=True)
            z = _elu((z - mu) / jnp.sqrt(var + 1e-5) * gh_ref[...]
                     + bh_ref[...])
            out_ref[...] = _dotd(z, w2_ref[...]) + b2_ref[...]


def _full(shape):
    return pl.BlockSpec(shape, lambda b: (0,) * len(shape))


def _rows1(width):
    return pl.BlockSpec((BLK, width), lambda b: (jnp.minimum(b, M - 1), 0))


def _rows2(width):
    return pl.BlockSpec((BLK, width), lambda b: (jnp.maximum(b - M, 0), 0))


def _qp_spec(width):
    return pl.BlockSpec((NC, BLK, width),
                        lambda b: (0, jnp.minimum(b, M - 1), 0))


def _f32(*shape):
    return jax.ShapeDtypeStruct(shape, jnp.float32)


_UH_SCRATCH = [pltpu.VMEM((M, BLK, H), jnp.float32),
               pltpu.VMEM((M, 1, H), jnp.float32),
               pltpu.VMEM((M, 1, H), jnp.float32)]


def _uh0(qpa, qpb, cp, x, Wl, bl, Wr, g, be):
    return pl.pallas_call(
        _uh0_body, grid=(2 * M,),
        in_specs=[_qp_spec(H), _qp_spec(H), _qp_spec(CW), _rows1(F_IN),
                  _full((F_IN, H)), _full((1, H)), _full((F_IN, H)),
                  _full((1, H)), _full((1, H))],
        out_specs=(_rows2(H), _rows1(1)),
        out_shape=(_f32(N, H), _f32(N, 1)),
        scratch_shapes=list(_UH_SCRATCH),
    )(qpa, qpb, cp, x, Wl, bl, Wr, g, be)


def _uh(qp, cm, hin, Wl, bl, Wr, g, be):
    return pl.pallas_call(
        _uh_body, grid=(2 * M,),
        in_specs=[_qp_spec(H), _rows1(1), _rows1(H),
                  _full((H, H)), _full((1, H)), _full((H, H)),
                  _full((1, H)), _full((1, H))],
        out_specs=_rows2(H),
        out_shape=_f32(N, H),
        scratch_shapes=list(_UH_SCRATCH),
    )(qp, cm, hin, Wl, bl, Wr, g, be)


def _upool(qp, cm, hin, Wl, bl, Wr, g, be, batch2,
           W1h, b1h, gh, bh, W2h, b2h):
    return pl.pallas_call(
        _upool_body, grid=(2 * M,),
        in_specs=[_qp_spec(H), _rows1(1), _rows1(H),
                  _full((H, H)), _full((1, H)), _full((H, H)),
                  _full((1, H)), _full((1, H)), _rows2(1),
                  _full((2 * H, H)), _full((1, H)), _full((1, H)),
                  _full((1, H)), _full((H, C)), _full((1, C))],
        out_specs=_full((G, C)),
        out_shape=_f32(G, C),
        scratch_shapes=list(_UH_SCRATCH) + [
            pltpu.VMEM((G, H), jnp.float32),
            pltpu.VMEM((G, H), jnp.float32),
            pltpu.VMEM((G, 1), jnp.float32)],
    )(qp, cm, hin, Wl, bl, Wr, g, be, batch2,
      W1h, b1h, gh, bh, W2h, b2h)


def kernel(x, edge_index, batch, Wl0, bl0, Wr0, g0, be0, Wl1, bl1, Wr1, g1,
           be1, Wl2, bl2, Wr2, g2, be2, W1h, b1h, gh, bh, W2h, b2h):
    src = edge_index[0].reshape(NW, NB, K)
    dst = edge_index[1].reshape(NW, NB, K)
    batch2 = batch.reshape(N, 1)
    zrow = jnp.zeros((N2, H), jnp.float32)
    zcnt = jnp.zeros((N2, CW), jnp.float32)
    ones = jnp.ones((K, CW), jnp.float32)
    r1 = lambda v: v.reshape(1, -1)

    xa = lax.slice(x, (0, 0), (N, H))
    xb = lax.slice(x, (0, H), (N, F_IN))
    q0a, cnt0 = _seg0(xa, src, dst, zrow, zcnt, ones)
    q0b = _seg(xb, src, dst, zrow)
    h1, cm = _uh0(q0a, q0b, cnt0, x, Wl0, r1(bl0), Wr0, r1(g0), r1(be0))
    q1 = _seg(h1, src, dst, zrow)
    h2 = _uh(q1, cm, h1, Wl1, r1(bl1), Wr1, r1(g1), r1(be1))
    q2 = _seg(h2, src, dst, zrow)
    return _upool(q2, cm, h2, Wl2, r1(bl2), Wr2, r1(g2), r1(be2), batch2,
                  W1h, r1(b1h), r1(gh), r1(bh), W2h, r1(b2h))

# --- scband reference (transcript-rebuilt; emitter-appended) ---
"""Pipeline reference for scband-eeggraph-net-23158463660630 (READ-ONLY COPY).

The authoritative reference and input builder live on the scoring server;
editing this copy changes nothing except your own understanding.
"""

import jax, jax.numpy as jnp
import numpy as np

N = 10000
E = 320000
F_IN = 128
H = 64
C = 4
G = 16

def setup_inputs(seed: int = 0):
    key = jax.random.key(seed)
    ks = jax.random.split(key, 30)
    inp = {}
    inp["x"] = jax.random.normal(ks[0], (N, F_IN), dtype=jnp.float32)
    inp["edge_index"] = jax.random.randint(ks[1], (2, E), 0, N, dtype=jnp.int32)
    inp["batch"] = jnp.sort(jax.random.randint(ks[2], (N,), 0, G, dtype=jnp.int32))
    dims = [F_IN, H, H, H]
    k = 3
    for i in range(3):
        din = dims[i]
        s = 1.0 / np.sqrt(din)
        inp[f"Wl{i}"] = jax.random.normal(ks[k], (din, H), dtype=jnp.float32) * s; k += 1
        inp[f"bl{i}"] = jnp.zeros((H,), dtype=jnp.float32)
        inp[f"Wr{i}"] = jax.random.normal(ks[k], (din, H), dtype=jnp.float32) * s; k += 1
        inp[f"g{i}"] = jnp.ones((H,), dtype=jnp.float32)
        inp[f"be{i}"] = jnp.zeros((H,), dtype=jnp.float32)
    inp["W1h"] = jax.random.normal(ks[k], (2 * H, H), dtype=jnp.float32) * (1.0 / np.sqrt(2 * H)); k += 1
    inp["b1h"] = jnp.zeros((H,), dtype=jnp.float32)
    inp["gh"] = jnp.ones((H,), dtype=jnp.float32)
    inp["bh"] = jnp.zeros((H,), dtype=jnp.float32)
    inp["W2h"] = jax.random.normal(ks[k], (H, C), dtype=jnp.float32) * (1.0 / np.sqrt(H)); k += 1
    inp["b2h"] = jnp.zeros((C,), dtype=jnp.float32)
    return inp

def _bn(h, gamma, beta):
    mu = jnp.mean(h, axis=0)
    var = jnp.var(h, axis=0)
    return (h - mu) / jnp.sqrt(var + 1e-5) * gamma + beta

def _sage(h, src, dst, Wl, bl, Wr, gamma, beta):
    msgs = h[src]
    agg = jax.ops.segment_sum(msgs, dst, num_segments=N)
    cnt = jax.ops.segment_sum(jnp.ones((src.shape[0], 1), jnp.float32), dst, num_segments=N)
    mean = agg / jnp.maximum(cnt, 1.0)
    out = mean @ Wl + bl + h @ Wr
    out = _bn(out, gamma, beta)
    return jax.nn.elu(out)

def reference(x, edge_index, batch, Wl0, bl0, Wr0, g0, be0, Wl1, bl1, Wr1, g1, be1, Wl2, bl2, Wr2, g2, be2, W1h, b1h, gh, bh, W2h, b2h):
    src = edge_index[0]
    dst = edge_index[1]
    h = _sage(x, src, dst, Wl0, bl0, Wr0, g0, be0)
    h = _sage(h, src, dst, Wl1, bl1, Wr1, g1, be1)
    h = _sage(h, src, dst, Wl2, bl2, Wr2, g2, be2)
    ones = jnp.ones((N, 1), jnp.float32)
    gsum = jax.ops.segment_sum(h, batch, num_segments=G)
    gcnt = jax.ops.segment_sum(ones, batch, num_segments=G)
    mean_pool = gsum / jnp.maximum(gcnt, 1.0)
    max_pool = jax.ops.segment_max(h, batch, num_segments=G)
    emb = jnp.concatenate([mean_pool, max_pool], axis=1)
    z = emb @ W1h + b1h
    z = _bn(z, gh, bh)
    z = jax.nn.elu(z)
    return z @ W2h + b2h

if __name__ == "__main__":
    import jax
    _d = setup_inputs()
    print(jax.jit(kernel)(*tuple(_d.values())))

</pallas_src>

<mosaic_0001>
#map = affine_map<(d0, d1) -> (0, 0)>
#map1 = affine_map<(d0, d1) -> (0, 0, 0)>
module attributes {stable_mosaic.version = 14 : i64} {
  func.func @_seg0_body(%arg0: i32, %arg1: i32, %arg2: memref<10000x64xf32, #tpu.memory_space<hbm>>, %arg3: memref<32x80x125xi32, #tpu.memory_space<hbm>>, %arg4: memref<32x80x125xi32, #tpu.memory_space<hbm>>, %arg5: memref<10240x64xf32, #tpu.memory_space<hbm>>, %arg6: memref<10240x16xf32, #tpu.memory_space<hbm>>, %arg7: memref<125x16xf32, #tpu.memory_space<hbm>>, %arg8: memref<2x10240x64xf32, #tpu.memory_space<hbm>>, %arg9: memref<2x10240x16xf32, #tpu.memory_space<hbm>>, %arg10: memref<80x125xi32, #tpu.memory_space<vmem>>, %arg11: memref<80x125xi32, #tpu.memory_space<vmem>>, %arg12: memref<125x64xf32, #tpu.memory_space<vmem>>, %arg13: memref<125x64xf32, #tpu.memory_space<vmem>>, %arg14: memref<125x16xf32, #tpu.memory_space<vmem>>, %arg15: memref<10240x64xf32, #tpu.memory_space<vmem_shared>>, %arg16: memref<10240x16xf32, #tpu.memory_space<vmem_shared>>, %arg17: memref<!tpu.dma_semaphore, #tpu.memory_space<semaphore_mem>>, %arg18: memref<!tpu.dma_semaphore, #tpu.memory_space<semaphore_mem>>, %arg19: memref<!tpu.dma_semaphore, #tpu.memory_space<semaphore_mem>>, %arg20: memref<!tpu.dma_semaphore, #tpu.memory_space<semaphore_mem>>, %arg21: memref<!tpu.dma_semaphore, #tpu.memory_space<semaphore_mem>>, %arg22: memref<!tpu.dma_semaphore, #tpu.memory_space<semaphore_mem>>) attributes {dimension_semantics = [#tpu.dimension_semantics<core_parallel>, #tpu.dimension_semantics<subcore_parallel>], iteration_bounds = array<i64: 2, 16>, scalar_prefetch = 0 : i64, scratch_operands = 13 : i64, tpu.core_type = #tpu.core_type<sc_vector_subcore>, window_params = [{transform_indices = #map}, {transform_indices = #map1}, {transform_indices = #map1}, {transform_indices = #map}, {transform_indices = #map}, {transform_indices = #map}, {transform_indices = #map1}, {transform_indices = #map1}]} {
    %mul3A = arith.constant 2 : i32
    %mul3A_0 = arith.muli %arg1, %mul3A : i32
    %add3A = arith.addi %mul3A_0, %arg0 : i32
    %mul3A_1 = arith.constant 640 : i32
    %mul3A_2 = arith.muli %arg1, %mul3A_1 : i32
    "tpu.region"() ({
      %run_scoped3A = tpu.sem_alloc : memref<!tpu.dma_semaphore, #tpu.memory_space<semaphore_mem>>
      %dma_start3A_21 = arith.constant 0 : i32
      %dma_start3A_22 = tpu.memref_slice %arg15[%mul3A_2, %dma_start3A_21] : memref<10240x64xf32, #tpu.memory_space<vmem_shared>> -> memref<640x64xf32, #tpu.memory_space<vmem_shared>>
      %dma_start3A_23 = arith.constant 0 : i32
      %dma_start3A_24 = tpu.memref_slice %arg5[%mul3A_2, %dma_start3A_23] : memref<10240x64xf32, #tpu.memory_space<hbm>> -> memref<640x64xf32, #tpu.memory_space<hbm>>
      tpu.enqueue_dma source(%dma_start3A_24 : memref<640x64xf32, #tpu.memory_space<hbm>>) target(%dma_start3A_22 : memref<640x64xf32, #tpu.memory_space<vmem_shared>>) target_semaphore(%run_scoped3A : memref<!tpu.dma_semaphore, #tpu.memory_space<semaphore_mem>>)
      %dma_wait3A = arith.constant 0 : i32
      %dma_wait3A_25 = tpu.memref_slice %arg15[%mul3A_2, %dma_wait3A] : memref<10240x64xf32, #tpu.memory_space<vmem_shared>> -> memref<640x64xf32, #tpu.memory_space<vmem_shared>>
      %dma_wait3A_26 = arith.constant 0 : i32
      %dma_wait3A_27 = tpu.memref_slice %arg5[%mul3A_2, %dma_wait3A_26] : memref<10240x64xf32, #tpu.memory_space<hbm>> -> memref<640x64xf32, #tpu.memory_space<hbm>>
      tpu.wait_dma2 semaphore(%run_scoped3A : memref<!tpu.dma_semaphore, #tpu.memory_space<semaphore_mem>>) src(%dma_wait3A_27 : memref<640x64xf32, #tpu.memory_space<hbm>>) dst(%dma_wait3A_25 : memref<640x64xf32, #tpu.memory_space<vmem_shared>>)
      tpu.yield
    }) : () -> ()
    "tpu.region"() ({
      %run_scoped3A = tpu.sem_alloc : memref<!tpu.dma_semaphore, #tpu.memory_space<semaphore_mem>>
      %dma_start3A_21 = arith.constant 0 : i32
      %dma_start3A_22 = tpu.memref_slice %arg16[%mul3A_2, %dma_start3A_21] : memref<10240x16xf32, #tpu.memory_space<vmem_shared>> -> memref<640x16xf32, #tpu.memory_space<vmem_shared>>
      %dma_start3A_23 = arith.constant 0 : i32
      %dma_start3A_24 = tpu.memref_slice %arg6[%mul3A_2, %dma_start3A_23] : memref<10240x16xf32, #tpu.memory_space<hbm>> -> memref<640x16xf32, #tpu.memory_space<hbm>>
      tpu.enqueue_dma source(%dma_start3A_24 : memref<640x16xf32, #tpu.memory_space<hbm>>) target(%dma_start3A_22 : memref<640x16xf32, #tpu.memory_space<vmem_shared>>) target_semaphore(%run_scoped3A : memref<!tpu.dma_semaphore, #tpu.memory_space<semaphore_mem>>)
      %dma_wait3A = arith.constant 0 : i32
      %dma_wait3A_25 = tpu.memref_slice %arg16[%mul3A_2, %dma_wait3A] : memref<10240x16xf32, #tpu.memory_space<vmem_shared>> -> memref<640x16xf32, #tpu.memory_space<vmem_shared>>
      %dma_wait3A_26 = arith.constant 0 : i32
      %dma_wait3A_27 = tpu.memref_slice %arg6[%mul3A_2, %dma_wait3A_26] : memref<10240x16xf32, #tpu.memory_space<hbm>> -> memref<640x16xf32, #tpu.memory_space<hbm>>
      tpu.wait_dma2 semaphore(%run_scoped3A : memref<!tpu.dma_semaphore, #tpu.memory_space<semaphore_mem>>) src(%dma_wait3A_27 : memref<640x16xf32, #tpu.memory_space<hbm>>) dst(%dma_wait3A_25 : memref<640x16xf32, #tpu.memory_space<vmem_shared>>)
      tpu.yield
    }) : () -> ()
    "tpu.region"() ({
      %run_scoped3A = tpu.sem_alloc : memref<!tpu.dma_semaphore, #tpu.memory_space<semaphore_mem>>
      tpu.enqueue_dma source(%arg7 : memref<125x16xf32, #tpu.memory_space<hbm>>) target(%arg14 : memref<125x16xf32, #tpu.memory_space<vmem>>) target_semaphore(%run_scoped3A : memref<!tpu.dma_semaphore, #tpu.memory_space<semaphore_mem>>)
      tpu.wait_dma2 semaphore(%run_scoped3A : memref<!tpu.dma_semaphore, #tpu.memory_space<semaphore_mem>>) src(%arg7 : memref<125x16xf32, #tpu.memory_space<hbm>>) dst(%arg14 : memref<125x16xf32, #tpu.memory_space<vmem>>)
      tpu.yield
    }) : () -> ()
    "tpu.region"() ({
      %run_scoped3A = tpu.sem_alloc : memref<!tpu.dma_semaphore, #tpu.memory_space<semaphore_mem>>
      %dma_start3A_21 = arith.constant 0 : i32
      %dma_start3A_22 = arith.constant 0 : i32
      %dma_start3A_23 = tpu.memref_slice %arg3[%add3A, %dma_start3A_21, %dma_start3A_22] : memref<32x80x125xi32, #tpu.memory_space<hbm>> -> memref<1x80x125xi32, #tpu.memory_space<hbm>>
      %dma_start3A_24 = tpu.memref_squeeze %dma_start3A_23 : memref<1x80x125xi32, #tpu.memory_space<hbm>> -> memref<80x125xi32, #tpu.memory_space<hbm>>
      %dma_start3A_25 = arith.constant 0 : i32
      %dma_start3A_26 = arith.constant 0 : i32
      %dma_start3A_27 = tpu.memref_slice %arg3[%add3A, %dma_start3A_25, %dma_start3A_26] : memref<32x80x125xi32, #tpu.memory_space<hbm>> -> memref<1x80x125xi32, #tpu.memory_space<hbm>>
      %dma_start3A_28 = tpu.memref_squeeze %dma_start3A_27 : memref<1x80x125xi32, #tpu.memory_space<hbm>> -> memref<80x125xi32, #tpu.memory_space<hbm>>
      tpu.enqueue_dma source(%dma_start3A_28 : memref<80x125xi32, #tpu.memory_space<hbm>>) target(%arg10 : memref<80x125xi32, #tpu.memory_space<vmem>>) target_semaphore(%run_scoped3A : memref<!tpu.dma_semaphore, #tpu.memory_space<semaphore_mem>>)
      %dma_wait3A = arith.constant 0 : i32
      %dma_wait3A_29 = arith.constant 0 : i32
      %dma_wait3A_30 = tpu.memref_slice %arg3[%add3A, %dma_wait3A, %dma_wait3A_29] : memref<32x80x125xi32, #tpu.memory_space<hbm>> -> memref<1x80x125xi32, #tpu.memory_space<hbm>>
      %dma_wait3A_31 = tpu.memref_squeeze %dma_wait3A_30 : memref<1x80x125xi32, #tpu.memory_space<hbm>> -> memref<80x125xi32, #tpu.memory_space<hbm>>
      %dma_wait3A_32 = arith.constant 0 : i32
      %dma_wait3A_33 = arith.constant 0 : i32
      %dma_wait3A_34 = tpu.memref_slice %arg3[%add3A, %dma_wait3A_32, %dma_wait3A_33] : memref<32x80x125xi32, #tpu.memory_space<hbm>> -> memref<1x80x125xi32, #tpu.memory_space<hbm>>
      %dma_wait3A_35 = tpu.memref_squeeze %dma_wait3A_34 : memref<1x80x125xi32, #tpu.memory_space<hbm>> -> memref<80x125xi32, #tpu.memory_space<hbm>>
      tpu.wait_dma2 semaphore(%run_scoped3A : memref<!tpu.dma_semaphore, #tpu.memory_space<semaphore_mem>>) src(%dma_wait3A_35 : memref<80x125xi32, #tpu.memory_space<hbm>>) dst(%arg10 : memref<80x125xi32, #tpu.memory_space<vmem>>)
      tpu.yield
    }) : () -> ()
    "tpu.region"() ({
      %run_scoped3A = tpu.sem_alloc : memref<!tpu.dma_semaphore, #tpu.memory_space<semaphore_mem>>
      %dma_start3A_21 = arith.constant 0 : i32
      %dma_start3A_22 = arith.constant 0 : i32
      %dma_start3A_23 = tpu.memref_slice %arg4[%add3A, %dma_start3A_21, %dma_start3A_22] : memref<32x80x125xi32, #tpu.memory_space<hbm>> -> memref<1x80x125xi32, #tpu.memory_space<hbm>>
      %dma_start3A_24 = tpu.memref_squeeze %dma_start3A_23 : memref<1x80x125xi32, #tpu.memory_space<hbm>> -> memref<80x125xi32, #tpu.memory_space<hbm>>
      %dma_start3A_25 = arith.constant 0 : i32
      %dma_start3A_26 = arith.constant 0 : i32
      %dma_start3A_27 = tpu.memref_slice %arg4[%add3A, %dma_start3A_25, %dma_start3A_26] : memref<32x80x125xi32, #tpu.memory_space<hbm>> -> memref<1x80x125xi32, #tpu.memory_space<hbm>>
      %dma_start3A_28 = tpu.memref_squeeze %dma_start3A_27 : memref<1x80x125xi32, #tpu.memory_space<hbm>> -> memref<80x125xi32, #tpu.memory_space<hbm>>
      tpu.enqueue_dma source(%dma_start3A_28 : memref<80x125xi32, #tpu.memory_space<hbm>>) target(%arg11 : memref<80x125xi32, #tpu.memory_space<vmem>>) target_semaphore(%run_scoped3A : memref<!tpu.dma_semaphore, #tpu.memory_space<semaphore_mem>>)
      %dma_wait3A = arith.constant 0 : i32
      %dma_wait3A_29 = arith.constant 0 : i32
      %dma_wait3A_30 = tpu.memref_slice %arg4[%add3A, %dma_wait3A, %dma_wait3A_29] : memref<32x80x125xi32, #tpu.memory_space<hbm>> -> memref<1x80x125xi32, #tpu.memory_space<hbm>>
      %dma_wait3A_31 = tpu.memref_squeeze %dma_wait3A_30 : memref<1x80x125xi32, #tpu.memory_space<hbm>> -> memref<80x125xi32, #tpu.memory_space<hbm>>
      %dma_wait3A_32 = arith.constant 0 : i32
      %dma_wait3A_33 = arith.constant 0 : i32
      %dma_wait3A_34 = tpu.memref_slice %arg4[%add3A, %dma_wait3A_32, %dma_wait3A_33] : memref<32x80x125xi32, #tpu.memory_space<hbm>> -> memref<1x80x125xi32, #tpu.memory_space<hbm>>
      %dma_wait3A_35 = tpu.memref_squeeze %dma_wait3A_34 : memref<1x80x125xi32, #tpu.memory_space<hbm>> -> memref<80x125xi32, #tpu.memory_space<hbm>>
      tpu.wait_dma2 semaphore(%run_scoped3A : memref<!tpu.dma_semaphore, #tpu.memory_space<semaphore_mem>>) src(%dma_wait3A_35 : memref<80x125xi32, #tpu.memory_space<hbm>>) dst(%arg11 : memref<80x125xi32, #tpu.memory_space<vmem>>)
      tpu.yield
    }) : () -> ()
    %barrier3A = arith.constant 0 : index
    tpu.barrier barrier_id(%barrier3A)
    %dma_start3A = arith.constant 0 : i32
    %dma_start3A_3 = arith.constant 0 : i32
    %dma_start3A_4 = tpu.memref_slice %arg10[%dma_start3A, %dma_start3A_3] : memref<80x125xi32, #tpu.memory_space<vmem>> -> memref<1x125xi32, #tpu.memory_space<vmem>>
    %dma_start3A_5 = tpu.memref_squeeze %dma_start3A_4 : memref<1x125xi32, #tpu.memory_space<vmem>> -> memref<125xi32, #tpu.memory_space<vmem>>
    %dma_start3A_6 = arith.constant 0 : i32
    %dma_start3A_7 = arith.constant 0 : i32
    %dma_start3A_8 = tpu.memref_slice %arg2[%dma_start3A_6, %dma_start3A_7] : memref<10000x64xf32, #tpu.memory_space<hbm>> -> memref<10000x64xf32, #tpu.memory_space<hbm>>
    tpu.enqueue_indirect_dma source(%dma_start3A_8 : memref<10000x64xf32, #tpu.memory_space<hbm>>) target(%arg12 : memref<125x64xf32, #tpu.memory_space<vmem>>) offsets(%dma_start3A_5 : memref<125xi32, #tpu.memory_space<vmem>>) semaphore(%arg17 : memref<!tpu.dma_semaphore, #tpu.memory_space<semaphore_mem>>)
    %dma_start3A_9 = arith.constant 1 : i32
    %dma_start3A_10 = arith.constant 0 : i32
    %dma_start3A_11 = tpu.memref_slice %arg10[%dma_start3A_9, %dma_start3A_10] : memref<80x125xi32, #tpu.memory_space<vmem>> -> memref<1x125xi32, #tpu.memory_space<vmem>>
    %dma_start3A_12 = tpu.memref_squeeze %dma_start3A_11 : memref<1x125xi32, #tpu.memory_space<vmem>> -> memref<125xi32, #tpu.memory_space<vmem>>
    %dma_start3A_13 = arith.constant 0 : i32
    %dma_start3A_14 = arith.constant 0 : i32
    %dma_start3A_15 = tpu.memref_slice %arg2[%dma_start3A_13, %dma_start3A_14] : memref<10000x64xf32, #tpu.memory_space<hbm>> -> memref<10000x64xf32, #tpu.memory_space<hbm>>
    tpu.enqueue_indirect_dma source(%dma_start3A_15 : memref<10000x64xf32, #tpu.memory_space<hbm>>) target(%arg13 : memref<125x64xf32, #tpu.memory_space<vmem>>) offsets(%dma_start3A_12 : memref<125xi32, #tpu.memory_space<vmem>>) semaphore(%arg18 : memref<!tpu.dma_semaphore, #tpu.memory_space<semaphore_mem>>)
    %scan3A = arith.constant 0 : i32
    %scan3A_16 = arith.constant 40 : i32
    %scan3A_17 = arith.addi %scan3A, %scan3A_16 : i32
    %scan3A_18 = arith.constant 1 : i32
    scf.for %scan3A_21 = %scan3A to %scan3A_17 step %scan3A_18  : i32 {
      %mul3A_22 = arith.constant 1 : i32
      %mul3A_23 = arith.muli %scan3A_21, %mul3A_22 : i32
      %add3A_24 = arith.constant 0 : i32
      %add3A_25 = arith.addi %add3A_24, %mul3A_23 : i32
      %mul3A_26 = arith.constant 2 : i32
      %mul3A_27 = arith.muli %mul3A_26, %add3A_25 : i32
      %dma_wait3A = arith.constant 0 : i32
      %dma_wait3A_28 = arith.constant 0 : i32
      %dma_wait3A_29 = tpu.memref_slice %arg10[%dma_wait3A, %dma_wait3A_28] : memref<80x125xi32, #tpu.memory_space<vmem>> -> memref<1x125xi32, #tpu.memory_space<vmem>>
      %dma_wait3A_30 = tpu.memref_squeeze %dma_wait3A_29 : memref<1x125xi32, #tpu.memory_space<vmem>> -> memref<125xi32, #tpu.memory_space<vmem>>
      %dma_wait3A_31 = arith.constant 0 : i32
      %dma_wait3A_32 = arith.constant 0 : i32
      %dma_wait3A_33 = tpu.memref_slice %arg2[%dma_wait3A_31, %dma_wait3A_32] : memref<10000x64xf32, #tpu.memory_space<hbm>> -> memref<10000x64xf32, #tpu.memory_space<hbm>>
      tpu.wait_indirect_dma semaphore(%arg17 : memref<!tpu.dma_semaphore, #tpu.memory_space<semaphore_mem>>) src(%dma_wait3A_33 : memref<10000x64xf32, #tpu.memory_space<hbm>>) dst(%arg12 : memref<125x64xf32, #tpu.memory_space<vmem>>)
      %dma_start3A_34 = arith.constant 0 : i32
      %dma_start3A_35 = tpu.memref_slice %arg11[%mul3A_27, %dma_start3A_34] : memref<80x125xi32, #tpu.memory_space<vmem>> -> memref<1x125xi32, #tpu.memory_space<vmem>>
      %dma_start3A_36 = tpu.memref_squeeze %dma_start3A_35 : memref<1x125xi32, #tpu.memory_space<vmem>> -> memref<125xi32, #tpu.memory_space<vmem>>
      %dma_start3A_37 = arith.constant 0 : i32
      %dma_start3A_38 = arith.constant 0 : i32
      %dma_start3A_39 = tpu.memref_slice %arg15[%dma_start3A_37, %dma_start3A_38] : memref<10240x64xf32, #tpu.memory_space<vmem_shared>> -> memref<10240x64xf32, #tpu.memory_space<vmem_shared>>
      tpu.enqueue_indirect_dma source(%arg12 : memref<125x64xf32, #tpu.memory_space<vmem>>) target(%dma_start3A_39 : memref<10240x64xf32, #tpu.memory_space<vmem_shared>>) offsets(%dma_start3A_36 : memref<125xi32, #tpu.memory_space<vmem>>) semaphore(%arg19 : memref<!tpu.dma_semaphore, #tpu.memory_space<semaphore_mem>>) {add = true}
      %dma_start3A_40 = arith.constant 0 : i32
      %dma_start3A_41 = tpu.memref_slice %arg11[%mul3A_27, %dma_start3A_40] : memref<80x125xi32, #tpu.memory_space<vmem>> -> memref<1x125xi32, #tpu.memory_space<vmem>>
      %dma_start3A_42 = tpu.memref_squeeze %dma_start3A_41 : memref<1x125xi32, #tpu.memory_space<vmem>> -> memref<125xi32, #tpu.memory_space<vmem>>
      %dma_start3A_43 = arith.constant 0 : i32
      %dma_start3A_44 = arith.constant 0 : i32
      %dma_start3A_45 = tpu.memref_slice %arg16[%dma_start3A_43, %dma_start3A_44] : memref<10240x16xf32, #tpu.memory_space<vmem_shared>> -> memref<10240x16xf32, #tpu.memory_space<vmem_shared>>
      tpu.enqueue_indirect_dma source(%arg14 : memref<125x16xf32, #tpu.memory_space<vmem>>) target(%dma_start3A_45 : memref<10240x16xf32, #tpu.memory_space<vmem_shared>>) offsets(%dma_start3A_42 : memref<125xi32, #tpu.memory_space<vmem>>) semaphore(%arg21 : memref<!tpu.dma_semaphore, #tpu.memory_space<semaphore_mem>>) {add = true}
      %dma_wait3A_46 = arith.constant 0 : i32
      %dma_wait3A_47 = arith.constant 0 : i32
      %dma_wait3A_48 = tpu.memref_slice %arg11[%dma_wait3A_46, %dma_wait3A_47] : memref<80x125xi32, #tpu.memory_space<vmem>> -> memref<1x125xi32, #tpu.memory_space<vmem>>
      %dma_wait3A_49 = tpu.memref_squeeze %dma_wait3A_48 : memref<1x125xi32, #tpu.memory_space<vmem>> -> memref<125xi32, #tpu.memory_space<vmem>>
      %dma_wait3A_50 = arith.constant 0 : i32
      %dma_wait3A_51 = arith.constant 0 : i32
      %dma_wait3A_52 = tpu.memref_slice %arg15[%dma_wait3A_50, %dma_wait3A_51] : memref<10240x64xf32, #tpu.memory_space<vmem_shared>> -> memref<10240x64xf32, #tpu.memory_space<vmem_shared>>
      tpu.wait_indirect_dma semaphore(%arg19 : memref<!tpu.dma_semaphore, #tpu.memory_space<semaphore_mem>>) src(%arg12 : memref<125x64xf32, #tpu.memory_space<vmem>>) dst(%dma_wait3A_52 : memref<10240x64xf32, #tpu.memory_space<vmem_shared>>)
      %dma_wait3A_53 = arith.constant 0 : i32
      %dma_wait3A_54 = arith.constant 0 : i32
      %dma_wait3A_55 = tpu.memref_slice %arg11[%dma_wait3A_53, %dma_wait3A_54] : memref<80x125xi32, #tpu.memory_space<vmem>> -> memref<1x125xi32, #tpu.memory_space<vmem>>
      %dma_wait3A_56 = tpu.memref_squeeze %dma_wait3A_55 : memref<1x125xi32, #tpu.memory_space<vmem>> -> memref<125xi32, #tpu.memory_space<vmem>>
      %dma_wait3A_57 = arith.constant 0 : i32
      %dma_wait3A_58 = arith.constant 0 : i32
      %dma_wait3A_59 = tpu.memref_slice %arg16[%dma_wait3A_57, %dma_wait3A_58] : memref<10240x16xf32, #tpu.memory_space<vmem_shared>> -> memref<10240x16xf32, #tpu.memory_space<vmem_shared>>
      tpu.wait_indirect_dma semaphore(%arg21 : memref<!tpu.dma_semaphore, #tpu.memory_space<semaphore_mem>>) src(%arg14 : memref<125x16xf32, #tpu.memory_space<vmem>>) dst(%dma_wait3A_59 : memref<10240x16xf32, #tpu.memory_space<vmem_shared>>)
      %add3A_60 = arith.constant 2 : i32
      %add3A_61 = arith.addi %mul3A_27, %add3A_60 : i32
      %lt3A = arith.constant 80 : i32
      %lt3A_62 = arith.cmpi slt, %add3A_61, %lt3A : i32
      %convert_element_type3A = arith.extui %lt3A_62 : i1 to i32
      %cond3A = arith.constant 0 : i32
      %cond3A_63 = arith.cmpi ne, %convert_element_type3A, %cond3A : i32
      scf.if %cond3A_63 {
        %add3A_108 = arith.constant 2 : i32
        %add3A_109 = arith.addi %mul3A_27, %add3A_108 : i32
        %dma_start3A_110 = arith.constant 0 : i32
        %dma_start3A_111 = tpu.memref_slice %arg10[%add3A_109, %dma_start3A_110] : memref<80x125xi32, #tpu.memory_space<vmem>> -> memref<1x125xi32, #tpu.memory_space<vmem>>
        %dma_start3A_112 = tpu.memref_squeeze %dma_start3A_111 : memref<1x125xi32, #tpu.memory_space<vmem>> -> memref<125xi32, #tpu.memory_space<vmem>>
        %dma_start3A_113 = arith.constant 0 : i32
        %dma_start3A_114 = arith.constant 0 : i32
        %dma_start3A_115 = tpu.memref_slice %arg2[%dma_start3A_113, %dma_start3A_114] : memref<10000x64xf32, #tpu.memory_space<hbm>> -> memref<10000x64xf32, #tpu.memory_space<hbm>>
        tpu.enqueue_indirect_dma source(%dma_start3A_115 : memref<10000x64xf32, #tpu.memory_space<hbm>>) target(%arg12 : memref<125x64xf32, #tpu.memory_space<vmem>>) offsets(%dma_start3A_112 : memref<125xi32, #tpu.memory_space<vmem>>) semaphore(%arg17 : memref<!tpu.dma_semaphore, #tpu.memory_space<semaphore_mem>>)
      } else {
      }
      %dma_wait3A_64 = arith.constant 0 : i32
      %dma_wait3A_65 = arith.constant 0 : i32
      %dma_wait3A_66 = tpu.memref_slice %arg10[%dma_wait3A_64, %dma_wait3A_65] : memref<80x125xi32, #tpu.memory_space<vmem>> -> memref<1x125xi32, #tpu.memory_space<vmem>>
      %dma_wait3A_67 = tpu.memref_squeeze %dma_wait3A_66 : memref<1x125xi32, #tpu.memory_space<vmem>> -> memref<125xi32, #tpu.memory_space<vmem>>
      %dma_wait3A_68 = arith.constant 0 : i32
      %dma_wait3A_69 = arith.constant 0 : i32
      %dma_wait3A_70 = tpu.memref_slice %arg2[%dma_wait3A_68, %dma_wait3A_69] : memref<10000x64xf32, #tpu.memory_space<hbm>> -> memref<10000x64xf32, #tpu.memory_space<hbm>>
      tpu.wait_indirect_dma semaphore(%arg18 : memref<!tpu.dma_semaphore, #tpu.memory_space<semaphore_mem>>) src(%dma_wait3A_70 : memref<10000x64xf32, #tpu.memory_space<hbm>>) dst(%arg13 : memref<125x64xf32, #tpu.memory_space<vmem>>)
      %add3A_71 = arith.constant 1 : i32
      %add3A_72 = arith.addi %mul3A_27, %add3A_71 : i32
      %dma_start3A_73 = arith.constant 0 : i32
      %dma_start3A_74 = tpu.memref_slice %arg11[%add3A_72, %dma_start3A_73] : memref<80x125xi32, #tpu.memory_space<vmem>> -> memref<1x125xi32, #tpu.memory_space<vmem>>
      %dma_start3A_75 = tpu.memref_squeeze %dma_start3A_74 : memref<1x125xi32, #tpu.memory_space<vmem>> -> memref<125xi32, #tpu.memory_space<vmem>>
      %dma_start3A_76 = arith.constant 0 : i32
      %dma_start3A_77 = arith.constant 0 : i32
      %dma_start3A_78 = tpu.memref_slice %arg15[%dma_start3A_76, %dma_start3A_77] : memref<10240x64xf32, #tpu.memory_space<vmem_shared>> -> memref<10240x64xf32, #tpu.memory_space<vmem_shared>>
      tpu.enqueue_indirect_dma source(%arg13 : memref<125x64xf32, #tpu.memory_space<vmem>>) target(%dma_start3A_78 : memref<10240x64xf32, #tpu.memory_space<vmem_shared>>) offsets(%dma_start3A_75 : memref<125xi32, #tpu.memory_space<vmem>>) semaphore(%arg20 : memref<!tpu.dma_semaphore, #tpu.memory_space<semaphore_mem>>) {add = true}
      %add3A_79 = arith.constant 1 : i32
      %add3A_80 = arith.addi %mul3A_27, %add3A_79 : i32
      %dma_start3A_81 = arith.constant 0 : i32
      %dma_start3A_82 = tpu.memref_slice %arg11[%add3A_80, %dma_start3A_81] : memref<80x125xi32, #tpu.memory_space<vmem>> -> memref<1x125xi32, #tpu.memory_space<vmem>>
      %dma_start3A_83 = tpu.memref_squeeze %dma_start3A_82 : memref<1x125xi32, #tpu.memory_space<vmem>> -> memref<125xi32, #tpu.memory_space<vmem>>
      %dma_start3A_84 = arith.constant 0 : i32
      %dma_start3A_85 = arith.constant 0 : i32
      %dma_start3A_86 = tpu.memref_slice %arg16[%dma_start3A_84, %dma_start3A_85] : memref<10240x16xf32, #tpu.memory_space<vmem_shared>> -> memref<10240x16xf32, #tpu.memory_space<vmem_shared>>
      tpu.enqueue_indirect_dma source(%arg14 : memref<125x16xf32, #tpu.memory_space<vmem>>) target(%dma_start3A_86 : memref<10240x16xf32, #tpu.memory_space<vmem_shared>>) offsets(%dma_start3A_83 : memref<125xi32, #tpu.memory_space<vmem>>) semaphore(%arg22 : memref<!tpu.dma_semaphore, #tpu.memory_space<semaphore_mem>>) {add = true}
      %dma_wait3A_87 = arith.constant 0 : i32
      %dma_wait3A_88 = arith.constant 0 : i32
      %dma_wait3A_89 = tpu.memref_slice %arg11[%dma_wait3A_87, %dma_wait3A_88] : memref<80x125xi32, #tpu.memory_space<vmem>> -> memref<1x125xi32, #tpu.memory_space<vmem>>
      %dma_wait3A_90 = tpu.memref_squeeze %dma_wait3A_89 : memref<1x125xi32, #tpu.memory_space<vmem>> -> memref<125xi32, #tpu.memory_space<vmem>>
      %dma_wait3A_91 = arith.constant 0 : i32
      %dma_wait3A_92 = arith.constant 0 : i32
      %dma_wait3A_93 = tpu.memref_slice %arg15[%dma_wait3A_91, %dma_wait3A_92] : memref<10240x64xf32, #tpu.memory_space<vmem_shared>> -> memref<10240x64xf32, #tpu.memory_space<vmem_shared>>
      tpu.wait_indirect_dma semaphore(%arg20 : memref<!tpu.dma_semaphore, #tpu.memory_space<semaphore_mem>>) src(%arg13 : memref<125x64xf32, #tpu.memory_space<vmem>>) dst(%dma_wait3A_93 : memref<10240x64xf32, #tpu.memory_space<vmem_shared>>)
      %dma_wait3A_94 = arith.constant 0 : i32
      %dma_wait3A_95 = arith.constant 0 : i32
      %dma_wait3A_96 = tpu.memref_slice %arg11[%dma_wait3A_94, %dma_wait3A_95] : memref<80x125xi32, #tpu.memory_space<vmem>> -> memref<1x125xi32, #tpu.memory_space<vmem>>
      %dma_wait3A_97 = tpu.memref_squeeze %dma_wait3A_96 : memref<1x125xi32, #tpu.memory_space<vmem>> -> memref<125xi32, #tpu.memory_space<vmem>>
      %dma_wait3A_98 = arith.constant 0 : i32
      %dma_wait3A_99 = arith.constant 0 : i32
      %dma_wait3A_100 = tpu.memref_slice %arg16[%dma_wait3A_98, %dma_wait3A_99] : memref<10240x16xf32, #tpu.memory_space<vmem_shared>> -> memref<10240x16xf32, #tpu.memory_space<vmem_shared>>
      tpu.wait_indirect_dma semaphore(%arg22 : memref<!tpu.dma_semaphore, #tpu.memory_space<semaphore_mem>>) src(%arg14 : memref<125x16xf32, #tpu.memory_space<vmem>>) dst(%dma_wait3A_100 : memref<10240x16xf32, #tpu.memory_space<vmem_shared>>)
      %add3A_101 = arith.constant 3 : i32
      %add3A_102 = arith.addi %mul3A_27, %add3A_101 : i32
      %lt3A_103 = arith.constant 80 : i32
      %lt3A_104 = arith.cmpi slt, %add3A_102, %lt3A_103 : i32
      %convert_element_type3A_105 = arith.extui %lt3A_104 : i1 to i32
      %cond3A_106 = arith.constant 0 : i32
      %cond3A_107 = arith.cmpi ne, %convert_element_type3A_105, %cond3A_106 : i32
      scf.if %cond3A_107 {
        %add3A_108 = arith.constant 3 : i32
        %add3A_109 = arith.addi %mul3A_27, %add3A_108 : i32
        %dma_start3A_110 = arith.constant 0 : i32
        %dma_start3A_111 = tpu.memref_slice %arg10[%add3A_109, %dma_start3A_110] : memref<80x125xi32, #tpu.memory_space<vmem>> -> memref<1x125xi32, #tpu.memory_space<vmem>>
        %dma_start3A_112 = tpu.memref_squeeze %dma_start3A_111 : memref<1x125xi32, #tpu.memory_space<vmem>> -> memref<125xi32, #tpu.memory_space<vmem>>
        %dma_start3A_113 = arith.constant 0 : i32
        %dma_start3A_114 = arith.constant 0 : i32
        %dma_start3A_115 = tpu.memref_slice %arg2[%dma_start3A_113, %dma_start3A_114] : memref<10000x64xf32, #tpu.memory_space<hbm>> -> memref<10000x64xf32, #tpu.memory_space<hbm>>
        tpu.enqueue_indirect_dma source(%dma_start3A_115 : memref<10000x64xf32, #tpu.memory_space<hbm>>) target(%arg13 : memref<125x64xf32, #tpu.memory_space<vmem>>) offsets(%dma_start3A_112 : memref<125xi32, #tpu.memory_space<vmem>>) semaphore(%arg18 : memref<!tpu.dma_semaphore, #tpu.memory_space<semaphore_mem>>)
      } else {
      }
    }
    %scan3A_19 = arith.constant 40 : i32
    %barrier3A_20 = arith.constant 0 : index
    tpu.barrier barrier_id(%barrier3A_20)
    "tpu.region"() ({
      %run_scoped3A = tpu.sem_alloc : memref<!tpu.dma_semaphore, #tpu.memory_space<semaphore_mem>>
      %dma_start3A_21 = arith.constant 0 : i32
      %dma_start3A_22 = arith.constant 0 : i32
      %dma_start3A_23 = tpu.memref_slice %arg8[%arg0, %dma_start3A_21, %dma_start3A_22] : memref<2x10240x64xf32, #tpu.memory_space<hbm>> -> memref<1x10240x64xf32, #tpu.memory_space<hbm>>
      %dma_start3A_24 = tpu.memref_squeeze %dma_start3A_23 : memref<1x10240x64xf32, #tpu.memory_space<hbm>> -> memref<10240x64xf32, #tpu.memory_space<hbm>>
      %dma_start3A_25 = arith.constant 0 : i32
      %dma_start3A_26 = tpu.memref_slice %dma_start3A_24[%mul3A_2, %dma_start3A_25] : memref<10240x64xf32, #tpu.memory_space<hbm>> -> memref<640x64xf32, #tpu.memory_space<hbm>>
      %dma_start3A_27 = arith.constant 0 : i32
      %dma_start3A_28 = tpu.memref_slice %arg15[%mul3A_2, %dma_start3A_27] : memref<10240x64xf32, #tpu.memory_space<vmem_shared>> -> memref<640x64xf32, #tpu.memory_space<vmem_shared>>
      tpu.enqueue_dma source(%dma_start3A_28 : memref<640x64xf32, #tpu.memory_space<vmem_shared>>) target(%dma_start3A_26 : memref<640x64xf32, #tpu.memory_space<hbm>>) target_semaphore(%run_scoped3A : memref<!tpu.dma_semaphore, #tpu.memory_space<semaphore_mem>>)
      %dma_wait3A = arith.constant 0 : i32
      %dma_wait3A_29 = arith.constant 0 : i32
      %dma_wait3A_30 = tpu.memref_slice %arg8[%arg0, %dma_wait3A, %dma_wait3A_29] : memref<2x10240x64xf32, #tpu.memory_space<hbm>> -> memref<1x10240x64xf32, #tpu.memory_space<hbm>>
      %dma_wait3A_31 = tpu.memref_squeeze %dma_wait3A_30 : memref<1x10240x64xf32, #tpu.memory_space<hbm>> -> memref<10240x64xf32, #tpu.memory_space<hbm>>
      %dma_wait3A_32 = arith.constant 0 : i32
      %dma_wait3A_33 = tpu.memref_slice %dma_wait3A_31[%mul3A_2, %dma_wait3A_32] : memref<10240x64xf32, #tpu.memory_space<hbm>> -> memref<640x64xf32, #tpu.memory_space<hbm>>
      %dma_wait3A_34 = arith.constant 0 : i32
      %dma_wait3A_35 = tpu.memref_slice %arg15[%mul3A_2, %dma_wait3A_34] : memref<10240x64xf32, #tpu.memory_space<vmem_shared>> -> memref<640x64xf32, #tpu.memory_space<vmem_shared>>
      tpu.wait_dma2 semaphore(%run_scoped3A : memref<!tpu.dma_semaphore, #tpu.memory_space<semaphore_mem>>) src(%dma_wait3A_35 : memref<640x64xf32, #tpu.memory_space<vmem_shared>>) dst(%dma_wait3A_33 : memref<640x64xf32, #tpu.memory_space<hbm>>)
      tpu.yield
    }) : () -> ()
    "tpu.region"() ({
      %run_scoped3A = tpu.sem_alloc : memref<!tpu.dma_semaphore, #tpu.memory_space<semaphore_mem>>
      %dma_start3A_21 = arith.constant 0 : i32
      %dma_start3A_22 = arith.constant 0 : i32
      %dma_start3A_23 = tpu.memref_slice %arg9[%arg0, %dma_start3A_21, %dma_start3A_22] : memref<2x10240x16xf32, #tpu.memory_space<hbm>> -> memref<1x10240x16xf32, #tpu.memory_space<hbm>>
      %dma_start3A_24 = tpu.memref_squeeze %dma_start3A_23 : memref<1x10240x16xf32, #tpu.memory_space<hbm>> -> memref<10240x16xf32, #tpu.memory_space<hbm>>
      %dma_start3A_25 = arith.constant 0 : i32
      %dma_start3A_26 = tpu.memref_slice %dma_start3A_24[%mul3A_2, %dma_start3A_25] : memref<10240x16xf32, #tpu.memory_space<hbm>> -> memref<640x16xf32, #tpu.memory_space<hbm>>
      %dma_start3A_27 = arith.constant 0 : i32
      %dma_start3A_28 = tpu.memref_slice %arg16[%mul3A_2, %dma_start3A_27] : memref<10240x16xf32, #tpu.memory_space<vmem_shared>> -> memref<640x16xf32, #tpu.memory_space<vmem_shared>>
      tpu.enqueue_dma source(%dma_start3A_28 : memref<640x16xf32, #tpu.memory_space<vmem_shared>>) target(%dma_start3A_26 : memref<640x16xf32, #tpu.memory_space<hbm>>) target_semaphore(%run_scoped3A : memref<!tpu.dma_semaphore, #tpu.memory_space<semaphore_mem>>)
      %dma_wait3A = arith.constant 0 : i32
      %dma_wait3A_29 = arith.constant 0 : i32
      %dma_wait3A_30 = tpu.memref_slice %arg9[%arg0, %dma_wait3A, %dma_wait3A_29] : memref<2x10240x16xf32, #tpu.memory_space<hbm>> -> memref<1x10240x16xf32, #tpu.memory_space<hbm>>
      %dma_wait3A_31 = tpu.memref_squeeze %dma_wait3A_30 : memref<1x10240x16xf32, #tpu.memory_space<hbm>> -> memref<10240x16xf32, #tpu.memory_space<hbm>>
      %dma_wait3A_32 = arith.constant 0 : i32
      %dma_wait3A_33 = tpu.memref_slice %dma_wait3A_31[%mul3A_2, %dma_wait3A_32] : memref<10240x16xf32, #tpu.memory_space<hbm>> -> memref<640x16xf32, #tpu.memory_space<hbm>>
      %dma_wait3A_34 = arith.constant 0 : i32
      %dma_wait3A_35 = tpu.memref_slice %arg16[%mul3A_2, %dma_wait3A_34] : memref<10240x16xf32, #tpu.memory_space<vmem_shared>> -> memref<640x16xf32, #tpu.memory_space<vmem_shared>>
      tpu.wait_dma2 semaphore(%run_scoped3A : memref<!tpu.dma_semaphore, #tpu.memory_space<semaphore_mem>>) src(%dma_wait3A_35 : memref<640x16xf32, #tpu.memory_space<vmem_shared>>) dst(%dma_wait3A_33 : memref<640x16xf32, #tpu.memory_space<hbm>>)
      tpu.yield
    }) : () -> ()
    return
  }
}

#map = affine_map<(d0, d1) -> (0, 0)>
#map1 = affine_map<(d0, d1) -> (0, 0, 0)>
module attributes {stable_mosaic.version = 14 : i64} {
  func.func @_seg_body(%arg0: i32, %arg1: i32, %arg2: memref<10000x64xf32, #tpu.memory_space<hbm>>, %arg3: memref<32x80x125xi32, #tpu.memory_space<hbm>>, %arg4: memref<32x80x125xi32, #tpu.memory_space<hbm>>, %arg5: memref<10240x64xf32, #tpu.memory_space<hbm>>, %arg6: memref<2x10240x64xf32, #tpu.memory_space<hbm>>, %arg7: memref<80x125xi32, #tpu.memory_space<vmem>>, %arg8: memref<80x125xi32, #tpu.memory_space<vmem>>, %arg9: memref<125x64xf32, #tpu.memory_space<vmem>>, %arg10: memref<125x64xf32, #tpu.memory_space<vmem>>, %arg11: memref<10240x64xf32, #tpu.memory_space<vmem_shared>>, %arg12: memref<!tpu.dma_semaphore, #tpu.memory_space<semaphore_mem>>, %arg13: memref<!tpu.dma_semaphore, #tpu.memory_space<semaphore_mem>>, %arg14: memref<!tpu.dma_semaphore, #tpu.memory_space<semaphore_mem>>, %arg15: memref<!tpu.dma_semaphore, #tpu.memory_space<semaphore_mem>>) attributes {dimension_semantics = [#tpu.dimension_semantics<core_parallel>, #tpu.dimension_semantics<subcore_parallel>], iteration_bounds = array<i64: 2, 16>, scalar_prefetch = 0 : i64, scratch_operands = 9 : i64, tpu.core_type = #tpu.core_type<sc_vector_subcore>, window_params = [{transform_indices = #map}, {transform_indices = #map1}, {transform_indices = #map1}, {transform_indices = #map}, {transform_indices = #map1}]} {
    %mul3A = arith.constant 2 : i32
    %mul3A_0 = arith.muli %arg1, %mul3A : i32
    %add3A = arith.addi %mul3A_0, %arg0 : i32
    %mul3A_1 = arith.constant 640 : i32
    %mul3A_2 = arith.muli %arg1, %mul3A_1 : i32
    %mul3A_3 = arith.constant 640 : i32
    %mul3A_4 = arith.muli %arg1, %mul3A_3 : i32
    "tpu.region"() ({
      %run_scoped3A = tpu.sem_alloc : memref<!tpu.dma_semaphore, #tpu.memory_space<semaphore_mem>>
      %dma_start3A_27 = arith.constant 0 : i32
      %dma_start3A_28 = tpu.memref_slice %arg11[%mul3A_4, %dma_start3A_27] : memref<10240x64xf32, #tpu.memory_space<vmem_shared>> -> memref<640x64xf32, #tpu.memory_space<vmem_shared>>
      %dma_start3A_29 = arith.constant 0 : i32
      %dma_start3A_30 = tpu.memref_slice %arg5[%mul3A_2, %dma_start3A_29] : memref<10240x64xf32, #tpu.memory_space<hbm>> -> memref<640x64xf32, #tpu.memory_space<hbm>>
      tpu.enqueue_dma source(%dma_start3A_30 : memref<640x64xf32, #tpu.memory_space<hbm>>) target(%dma_start3A_28 : memref<640x64xf32, #tpu.memory_space<vmem_shared>>) target_semaphore(%run_scoped3A : memref<!tpu.dma_semaphore, #tpu.memory_space<semaphore_mem>>)
      %dma_wait3A = arith.constant 0 : i32
      %dma_wait3A_31 = tpu.memref_slice %arg11[%mul3A_4, %dma_wait3A] : memref<10240x64xf32, #tpu.memory_space<vmem_shared>> -> memref<640x64xf32, #tpu.memory_space<vmem_shared>>
      %dma_wait3A_32 = arith.constant 0 : i32
      %dma_wait3A_33 = tpu.memref_slice %arg5[%mul3A_2, %dma_wait3A_32] : memref<10240x64xf32, #tpu.memory_space<hbm>> -> memref<640x64xf32, #tpu.memory_space<hbm>>
      tpu.wait_dma2 semaphore(%run_scoped3A : memref<!tpu.dma_semaphore, #tpu.memory_space<semaphore_mem>>) src(%dma_wait3A_33 : memref<640x64xf32, #tpu.memory_space<hbm>>) dst(%dma_wait3A_31 : memref<640x64xf32, #tpu.memory_space<vmem_shared>>)
      tpu.yield
    }) : () -> ()
    "tpu.region"() ({
      %run_scoped3A = tpu.sem_alloc : memref<!tpu.dma_semaphore, #tpu.memory_space<semaphore_mem>>
      %dma_start3A_27 = arith.constant 0 : i32
      %dma_start3A_28 = arith.constant 0 : i32
      %dma_start3A_29 = tpu.memref_slice %arg3[%add3A, %dma_start3A_27, %dma_start3A_28] : memref<32x80x125xi32, #tpu.memory_space<hbm>> -> memref<1x80x125xi32, #tpu.memory_space<hbm>>
      %dma_start3A_30 = tpu.memref_squeeze %dma_start3A_29 : memref<1x80x125xi32, #tpu.memory_space<hbm>> -> memref<80x125xi32, #tpu.memory_space<hbm>>
      %dma_start3A_31 = arith.constant 0 : i32
      %dma_start3A_32 = arith.constant 0 : i32
      %dma_start3A_33 = tpu.memref_slice %arg3[%add3A, %dma_start3A_31, %dma_start3A_32] : memref<32x80x125xi32, #tpu.memory_space<hbm>> -> memref<1x80x125xi32, #tpu.memory_space<hbm>>
      %dma_start3A_34 = tpu.memref_squeeze %dma_start3A_33 : memref<1x80x125xi32, #tpu.memory_space<hbm>> -> memref<80x125xi32, #tpu.memory_space<hbm>>
      tpu.enqueue_dma source(%dma_start3A_34 : memref<80x125xi32, #tpu.memory_space<hbm>>) target(%arg7 : memref<80x125xi32, #tpu.memory_space<vmem>>) target_semaphore(%run_scoped3A : memref<!tpu.dma_semaphore, #tpu.memory_space<semaphore_mem>>)
      %dma_wait3A = arith.constant 0 : i32
      %dma_wait3A_35 = arith.constant 0 : i32
      %dma_wait3A_36 = tpu.memref_slice %arg3[%add3A, %dma_wait3A, %dma_wait3A_35] : memref<32x80x125xi32, #tpu.memory_space<hbm>> -> memref<1x80x125xi32, #tpu.memory_space<hbm>>
      %dma_wait3A_37 = tpu.memref_squeeze %dma_wait3A_36 : memref<1x80x125xi32, #tpu.memory_space<hbm>> -> memref<80x125xi32, #tpu.memory_space<hbm>>
      %dma_wait3A_38 = arith.constant 0 : i32
      %dma_wait3A_39 = arith.constant 0 : i32
      %dma_wait3A_40 = tpu.memref_slice %arg3[%add3A, %dma_wait3A_38, %dma_wait3A_39] : memref<32x80x125xi32, #tpu.memory_space<hbm>> -> memref<1x80x125xi32, #tpu.memory_space<hbm>>
      %dma_wait3A_41 = tpu.memref_squeeze %dma_wait3A_40 : memref<1x80x125xi32, #tpu.memory_space<hbm>> -> memref<80x125xi32, #tpu.memory_space<hbm>>
      tpu.wait_dma2 semaphore(%run_scoped3A : memref<!tpu.dma_semaphore, #tpu.memory_space<semaphore_mem>>) src(%dma_wait3A_41 : memref<80x125xi32, #tpu.memory_space<hbm>>) dst(%arg7 : memref<80x125xi32, #tpu.memory_space<vmem>>)
      tpu.yield
    }) : () -> ()
    "tpu.region"() ({
      %run_scoped3A = tpu.sem_alloc : memref<!tpu.dma_semaphore, #tpu.memory_space<semaphore_mem>>
      %dma_start3A_27 = arith.constant 0 : i32
      %dma_start3A_28 = arith.constant 0 : i32
      %dma_start3A_29 = tpu.memref_slice %arg4[%add3A, %dma_start3A_27, %dma_start3A_28] : memref<32x80x125xi32, #tpu.memory_space<hbm>> -> memref<1x80x125xi32, #tpu.memory_space<hbm>>
      %dma_start3A_30 = tpu.memref_squeeze %dma_start3A_29 : memref<1x80x125xi32, #tpu.memory_space<hbm>> -> memref<80x125xi32, #tpu.memory_space<hbm>>
      %dma_start3A_31 = arith.constant 0 : i32
      %dma_start3A_32 = arith.constant 0 : i32
      %dma_start3A_33 = tpu.memref_slice %arg4[%add3A, %dma_start3A_31, %dma_start3A_32] : memref<32x80x125xi32, #tpu.memory_space<hbm>> -> memref<1x80x125xi32, #tpu.memory_space<hbm>>
      %dma_start3A_34 = tpu.memref_squeeze %dma_start3A_33 : memref<1x80x125xi32, #tpu.memory_space<hbm>> -> memref<80x125xi32, #tpu.memory_space<hbm>>
      tpu.enqueue_dma source(%dma_start3A_34 : memref<80x125xi32, #tpu.memory_space<hbm>>) target(%arg8 : memref<80x125xi32, #tpu.memory_space<vmem>>) target_semaphore(%run_scoped3A : memref<!tpu.dma_semaphore, #tpu.memory_space<semaphore_mem>>)
      %dma_wait3A = arith.constant 0 : i32
      %dma_wait3A_35 = arith.constant 0 : i32
      %dma_wait3A_36 = tpu.memref_slice %arg4[%add3A, %dma_wait3A, %dma_wait3A_35] : memref<32x80x125xi32, #tpu.memory_space<hbm>> -> memref<1x80x125xi32, #tpu.memory_space<hbm>>
      %dma_wait3A_37 = tpu.memref_squeeze %dma_wait3A_36 : memref<1x80x125xi32, #tpu.memory_space<hbm>> -> memref<80x125xi32, #tpu.memory_space<hbm>>
      %dma_wait3A_38 = arith.constant 0 : i32
      %dma_wait3A_39 = arith.constant 0 : i32
      %dma_wait3A_40 = tpu.memref_slice %arg4[%add3A, %dma_wait3A_38, %dma_wait3A_39] : memref<32x80x125xi32, #tpu.memory_space<hbm>> -> memref<1x80x125xi32, #tpu.memory_space<hbm>>
      %dma_wait3A_41 = tpu.memref_squeeze %dma_wait3A_40 : memref<1x80x125xi32, #tpu.memory_space<hbm>> -> memref<80x125xi32, #tpu.memory_space<hbm>>
      tpu.wait_dma2 semaphore(%run_scoped3A : memref<!tpu.dma_semaphore, #tpu.memory_space<semaphore_mem>>) src(%dma_wait3A_41 : memref<80x125xi32, #tpu.memory_space<hbm>>) dst(%arg8 : memref<80x125xi32, #tpu.memory_space<vmem>>)
      tpu.yield
    }) : () -> ()
    %barrier3A = arith.constant 0 : index
    tpu.barrier barrier_id(%barrier3A)
    %dma_start3A = arith.constant 0 : i32
    %dma_start3A_5 = arith.constant 0 : i32
    %dma_start3A_6 = tpu.memref_slice %arg7[%dma_start3A, %dma_start3A_5] : memref<80x125xi32, #tpu.memory_space<vmem>> -> memref<1x125xi32, #tpu.memory_space<vmem>>
    %dma_start3A_7 = tpu.memref_squeeze %dma_start3A_6 : memref<1x125xi32, #tpu.memory_space<vmem>> -> memref<125xi32, #tpu.memory_space<vmem>>
    %dma_start3A_8 = arith.constant 0 : i32
    %dma_start3A_9 = arith.constant 0 : i32
    %dma_start3A_10 = tpu.memref_slice %arg2[%dma_start3A_8, %dma_start3A_9] : memref<10000x64xf32, #tpu.memory_space<hbm>> -> memref<10000x64xf32, #tpu.memory_space<hbm>>
    tpu.enqueue_indirect_dma source(%dma_start3A_10 : memref<10000x64xf32, #tpu.memory_space<hbm>>) target(%arg9 : memref<125x64xf32, #tpu.memory_space<vmem>>) offsets(%dma_start3A_7 : memref<125xi32, #tpu.memory_space<vmem>>) semaphore(%arg12 : memref<!tpu.dma_semaphore, #tpu.memory_space<semaphore_mem>>)
    %dma_start3A_11 = arith.constant 1 : i32
    %dma_start3A_12 = arith.constant 0 : i32
    %dma_start3A_13 = tpu.memref_slice %arg7[%dma_start3A_11, %dma_start3A_12] : memref<80x125xi32, #tpu.memory_space<vmem>> -> memref<1x125xi32, #tpu.memory_space<vmem>>
    %dma_start3A_14 = tpu.memref_squeeze %dma_start3A_13 : memref<1x125xi32, #tpu.memory_space<vmem>> -> memref<125xi32, #tpu.memory_space<vmem>>
    %dma_start3A_15 = arith.constant 0 : i32
    %dma_start3A_16 = arith.constant 0 : i32
    %dma_start3A_17 = tpu.memref_slice %arg2[%dma_start3A_15, %dma_start3A_16] : memref<10000x64xf32, #tpu.memory_space<hbm>> -> memref<10000x64xf32, #tpu.memory_space<hbm>>
    tpu.enqueue_indirect_dma source(%dma_start3A_17 : memref<10000x64xf32, #tpu.memory_space<hbm>>) target(%arg10 : memref<125x64xf32, #tpu.memory_space<vmem>>) offsets(%dma_start3A_14 : memref<125xi32, #tpu.memory_space<vmem>>) semaphore(%arg13 : memref<!tpu.dma_semaphore, #tpu.memory_space<semaphore_mem>>)
    %scan3A = arith.constant 0 : i32
    %scan3A_18 = arith.constant 40 : i32
    %scan3A_19 = arith.addi %scan3A, %scan3A_18 : i32
    %scan3A_20 = arith.constant 1 : i32
    scf.for %scan3A_27 = %scan3A to %scan3A_19 step %scan3A_20  : i32 {
      %mul3A_28 = arith.constant 1 : i32
      %mul3A_29 = arith.muli %scan3A_27, %mul3A_28 : i32
      %add3A_30 = arith.constant 0 : i32
      %add3A_31 = arith.addi %add3A_30, %mul3A_29 : i32
      %mul3A_32 = arith.constant 2 : i32
      %mul3A_33 = arith.muli %mul3A_32, %add3A_31 : i32
      %dma_wait3A = arith.constant 0 : i32
      %dma_wait3A_34 = arith.constant 0 : i32
      %dma_wait3A_35 = tpu.memref_slice %arg7[%dma_wait3A, %dma_wait3A_34] : memref<80x125xi32, #tpu.memory_space<vmem>> -> memref<1x125xi32, #tpu.memory_space<vmem>>
      %dma_wait3A_36 = tpu.memref_squeeze %dma_wait3A_35 : memref<1x125xi32, #tpu.memory_space<vmem>> -> memref<125xi32, #tpu.memory_space<vmem>>
      %dma_wait3A_37 = arith.constant 0 : i32
      %dma_wait3A_38 = arith.constant 0 : i32
      %dma_wait3A_39 = tpu.memref_slice %arg2[%dma_wait3A_37, %dma_wait3A_38] : memref<10000x64xf32, #tpu.memory_space<hbm>> -> memref<10000x64xf32, #tpu.memory_space<hbm>>
      tpu.wait_indirect_dma semaphore(%arg12 : memref<!tpu.dma_semaphore, #tpu.memory_space<semaphore_mem>>) src(%dma_wait3A_39 : memref<10000x64xf32, #tpu.memory_space<hbm>>) dst(%arg9 : memref<125x64xf32, #tpu.memory_space<vmem>>)
      %dma_start3A_40 = arith.constant 0 : i32
      %dma_start3A_41 = tpu.memref_slice %arg8[%mul3A_33, %dma_start3A_40] : memref<80x125xi32, #tpu.memory_space<vmem>> -> memref<1x125xi32, #tpu.memory_space<vmem>>
      %dma_start3A_42 = tpu.memref_squeeze %dma_start3A_41 : memref<1x125xi32, #tpu.memory_space<vmem>> -> memref<125xi32, #tpu.memory_space<vmem>>
      %dma_start3A_43 = arith.constant 0 : i32
      %dma_start3A_44 = arith.constant 0 : i32
      %dma_start3A_45 = tpu.memref_slice %arg11[%dma_start3A_43, %dma_start3A_44] : memref<10240x64xf32, #tpu.memory_space<vmem_shared>> -> memref<10240x64xf32, #tpu.memory_space<vmem_shared>>
      tpu.enqueue_indirect_dma source(%arg9 : memref<125x64xf32, #tpu.memory_space<vmem>>) target(%dma_start3A_45 : memref<10240x64xf32, #tpu.memory_space<vmem_shared>>) offsets(%dma_start3A_42 : memref<125xi32, #tpu.memory_space<vmem>>) semaphore(%arg14 : memref<!tpu.dma_semaphore, #tpu.memory_space<semaphore_mem>>) {add = true}
      %dma_wait3A_46 = arith.constant 0 : i32
      %dma_wait3A_47 = arith.constant 0 : i32
      %dma_wait3A_48 = tpu.memref_slice %arg8[%dma_wait3A_46, %dma_wait3A_47] : memref<80x125xi32, #tpu.memory_space<vmem>> -> memref<1x125xi32, #tpu.memory_space<vmem>>
      %dma_wait3A_49 = tpu.memref_squeeze %dma_wait3A_48 : memref<1x125xi32, #tpu.memory_space<vmem>> -> memref<125xi32, #tpu.memory_space<vmem>>
      %dma_wait3A_50 = arith.constant 0 : i32
      %dma_wait3A_51 = arith.constant 0 : i32
      %dma_wait3A_52 = tpu.memref_slice %arg11[%dma_wait3A_50, %dma_wait3A_51] : memref<10240x64xf32, #tpu.memory_space<vmem_shared>> -> memref<10240x64xf32, #tpu.memory_space<vmem_shared>>
      tpu.wait_indirect_dma semaphore(%arg14 : memref<!tpu.dma_semaphore, #tpu.memory_space<semaphore_mem>>) src(%arg9 : memref<125x64xf32, #tpu.memory_space<vmem>>) dst(%dma_wait3A_52 : memref<10240x64xf32, #tpu.memory_space<vmem_shared>>)
      %add3A_53 = arith.constant 2 : i32
      %add3A_54 = arith.addi %mul3A_33, %add3A_53 : i32
      %lt3A = arith.constant 80 : i32
      %lt3A_55 = arith.cmpi slt, %add3A_54, %lt3A : i32
      %convert_element_type3A = arith.extui %lt3A_55 : i1 to i32
      %cond3A = arith.constant 0 : i32
      %cond3A_56 = arith.cmpi ne, %convert_element_type3A, %cond3A : i32
      scf.if %cond3A_56 {
        %add3A_86 = arith.constant 2 : i32
        %add3A_87 = arith.addi %mul3A_33, %add3A_86 : i32
        %dma_start3A_88 = arith.constant 0 : i32
        %dma_start3A_89 = tpu.memref_slice %arg7[%add3A_87, %dma_start3A_88] : memref<80x125xi32, #tpu.memory_space<vmem>> -> memref<1x125xi32, #tpu.memory_space<vmem>>
        %dma_start3A_90 = tpu.memref_squeeze %dma_start3A_89 : memref<1x125xi32, #tpu.memory_space<vmem>> -> memref<125xi32, #tpu.memory_space<vmem>>
        %dma_start3A_91 = arith.constant 0 : i32
        %dma_start3A_92 = arith.constant 0 : i32
        %dma_start3A_93 = tpu.memref_slice %arg2[%dma_start3A_91, %dma_start3A_92] : memref<10000x64xf32, #tpu.memory_space<hbm>> -> memref<10000x64xf32, #tpu.memory_space<hbm>>
        tpu.enqueue_indirect_dma source(%dma_start3A_93 : memref<10000x64xf32, #tpu.memory_space<hbm>>) target(%arg9 : memref<125x64xf32, #tpu.memory_space<vmem>>) offsets(%dma_start3A_90 : memref<125xi32, #tpu.memory_space<vmem>>) semaphore(%arg12 : memref<!tpu.dma_semaphore, #tpu.memory_space<semaphore_mem>>)
      } else {
      }
      %dma_wait3A_57 = arith.constant 0 : i32
      %dma_wait3A_58 = arith.constant 0 : i32
      %dma_wait3A_59 = tpu.memref_slice %arg7[%dma_wait3A_57, %dma_wait3A_58] : memref<80x125xi32, #tpu.memory_space<vmem>> -> memref<1x125xi32, #tpu.memory_space<vmem>>
      %dma_wait3A_60 = tpu.memref_squeeze %dma_wait3A_59 : memref<1x125xi32, #tpu.memory_space<vmem>> -> memref<125xi32, #tpu.memory_space<vmem>>
      %dma_wait3A_61 = arith.constant 0 : i32
      %dma_wait3A_62 = arith.constant 0 : i32
      %dma_wait3A_63 = tpu.memref_slice %arg2[%dma_wait3A_61, %dma_wait3A_62] : memref<10000x64xf32, #tpu.memory_space<hbm>> -> memref<10000x64xf32, #tpu.memory_space<hbm>>
      tpu.wait_indirect_dma semaphore(%arg13 : memref<!tpu.dma_semaphore, #tpu.memory_space<semaphore_mem>>) src(%dma_wait3A_63 : memref<10000x64xf32, #tpu.memory_space<hbm>>) dst(%arg10 : memref<125x64xf32, #tpu.memory_space<vmem>>)
      %add3A_64 = arith.constant 1 : i32
      %add3A_65 = arith.addi %mul3A_33, %add3A_64 : i32
      %dma_start3A_66 = arith.constant 0 : i32
      %dma_start3A_67 = tpu.memref_slice %arg8[%add3A_65, %dma_start3A_66] : memref<80x125xi32, #tpu.memory_space<vmem>> -> memref<1x125xi32, #tpu.memory_space<vmem>>
      %dma_start3A_68 = tpu.memref_squeeze %dma_start3A_67 : memref<1x125xi32, #tpu.memory_space<vmem>> -> memref<125xi32, #tpu.memory_space<vmem>>
      %dma_start3A_69 = arith.constant 0 : i32
      %dma_start3A_70 = arith.constant 0 : i32
      %dma_start3A_71 = tpu.memref_slice %arg11[%dma_start3A_69, %dma_start3A_70] : memref<10240x64xf32, #tpu.memory_space<vmem_shared>> -> memref<10240x64xf32, #tpu.memory_space<vmem_shared>>
      tpu.enqueue_indirect_dma source(%arg10 : memref<125x64xf32, #tpu.memory_space<vmem>>) target(%dma_start3A_71 : memref<10240x64xf32, #tpu.memory_space<vmem_shared>>) offsets(%dma_start3A_68 : memref<125xi32, #tpu.memory_space<vmem>>) semaphore(%arg15 : memref<!tpu.dma_semaphore, #tpu.memory_space<semaphore_mem>>) {add = true}
      %dma_wait3A_72 = arith.constant 0 : i32
      %dma_wait3A_73 = arith.constant 0 : i32
      %dma_wait3A_74 = tpu.memref_slice %arg8[%dma_wait3A_72, %dma_wait3A_73] : memref<80x125xi32, #tpu.memory_space<vmem>> -> memref<1x125xi32, #tpu.memory_space<vmem>>
      %dma_wait3A_75 = tpu.memref_squeeze %dma_wait3A_74 : memref<1x125xi32, #tpu.memory_space<vmem>> -> memref<125xi32, #tpu.memory_space<vmem>>
      %dma_wait3A_76 = arith.constant 0 : i32
      %dma_wait3A_77 = arith.constant 0 : i32
      %dma_wait3A_78 = tpu.memref_slice %arg11[%dma_wait3A_76, %dma_wait3A_77] : memref<10240x64xf32, #tpu.memory_space<vmem_shared>> -> memref<10240x64xf32, #tpu.memory_space<vmem_shared>>
      tpu.wait_indirect_dma semaphore(%arg15 : memref<!tpu.dma_semaphore, #tpu.memory_space<semaphore_mem>>) src(%arg10 : memref<125x64xf32, #tpu.memory_space<vmem>>) dst(%dma_wait3A_78 : memref<10240x64xf32, #tpu.memory_space<vmem_shared>>)
      %add3A_79 = arith.constant 3 : i32
      %add3A_80 = arith.addi %mul3A_33, %add3A_79 : i32
      %lt3A_81 = arith.constant 80 : i32
      %lt3A_82 = arith.cmpi slt, %add3A_80, %lt3A_81 : i32
      %convert_element_type3A_83 = arith.extui %lt3A_82 : i1 to i32
      %cond3A_84 = arith.constant 0 : i32
      %cond3A_85 = arith.cmpi ne, %convert_element_type3A_83, %cond3A_84 : i32
      scf.if %cond3A_85 {
        %add3A_86 = arith.constant 3 : i32
        %add3A_87 = arith.addi %mul3A_33, %add3A_86 : i32
        %dma_start3A_88 = arith.constant 0 : i32
        %dma_start3A_89 = tpu.memref_slice %arg7[%add3A_87, %dma_start3A_88] : memref<80x125xi32, #tpu.memory_space<vmem>> -> memref<1x125xi32, #tpu.memory_space<vmem>>
        %dma_start3A_90 = tpu.memref_squeeze %dma_start3A_89 : memref<1x125xi32, #tpu.memory_space<vmem>> -> memref<125xi32, #tpu.memory_space<vmem>>
        %dma_start3A_91 = arith.constant 0 : i32
        %dma_start3A_92 = arith.constant 0 : i32
        %dma_start3A_93 = tpu.memref_slice %arg2[%dma_start3A_91, %dma_start3A_92] : memref<10000x64xf32, #tpu.memory_space<hbm>> -> memref<10000x64xf32, #tpu.memory_space<hbm>>
        tpu.enqueue_indirect_dma source(%dma_start3A_93 : memref<10000x64xf32, #tpu.memory_space<hbm>>) target(%arg10 : memref<125x64xf32, #tpu.memory_space<vmem>>) offsets(%dma_start3A_90 : memref<125xi32, #tpu.memory_space<vmem>>) semaphore(%arg13 : memref<!tpu.dma_semaphore, #tpu.memory_space<semaphore_mem>>)
      } else {
      }
    }
    %scan3A_21 = arith.constant 40 : i32
    %barrier3A_22 = arith.constant 0 : index
    tpu.barrier barrier_id(%barrier3A_22)
    %mul3A_23 = arith.constant 640 : i32
    %mul3A_24 = arith.muli %arg1, %mul3A_23 : i32
    %mul3A_25 = arith.constant 640 : i32
    %mul3A_26 = arith.muli %arg1, %mul3A_25 : i32
    "tpu.region"() ({
      %run_scoped3A = tpu.sem_alloc : memref<!tpu.dma_semaphore, #tpu.memory_space<semaphore_mem>>
      %dma_start3A_27 = arith.constant 0 : i32
      %dma_start3A_28 = arith.constant 0 : i32
      %dma_start3A_29 = tpu.memref_slice %arg6[%arg0, %dma_start3A_27, %dma_start3A_28] : memref<2x10240x64xf32, #tpu.memory_space<hbm>> -> memref<1x10240x64xf32, #tpu.memory_space<hbm>>
      %dma_start3A_30 = tpu.memref_squeeze %dma_start3A_29 : memref<1x10240x64xf32, #tpu.memory_space<hbm>> -> memref<10240x64xf32, #tpu.memory_space<hbm>>
      %dma_start3A_31 = arith.constant 0 : i32
      %dma_start3A_32 = tpu.memref_slice %dma_start3A_30[%mul3A_26, %dma_start3A_31] : memref<10240x64xf32, #tpu.memory_space<hbm>> -> memref<640x64xf32, #tpu.memory_space<hbm>>
      %dma_start3A_33 = arith.constant 0 : i32
      %dma_start3A_34 = tpu.memref_slice %arg11[%mul3A_24, %dma_start3A_33] : memref<10240x64xf32, #tpu.memory_space<vmem_shared>> -> memref<640x64xf32, #tpu.memory_space<vmem_shared>>
      tpu.enqueue_dma source(%dma_start3A_34 : memref<640x64xf32, #tpu.memory_space<vmem_shared>>) target(%dma_start3A_32 : memref<640x64xf32, #tpu.memory_space<hbm>>) target_semaphore(%run_scoped3A : memref<!tpu.dma_semaphore, #tpu.memory_space<semaphore_mem>>)
      %dma_wait3A = arith.constant 0 : i32
      %dma_wait3A_35 = arith.constant 0 : i32
      %dma_wait3A_36 = tpu.memref_slice %arg6[%arg0, %dma_wait3A, %dma_wait3A_35] : memref<2x10240x64xf32, #tpu.memory_space<hbm>> -> memref<1x10240x64xf32, #tpu.memory_space<hbm>>
      %dma_wait3A_37 = tpu.memref_squeeze %dma_wait3A_36 : memref<1x10240x64xf32, #tpu.memory_space<hbm>> -> memref<10240x64xf32, #tpu.memory_space<hbm>>
      %dma_wait3A_38 = arith.constant 0 : i32
      %dma_wait3A_39 = tpu.memref_slice %dma_wait3A_37[%mul3A_26, %dma_wait3A_38] : memref<10240x64xf32, #tpu.memory_space<hbm>> -> memref<640x64xf32, #tpu.memory_space<hbm>>
      %dma_wait3A_40 = arith.constant 0 : i32
      %dma_wait3A_41 = tpu.memref_slice %arg11[%mul3A_24, %dma_wait3A_40] : memref<10240x64xf32, #tpu.memory_space<vmem_shared>> -> memref<640x64xf32, #tpu.memory_space<vmem_shared>>
      tpu.wait_dma2 semaphore(%run_scoped3A : memref<!tpu.dma_semaphore, #tpu.memory_space<semaphore_mem>>) src(%dma_wait3A_41 : memref<640x64xf32, #tpu.memory_space<vmem_shared>>) dst(%dma_wait3A_39 : memref<640x64xf32, #tpu.memory_space<hbm>>)
      tpu.yield
    }) : () -> ()
    return
  }
}

#map = affine_map<(d0, d1) -> (0, 0)>
#map1 = affine_map<(d0, d1) -> (0, 0, 0)>
module attributes {stable_mosaic.version = 14 : i64} {
  func.func @_seg_body(%arg0: i32, %arg1: i32, %arg2: memref<10000x64xf32, #tpu.memory_space<hbm>>, %arg3: memref<32x80x125xi32, #tpu.memory_space<hbm>>, %arg4: memref<32x80x125xi32, #tpu.memory_space<hbm>>, %arg5: memref<10240x64xf32, #tpu.memory_space<hbm>>, %arg6: memref<2x10240x64xf32, #tpu.memory_space<hbm>>, %arg7: memref<80x125xi32, #tpu.memory_space<vmem>>, %arg8: memref<80x125xi32, #tpu.memory_space<vmem>>, %arg9: memref<125x64xf32, #tpu.memory_space<vmem>>, %arg10: memref<125x64xf32, #tpu.memory_space<vmem>>, %arg11: memref<10240x64xf32, #tpu.memory_space<vmem_shared>>, %arg12: memref<!tpu.dma_semaphore, #tpu.memory_space<semaphore_mem>>, %arg13: memref<!tpu.dma_semaphore, #tpu.memory_space<semaphore_mem>>, %arg14: memref<!tpu.dma_semaphore, #tpu.memory_space<semaphore_mem>>, %arg15: memref<!tpu.dma_semaphore, #tpu.memory_space<semaphore_mem>>) attributes {dimension_semantics = [#tpu.dimension_semantics<core_parallel>, #tpu.dimension_semantics<subcore_parallel>], iteration_bounds = array<i64: 2, 16>, scalar_prefetch = 0 : i64, scratch_operands = 9 : i64, tpu.core_type = #tpu.core_type<sc_vector_subcore>, window_params = [{transform_indices = #map}, {transform_indices = #map1}, {transform_indices = #map1}, {transform_indices = #map}, {transform_indices = #map1}]} {
    %mul3A = arith.constant 2 : i32
    %mul3A_0 = arith.muli %arg1, %mul3A : i32
    %add3A = arith.addi %mul3A_0, %arg0 : i32
    %mul3A_1 = arith.constant 640 : i32
    %mul3A_2 = arith.muli %arg1, %mul3A_1 : i32
    %mul3A_3 = arith.constant 640 : i32
    %mul3A_4 = arith.muli %arg1, %mul3A_3 : i32
    "tpu.region"() ({
      %run_scoped3A = tpu.sem_alloc : memref<!tpu.dma_semaphore, #tpu.memory_space<semaphore_mem>>
      %dma_start3A_27 = arith.constant 0 : i32
      %dma_start3A_28 = tpu.memref_slice %arg11[%mul3A_4, %dma_start3A_27] : memref<10240x64xf32, #tpu.memory_space<vmem_shared>> -> memref<640x64xf32, #tpu.memory_space<vmem_shared>>
      %dma_start3A_29 = arith.constant 0 : i32
      %dma_start3A_30 = tpu.memref_slice %arg5[%mul3A_2, %dma_start3A_29] : memref<10240x64xf32, #tpu.memory_space<hbm>> -> memref<640x64xf32, #tpu.memory_space<hbm>>
      tpu.enqueue_dma source(%dma_start3A_30 : memref<640x64xf32, #tpu.memory_space<hbm>>) target(%dma_start3A_28 : memref<640x64xf32, #tpu.memory_space<vmem_shared>>) target_semaphore(%run_scoped3A : memref<!tpu.dma_semaphore, #tpu.memory_space<semaphore_mem>>)
      %dma_wait3A = arith.constant 0 : i32
      %dma_wait3A_31 = tpu.memref_slice %arg11[%mul3A_4, %dma_wait3A] : memref<10240x64xf32, #tpu.memory_space<vmem_shared>> -> memref<640x64xf32, #tpu.memory_space<vmem_shared>>
      %dma_wait3A_32 = arith.constant 0 : i32
      %dma_wait3A_33 = tpu.memref_slice %arg5[%mul3A_2, %dma_wait3A_32] : memref<10240x64xf32, #tpu.memory_space<hbm>> -> memref<640x64xf32, #tpu.memory_space<hbm>>
      tpu.wait_dma2 semaphore(%run_scoped3A : memref<!tpu.dma_semaphore, #tpu.memory_space<semaphore_mem>>) src(%dma_wait3A_33 : memref<640x64xf32, #tpu.memory_space<hbm>>) dst(%dma_wait3A_31 : memref<640x64xf32, #tpu.memory_space<vmem_shared>>)
      tpu.yield
    }) : () -> ()
    "tpu.region"() ({
      %run_scoped3A = tpu.sem_alloc : memref<!tpu.dma_semaphore, #tpu.memory_space<semaphore_mem>>
      %dma_start3A_27 = arith.constant 0 : i32
      %dma_start3A_28 = arith.constant 0 : i32
      %dma_start3A_29 = tpu.memref_slice %arg3[%add3A, %dma_start3A_27, %dma_start3A_28] : memref<32x80x125xi32, #tpu.memory_space<hbm>> -> memref<1x80x125xi32, #tpu.memory_space<hbm>>
      %dma_start3A_30 = tpu.memref_squeeze %dma_start3A_29 : memref<1x80x125xi32, #tpu.memory_space<hbm>> -> memref<80x125xi32, #tpu.memory_space<hbm>>
      %dma_start3A_31 = arith.constant 0 : i32
      %dma_start3A_32 = arith.constant 0 : i32
      %dma_start3A_33 = tpu.memref_slice %arg3[%add3A, %dma_start3A_31, %dma_start3A_32] : memref<32x80x125xi32, #tpu.memory_space<hbm>> -> memref<1x80x125xi32, #tpu.memory_space<hbm>>
      %dma_start3A_34 = tpu.memref_squeeze %dma_start3A_33 : memref<1x80x125xi32, #tpu.memory_space<hbm>> -> memref<80x125xi32, #tpu.memory_space<hbm>>
      tpu.enqueue_dma source(%dma_start3A_34 : memref<80x125xi32, #tpu.memory_space<hbm>>) target(%arg7 : memref<80x125xi32, #tpu.memory_space<vmem>>) target_semaphore(%run_scoped3A : memref<!tpu.dma_semaphore, #tpu.memory_space<semaphore_mem>>)
      %dma_wait3A = arith.constant 0 : i32
      %dma_wait3A_35 = arith.constant 0 : i32
      %dma_wait3A_36 = tpu.memref_slice %arg3[%add3A, %dma_wait3A, %dma_wait3A_35] : memref<32x80x125xi32, #tpu.memory_space<hbm>> -> memref<1x80x125xi32, #tpu.memory_space<hbm>>
      %dma_wait3A_37 = tpu.memref_squeeze %dma_wait3A_36 : memref<1x80x125xi32, #tpu.memory_space<hbm>> -> memref<80x125xi32, #tpu.memory_space<hbm>>
      %dma_wait3A_38 = arith.constant 0 : i32
      %dma_wait3A_39 = arith.constant 0 : i32
      %dma_wait3A_40 = tpu.memref_slice %arg3[%add3A, %dma_wait3A_38, %dma_wait3A_39] : memref<32x80x125xi32, #tpu.memory_space<hbm>> -> memref<1x80x125xi32, #tpu.memory_space<hbm>>
      %dma_wait3A_41 = tpu.memref_squeeze %dma_wait3A_40 : memref<1x80x125xi32, #tpu.memory_space<hbm>> -> memref<80x125xi32, #tpu.memory_space<hbm>>
      tpu.wait_dma2 semaphore(%run_scoped3A : memref<!tpu.dma_semaphore, #tpu.memory_space<semaphore_mem>>) src(%dma_wait3A_41 : memref<80x125xi32, #tpu.memory_space<hbm>>) dst(%arg7 : memref<80x125xi32, #tpu.memory_space<vmem>>)
      tpu.yield
    }) : () -> ()
    "tpu.region"() ({
      %run_scoped3A = tpu.sem_alloc : memref<!tpu.dma_semaphore, #tpu.memory_space<semaphore_mem>>
      %dma_start3A_27 = arith.constant 0 : i32
      %dma_start3A_28 = arith.constant 0 : i32
      %dma_start3A_29 = tpu.memref_slice %arg4[%add3A, %dma_start3A_27, %dma_start3A_28] : memref<32x80x125xi32, #tpu.memory_space<hbm>> -> memref<1x80x125xi32, #tpu.memory_space<hbm>>
      %dma_start3A_30 = tpu.memref_squeeze %dma_start3A_29 : memref<1x80x125xi32, #tpu.memory_space<hbm>> -> memref<80x125xi32, #tpu.memory_space<hbm>>
      %dma_start3A_31 = arith.constant 0 : i32
      %dma_start3A_32 = arith.constant 0 : i32
      %dma_start3A_33 = tpu.memref_slice %arg4[%add3A, %dma_start3A_31, %dma_start3A_32] : memref<32x80x125xi32, #tpu.memory_space<hbm>> -> memref<1x80x125xi32, #tpu.memory_space<hbm>>
      %dma_start3A_34 = tpu.memref_squeeze %dma_start3A_33 : memref<1x80x125xi32, #tpu.memory_space<hbm>> -> memref<80x125xi32, #tpu.memory_space<hbm>>
      tpu.enqueue_dma source(%dma_start3A_34 : memref<80x125xi32, #tpu.memory_space<hbm>>) target(%arg8 : memref<80x125xi32, #tpu.memory_space<vmem>>) target_semaphore(%run_scoped3A : memref<!tpu.dma_semaphore, #tpu.memory_space<semaphore_mem>>)
      %dma_wait3A = arith.constant 0 : i32
      %dma_wait3A_35 = arith.constant 0 : i32
      %dma_wait3A_36 = tpu.memref_slice %arg4[%add3A, %dma_wait3A, %dma_wait3A_35] : memref<32x80x125xi32, #tpu.memory_space<hbm>> -> memref<1x80x125xi32, #tpu.memory_space<hbm>>
      %dma_wait3A_37 = tpu.memref_squeeze %dma_wait3A_36 : memref<1x80x125xi32, #tpu.memory_space<hbm>> -> memref<80x125xi32, #tpu.memory_space<hbm>>
      %dma_wait3A_38 = arith.constant 0 : i32
      %dma_wait3A_39 = arith.constant 0 : i32
      %dma_wait3A_40 = tpu.memref_slice %arg4[%add3A, %dma_wait3A_38, %dma_wait3A_39] : memref<32x80x125xi32, #tpu.memory_space<hbm>> -> memref<1x80x125xi32, #tpu.memory_space<hbm>>
      %dma_wait3A_41 = tpu.memref_squeeze %dma_wait3A_40 : memref<1x80x125xi32, #tpu.memory_space<hbm>> -> memref<80x125xi32, #tpu.memory_space<hbm>>
      tpu.wait_dma2 semaphore(%run_scoped3A : memref<!tpu.dma_semaphore, #tpu.memory_space<semaphore_mem>>) src(%dma_wait3A_41 : memref<80x125xi32, #tpu.memory_space<hbm>>) dst(%arg8 : memref<80x125xi32, #tpu.memory_space<vmem>>)
      tpu.yield
    }) : () -> ()
    %barrier3A = arith.constant 0 : index
    tpu.barrier barrier_id(%barrier3A)
    %dma_start3A = arith.constant 0 : i32
    %dma_start3A_5 = arith.constant 0 : i32
    %dma_start3A_6 = tpu.memref_slice %arg7[%dma_start3A, %dma_start3A_5] : memref<80x125xi32, #tpu.memory_space<vmem>> -> memref<1x125xi32, #tpu.memory_space<vmem>>
    %dma_start3A_7 = tpu.memref_squeeze %dma_start3A_6 : memref<1x125xi32, #tpu.memory_space<vmem>> -> memref<125xi32, #tpu.memory_space<vmem>>
    %dma_start3A_8 = arith.constant 0 : i32
    %dma_start3A_9 = arith.constant 0 : i32
    %dma_start3A_10 = tpu.memref_slice %arg2[%dma_start3A_8, %dma_start3A_9] : memref<10000x64xf32, #tpu.memory_space<hbm>> -> memref<10000x64xf32, #tpu.memory_space<hbm>>
    tpu.enqueue_indirect_dma source(%dma_start3A_10 : memref<10000x64xf32, #tpu.memory_space<hbm>>) target(%arg9 : memref<125x64xf32, #tpu.memory_space<vmem>>) offsets(%dma_start3A_7 : memref<125xi32, #tpu.memory_space<vmem>>) semaphore(%arg12 : memref<!tpu.dma_semaphore, #tpu.memory_space<semaphore_mem>>)
    %dma_start3A_11 = arith.constant 1 : i32
    %dma_start3A_12 = arith.constant 0 : i32
    %dma_start3A_13 = tpu.memref_slice %arg7[%dma_start3A_11, %dma_start3A_12] : memref<80x125xi32, #tpu.memory_space<vmem>> -> memref<1x125xi32, #tpu.memory_space<vmem>>
    %dma_start3A_14 = tpu.memref_squeeze %dma_start3A_13 : memref<1x125xi32, #tpu.memory_space<vmem>> -> memref<125xi32, #tpu.memory_space<vmem>>
    %dma_start3A_15 = arith.constant 0 : i32
    %dma_start3A_16 = arith.constant 0 : i32
    %dma_start3A_17 = tpu.memref_slice %arg2[%dma_start3A_15, %dma_start3A_16] : memref<10000x64xf32, #tpu.memory_space<hbm>> -> memref<10000x64xf32, #tpu.memory_space<hbm>>
    tpu.enqueue_indirect_dma source(%dma_start3A_17 : memref<10000x64xf32, #tpu.memory_space<hbm>>) target(%arg10 : memref<125x64xf32, #tpu.memory_space<vmem>>) offsets(%dma_start3A_14 : memref<125xi32, #tpu.memory_space<vmem>>) semaphore(%arg13 : memref<!tpu.dma_semaphore, #tpu.memory_space<semaphore_mem>>)
    %scan3A = arith.constant 0 : i32
    %scan3A_18 = arith.constant 40 : i32
    %scan3A_19 = arith.addi %scan3A, %scan3A_18 : i32
    %scan3A_20 = arith.constant 1 : i32
    scf.for %scan3A_27 = %scan3A to %scan3A_19 step %scan3A_20  : i32 {
      %mul3A_28 = arith.constant 1 : i32
      %mul3A_29 = arith.muli %scan3A_27, %mul3A_28 : i32
      %add3A_30 = arith.constant 0 : i32
      %add3A_31 = arith.addi %add3A_30, %mul3A_29 : i32
      %mul3A_32 = arith.constant 2 : i32
      %mul3A_33 = arith.muli %mul3A_32, %add3A_31 : i32
      %dma_wait3A = arith.constant 0 : i32
      %dma_wait3A_34 = arith.constant 0 : i32
      %dma_wait3A_35 = tpu.memref_slice %arg7[%dma_wait3A, %dma_wait3A_34] : memref<80x125xi32, #tpu.memory_space<vmem>> -> memref<1x125xi32, #tpu.memory_space<vmem>>
      %dma_wait3A_36 = tpu.memref_squeeze %dma_wait3A_35 : memref<1x125xi32, #tpu.memory_space<vmem>> -> memref<125xi32, #tpu.memory_space<vmem>>
      %dma_wait3A_37 = arith.constant 0 : i32
      %dma_wait3A_38 = arith.constant 0 : i32
      %dma_wait3A_39 = tpu.memref_slice %arg2[%dma_wait3A_37, %dma_wait3A_38] : memref<10000x64xf32, #tpu.memory_space<hbm>> -> memref<10000x64xf32, #tpu.memory_space<hbm>>
      tpu.wait_indirect_dma semaphore(%arg12 : memref<!tpu.dma_semaphore, #tpu.memory_space<semaphore_mem>>) src(%dma_wait3A_39 : memref<10000x64xf32, #tpu.memory_space<hbm>>) dst(%arg9 : memref<125x64xf32, #tpu.memory_space<vmem>>)
      %dma_start3A_40 = arith.constant 0 : i32
      %dma_start3A_41 = tpu.memref_slice %arg8[%mul3A_33, %dma_start3A_40] : memref<80x125xi32, #tpu.memory_space<vmem>> -> memref<1x125xi32, #tpu.memory_space<vmem>>
      %dma_start3A_42 = tpu.memref_squeeze %dma_start3A_41 : memref<1x125xi32, #tpu.memory_space<vmem>> -> memref<125xi32, #tpu.memory_space<vmem>>
      %dma_start3A_43 = arith.constant 0 : i32
      %dma_start3A_44 = arith.constant 0 : i32
      %dma_start3A_45 = tpu.memref_slice %arg11[%dma_start3A_43, %dma_start3A_44] : memref<10240x64xf32, #tpu.memory_space<vmem_shared>> -> memref<10240x64xf32, #tpu.memory_space<vmem_shared>>
      tpu.enqueue_indirect_dma source(%arg9 : memref<125x64xf32, #tpu.memory_space<vmem>>) target(%dma_start3A_45 : memref<10240x64xf32, #tpu.memory_space<vmem_shared>>) offsets(%dma_start3A_42 : memref<125xi32, #tpu.memory_space<vmem>>) semaphore(%arg14 : memref<!tpu.dma_semaphore, #tpu.memory_space<semaphore_mem>>) {add = true}
      %dma_wait3A_46 = arith.constant 0 : i32
      %dma_wait3A_47 = arith.constant 0 : i32
      %dma_wait3A_48 = tpu.memref_slice %arg8[%dma_wait3A_46, %dma_wait3A_47] : memref<80x125xi32, #tpu.memory_space<vmem>> -> memref<1x125xi32, #tpu.memory_space<vmem>>
      %dma_wait3A_49 = tpu.memref_squeeze %dma_wait3A_48 : memref<1x125xi32, #tpu.memory_space<vmem>> -> memref<125xi32, #tpu.memory_space<vmem>>
      %dma_wait3A_50 = arith.constant 0 : i32
      %dma_wait3A_51 = arith.constant 0 : i32
      %dma_wait3A_52 = tpu.memref_slice %arg11[%dma_wait3A_50, %dma_wait3A_51] : memref<10240x64xf32, #tpu.memory_space<vmem_shared>> -> memref<10240x64xf32, #tpu.memory_space<vmem_shared>>
      tpu.wait_indirect_dma semaphore(%arg14 : memref<!tpu.dma_semaphore, #tpu.memory_space<semaphore_mem>>) src(%arg9 : memref<125x64xf32, #tpu.memory_space<vmem>>) dst(%dma_wait3A_52 : memref<10240x64xf32, #tpu.memory_space<vmem_shared>>)
      %add3A_53 = arith.constant 2 : i32
      %add3A_54 = arith.addi %mul3A_33, %add3A_53 : i32
      %lt3A = arith.constant 80 : i32
      %lt3A_55 = arith.cmpi slt, %add3A_54, %lt3A : i32
      %convert_element_type3A = arith.extui %lt3A_55 : i1 to i32
      %cond3A = arith.constant 0 : i32
      %cond3A_56 = arith.cmpi ne, %convert_element_type3A, %cond3A : i32
      scf.if %cond3A_56 {
        %add3A_86 = arith.constant 2 : i32
        %add3A_87 = arith.addi %mul3A_33, %add3A_86 : i32
        %dma_start3A_88 = arith.constant 0 : i32
        %dma_start3A_89 = tpu.memref_slice %arg7[%add3A_87, %dma_start3A_88] : memref<80x125xi32, #tpu.memory_space<vmem>> -> memref<1x125xi32, #tpu.memory_space<vmem>>
        %dma_start3A_90 = tpu.memref_squeeze %dma_start3A_89 : memref<1x125xi32, #tpu.memory_space<vmem>> -> memref<125xi32, #tpu.memory_space<vmem>>
        %dma_start3A_91 = arith.constant 0 : i32
        %dma_start3A_92 = arith.constant 0 : i32
        %dma_start3A_93 = tpu.memref_slice %arg2[%dma_start3A_91, %dma_start3A_92] : memref<10000x64xf32, #tpu.memory_space<hbm>> -> memref<10000x64xf32, #tpu.memory_space<hbm>>
        tpu.enqueue_indirect_dma source(%dma_start3A_93 : memref<10000x64xf32, #tpu.memory_space<hbm>>) target(%arg9 : memref<125x64xf32, #tpu.memory_space<vmem>>) offsets(%dma_start3A_90 : memref<125xi32, #tpu.memory_space<vmem>>) semaphore(%arg12 : memref<!tpu.dma_semaphore, #tpu.memory_space<semaphore_mem>>)
      } else {
      }
      %dma_wait3A_57 = arith.constant 0 : i32
      %dma_wait3A_58 = arith.constant 0 : i32
      %dma_wait3A_59 = tpu.memref_slice %arg7[%dma_wait3A_57, %dma_wait3A_58] : memref<80x125xi32, #tpu.memory_space<vmem>> -> memref<1x125xi32, #tpu.memory_space<vmem>>
      %dma_wait3A_60 = tpu.memref_squeeze %dma_wait3A_59 : memref<1x125xi32, #tpu.memory_space<vmem>> -> memref<125xi32, #tpu.memory_space<vmem>>
      %dma_wait3A_61 = arith.constant 0 : i32
      %dma_wait3A_62 = arith.constant 0 : i32
      %dma_wait3A_63 = tpu.memref_slice %arg2[%dma_wait3A_61, %dma_wait3A_62] : memref<10000x64xf32, #tpu.memory_space<hbm>> -> memref<10000x64xf32, #tpu.memory_space<hbm>>
      tpu.wait_indirect_dma semaphore(%arg13 : memref<!tpu.dma_semaphore, #tpu.memory_space<semaphore_mem>>) src(%dma_wait3A_63 : memref<10000x64xf32, #tpu.memory_space<hbm>>) dst(%arg10 : memref<125x64xf32, #tpu.memory_space<vmem>>)
      %add3A_64 = arith.constant 1 : i32
      %add3A_65 = arith.addi %mul3A_33, %add3A_64 : i32
      %dma_start3A_66 = arith.constant 0 : i32
      %dma_start3A_67 = tpu.memref_slice %arg8[%add3A_65, %dma_start3A_66] : memref<80x125xi32, #tpu.memory_space<vmem>> -> memref<1x125xi32, #tpu.memory_space<vmem>>
      %dma_start3A_68 = tpu.memref_squeeze %dma_start3A_67 : memref<1x125xi32, #tpu.memory_space<vmem>> -> memref<125xi32, #tpu.memory_space<vmem>>
      %dma_start3A_69 = arith.constant 0 : i32
      %dma_start3A_70 = arith.constant 0 : i32
      %dma_start3A_71 = tpu.memref_slice %arg11[%dma_start3A_69, %dma_start3A_70] : memref<10240x64xf32, #tpu.memory_space<vmem_shared>> -> memref<10240x64xf32, #tpu.memory_space<vmem_shared>>
      tpu.enqueue_indirect_dma source(%arg10 : memref<125x64xf32, #tpu.memory_space<vmem>>) target(%dma_start3A_71 : memref<10240x64xf32, #tpu.memory_space<vmem_shared>>) offsets(%dma_start3A_68 : memref<125xi32, #tpu.memory_space<vmem>>) semaphore(%arg15 : memref<!tpu.dma_semaphore, #tpu.memory_space<semaphore_mem>>) {add = true}
      %dma_wait3A_72 = arith.constant 0 : i32
      %dma_wait3A_73 = arith.constant 0 : i32
      %dma_wait3A_74 = tpu.memref_slice %arg8[%dma_wait3A_72, %dma_wait3A_73] : memref<80x125xi32, #tpu.memory_space<vmem>> -> memref<1x125xi32, #tpu.memory_space<vmem>>
      %dma_wait3A_75 = tpu.memref_squeeze %dma_wait3A_74 : memref<1x125xi32, #tpu.memory_space<vmem>> -> memref<125xi32, #tpu.memory_space<vmem>>
      %dma_wait3A_76 = arith.constant 0 : i32
      %dma_wait3A_77 = arith.constant 0 : i32
      %dma_wait3A_78 = tpu.memref_slice %arg11[%dma_wait3A_76, %dma_wait3A_77] : memref<10240x64xf32, #tpu.memory_space<vmem_shared>> -> memref<10240x64xf32, #tpu.memory_space<vmem_shared>>
      tpu.wait_indirect_dma semaphore(%arg15 : memref<!tpu.dma_semaphore, #tpu.memory_space<semaphore_mem>>) src(%arg10 : memref<125x64xf32, #tpu.memory_space<vmem>>) dst(%dma_wait3A_78 : memref<10240x64xf32, #tpu.memory_space<vmem_shared>>)
      %add3A_79 = arith.constant 3 : i32
      %add3A_80 = arith.addi %mul3A_33, %add3A_79 : i32
      %lt3A_81 = arith.constant 80 : i32
      %lt3A_82 = arith.cmpi slt, %add3A_80, %lt3A_81 : i32
      %convert_element_type3A_83 = arith.extui %lt3A_82 : i1 to i32
      %cond3A_84 = arith.constant 0 : i32
      %cond3A_85 = arith.cmpi ne, %convert_element_type3A_83, %cond3A_84 : i32
      scf.if %cond3A_85 {
        %add3A_86 = arith.constant 3 : i32
        %add3A_87 = arith.addi %mul3A_33, %add3A_86 : i32
        %dma_start3A_88 = arith.constant 0 : i32
        %dma_start3A_89 = tpu.memref_slice %arg7[%add3A_87, %dma_start3A_88] : memref<80x125xi32, #tpu.memory_space<vmem>> -> memref<1x125xi32, #tpu.memory_space<vmem>>
        %dma_start3A_90 = tpu.memref_squeeze %dma_start3A_89 : memref<1x125xi32, #tpu.memory_space<vmem>> -> memref<125xi32, #tpu.memory_space<vmem>>
        %dma_start3A_91 = arith.constant 0 : i32
        %dma_start3A_92 = arith.constant 0 : i32
        %dma_start3A_93 = tpu.memref_slice %arg2[%dma_start3A_91, %dma_start3A_92] : memref<10000x64xf32, #tpu.memory_space<hbm>> -> memref<10000x64xf32, #tpu.memory_space<hbm>>
        tpu.enqueue_indirect_dma source(%dma_start3A_93 : memref<10000x64xf32, #tpu.memory_space<hbm>>) target(%arg10 : memref<125x64xf32, #tpu.memory_space<vmem>>) offsets(%dma_start3A_90 : memref<125xi32, #tpu.memory_space<vmem>>) semaphore(%arg13 : memref<!tpu.dma_semaphore, #tpu.memory_space<semaphore_mem>>)
      } else {
      }
    }
    %scan3A_21 = arith.constant 40 : i32
    %barrier3A_22 = arith.constant 0 : index
    tpu.barrier barrier_id(%barrier3A_22)
    %mul3A_23 = arith.constant 640 : i32
    %mul3A_24 = arith.muli %arg1, %mul3A_23 : i32
    %mul3A_25 = arith.constant 640 : i32
    %mul3A_26 = arith.muli %arg1, %mul3A_25 : i32
    "tpu.region"() ({
      %run_scoped3A = tpu.sem_alloc : memref<!tpu.dma_semaphore, #tpu.memory_space<semaphore_mem>>
      %dma_start3A_27 = arith.constant 0 : i32
      %dma_start3A_28 = arith.constant 0 : i32
      %dma_start3A_29 = tpu.memref_slice %arg6[%arg0, %dma_start3A_27, %dma_start3A_28] : memref<2x10240x64xf32, #tpu.memory_space<hbm>> -> memref<1x10240x64xf32, #tpu.memory_space<hbm>>
      %dma_start3A_30 = tpu.memref_squeeze %dma_start3A_29 : memref<1x10240x64xf32, #tpu.memory_space<hbm>> -> memref<10240x64xf32, #tpu.memory_space<hbm>>
      %dma_start3A_31 = arith.constant 0 : i32
      %dma_start3A_32 = tpu.memref_slice %dma_start3A_30[%mul3A_26, %dma_start3A_31] : memref<10240x64xf32, #tpu.memory_space<hbm>> -> memref<640x64xf32, #tpu.memory_space<hbm>>
      %dma_start3A_33 = arith.constant 0 : i32
      %dma_start3A_34 = tpu.memref_slice %arg11[%mul3A_24, %dma_start3A_33] : memref<10240x64xf32, #tpu.memory_space<vmem_shared>> -> memref<640x64xf32, #tpu.memory_space<vmem_shared>>
      tpu.enqueue_dma source(%dma_start3A_34 : memref<640x64xf32, #tpu.memory_space<vmem_shared>>) target(%dma_start3A_32 : memref<640x64xf32, #tpu.memory_space<hbm>>) target_semaphore(%run_scoped3A : memref<!tpu.dma_semaphore, #tpu.memory_space<semaphore_mem>>)
      %dma_wait3A = arith.constant 0 : i32
      %dma_wait3A_35 = arith.constant 0 : i32
      %dma_wait3A_36 = tpu.memref_slice %arg6[%arg0, %dma_wait3A, %dma_wait3A_35] : memref<2x10240x64xf32, #tpu.memory_space<hbm>> -> memref<1x10240x64xf32, #tpu.memory_space<hbm>>
      %dma_wait3A_37 = tpu.memref_squeeze %dma_wait3A_36 : memref<1x10240x64xf32, #tpu.memory_space<hbm>> -> memref<10240x64xf32, #tpu.memory_space<hbm>>
      %dma_wait3A_38 = arith.constant 0 : i32
      %dma_wait3A_39 = tpu.memref_slice %dma_wait3A_37[%mul3A_26, %dma_wait3A_38] : memref<10240x64xf32, #tpu.memory_space<hbm>> -> memref<640x64xf32, #tpu.memory_space<hbm>>
      %dma_wait3A_40 = arith.constant 0 : i32
      %dma_wait3A_41 = tpu.memref_slice %arg11[%mul3A_24, %dma_wait3A_40] : memref<10240x64xf32, #tpu.memory_space<vmem_shared>> -> memref<640x64xf32, #tpu.memory_space<vmem_shared>>
      tpu.wait_dma2 semaphore(%run_scoped3A : memref<!tpu.dma_semaphore, #tpu.memory_space<semaphore_mem>>) src(%dma_wait3A_41 : memref<640x64xf32, #tpu.memory_space<vmem_shared>>) dst(%dma_wait3A_39 : memref<640x64xf32, #tpu.memory_space<hbm>>)
      tpu.yield
    }) : () -> ()
    return
  }
}

#map = affine_map<(d0, d1) -> (0, 0)>
#map1 = affine_map<(d0, d1) -> (0, 0, 0)>
module attributes {stable_mosaic.version = 14 : i64} {
  func.func @_seg_body(%arg0: i32, %arg1: i32, %arg2: memref<10000x64xf32, #tpu.memory_space<hbm>>, %arg3: memref<32x80x125xi32, #tpu.memory_space<hbm>>, %arg4: memref<32x80x125xi32, #tpu.memory_space<hbm>>, %arg5: memref<10240x64xf32, #tpu.memory_space<hbm>>, %arg6: memref<2x10240x64xf32, #tpu.memory_space<hbm>>, %arg7: memref<80x125xi32, #tpu.memory_space<vmem>>, %arg8: memref<80x125xi32, #tpu.memory_space<vmem>>, %arg9: memref<125x64xf32, #tpu.memory_space<vmem>>, %arg10: memref<125x64xf32, #tpu.memory_space<vmem>>, %arg11: memref<10240x64xf32, #tpu.memory_space<vmem_shared>>, %arg12: memref<!tpu.dma_semaphore, #tpu.memory_space<semaphore_mem>>, %arg13: memref<!tpu.dma_semaphore, #tpu.memory_space<semaphore_mem>>, %arg14: memref<!tpu.dma_semaphore, #tpu.memory_space<semaphore_mem>>, %arg15: memref<!tpu.dma_semaphore, #tpu.memory_space<semaphore_mem>>) attributes {dimension_semantics = [#tpu.dimension_semantics<core_parallel>, #tpu.dimension_semantics<subcore_parallel>], iteration_bounds = array<i64: 2, 16>, scalar_prefetch = 0 : i64, scratch_operands = 9 : i64, tpu.core_type = #tpu.core_type<sc_vector_subcore>, window_params = [{transform_indices = #map}, {transform_indices = #map1}, {transform_indices = #map1}, {transform_indices = #map}, {transform_indices = #map1}]} {
    %mul3A = arith.constant 2 : i32
    %mul3A_0 = arith.muli %arg1, %mul3A : i32
    %add3A = arith.addi %mul3A_0, %arg0 : i32
    %mul3A_1 = arith.constant 640 : i32
    %mul3A_2 = arith.muli %arg1, %mul3A_1 : i32
    %mul3A_3 = arith.constant 640 : i32
    %mul3A_4 = arith.muli %arg1, %mul3A_3 : i32
    "tpu.region"() ({
      %run_scoped3A = tpu.sem_alloc : memref<!tpu.dma_semaphore, #tpu.memory_space<semaphore_mem>>
      %dma_start3A_27 = arith.constant 0 : i32
      %dma_start3A_28 = tpu.memref_slice %arg11[%mul3A_4, %dma_start3A_27] : memref<10240x64xf32, #tpu.memory_space<vmem_shared>> -> memref<640x64xf32, #tpu.memory_space<vmem_shared>>
      %dma_start3A_29 = arith.constant 0 : i32
      %dma_start3A_30 = tpu.memref_slice %arg5[%mul3A_2, %dma_start3A_29] : memref<10240x64xf32, #tpu.memory_space<hbm>> -> memref<640x64xf32, #tpu.memory_space<hbm>>
      tpu.enqueue_dma source(%dma_start3A_30 : memref<640x64xf32, #tpu.memory_space<hbm>>) target(%dma_start3A_28 : memref<640x64xf32, #tpu.memory_space<vmem_shared>>) target_semaphore(%run_scoped3A : memref<!tpu.dma_semaphore, #tpu.memory_space<semaphore_mem>>)
      %dma_wait3A = arith.constant 0 : i32
      %dma_wait3A_31 = tpu.memref_slice %arg11[%mul3A_4, %dma_wait3A] : memref<10240x64xf32, #tpu.memory_space<vmem_shared>> -> memref<640x64xf32, #tpu.memory_space<vmem_shared>>
      %dma_wait3A_32 = arith.constant 0 : i32
      %dma_wait3A_33 = tpu.memref_slice %arg5[%mul3A_2, %dma_wait3A_32] : memref<10240x64xf32, #tpu.memory_space<hbm>> -> memref<640x64xf32, #tpu.memory_space<hbm>>
      tpu.wait_dma2 semaphore(%run_scoped3A : memref<!tpu.dma_semaphore, #tpu.memory_space<semaphore_mem>>) src(%dma_wait3A_33 : memref<640x64xf32, #tpu.memory_space<hbm>>) dst(%dma_wait3A_31 : memref<640x64xf32, #tpu.memory_space<vmem_shared>>)
      tpu.yield
    }) : () -> ()
    "tpu.region"() ({
      %run_scoped3A = tpu.sem_alloc : memref<!tpu.dma_semaphore, #tpu.memory_space<semaphore_mem>>
      %dma_start3A_27 = arith.constant 0 : i32
      %dma_start3A_28 = arith.constant 0 : i32
      %dma_start3A_29 = tpu.memref_slice %arg3[%add3A, %dma_start3A_27, %dma_start3A_28] : memref<32x80x125xi32, #tpu.memory_space<hbm>> -> memref<1x80x125xi32, #tpu.memory_space<hbm>>
      %dma_start3A_30 = tpu.memref_squeeze %dma_start3A_29 : memref<1x80x125xi32, #tpu.memory_space<hbm>> -> memref<80x125xi32, #tpu.memory_space<hbm>>
      %dma_start3A_31 = arith.constant 0 : i32
      %dma_start3A_32 = arith.constant 0 : i32
      %dma_start3A_33 = tpu.memref_slice %arg3[%add3A, %dma_start3A_31, %dma_start3A_32] : memref<32x80x125xi32, #tpu.memory_space<hbm>> -> memref<1x80x125xi32, #tpu.memory_space<hbm>>
      %dma_start3A_34 = tpu.memref_squeeze %dma_start3A_33 : memref<1x80x125xi32, #tpu.memory_space<hbm>> -> memref<80x125xi32, #tpu.memory_space<hbm>>
      tpu.enqueue_dma source(%dma_start3A_34 : memref<80x125xi32, #tpu.memory_space<hbm>>) target(%arg7 : memref<80x125xi32, #tpu.memory_space<vmem>>) target_semaphore(%run_scoped3A : memref<!tpu.dma_semaphore, #tpu.memory_space<semaphore_mem>>)
      %dma_wait3A = arith.constant 0 : i32
      %dma_wait3A_35 = arith.constant 0 : i32
      %dma_wait3A_36 = tpu.memref_slice %arg3[%add3A, %dma_wait3A, %dma_wait3A_35] : memref<32x80x125xi32, #tpu.memory_space<hbm>> -> memref<1x80x125xi32, #tpu.memory_space<hbm>>
      %dma_wait3A_37 = tpu.memref_squeeze %dma_wait3A_36 : memref<1x80x125xi32, #tpu.memory_space<hbm>> -> memref<80x125xi32, #tpu.memory_space<hbm>>
      %dma_wait3A_38 = arith.constant 0 : i32
      %dma_wait3A_39 = arith.constant 0 : i32
      %dma_wait3A_40 = tpu.memref_slice %arg3[%add3A, %dma_wait3A_38, %dma_wait3A_39] : memref<32x80x125xi32, #tpu.memory_space<hbm>> -> memref<1x80x125xi32, #tpu.memory_space<hbm>>
      %dma_wait3A_41 = tpu.memref_squeeze %dma_wait3A_40 : memref<1x80x125xi32, #tpu.memory_space<hbm>> -> memref<80x125xi32, #tpu.memory_space<hbm>>
      tpu.wait_dma2 semaphore(%run_scoped3A : memref<!tpu.dma_semaphore, #tpu.memory_space<semaphore_mem>>) src(%dma_wait3A_41 : memref<80x125xi32, #tpu.memory_space<hbm>>) dst(%arg7 : memref<80x125xi32, #tpu.memory_space<vmem>>)
      tpu.yield
    }) : () -> ()
    "tpu.region"() ({
      %run_scoped3A = tpu.sem_alloc : memref<!tpu.dma_semaphore, #tpu.memory_space<semaphore_mem>>
      %dma_start3A_27 = arith.constant 0 : i32
      %dma_start3A_28 = arith.constant 0 : i32
      %dma_start3A_29 = tpu.memref_slice %arg4[%add3A, %dma_start3A_27, %dma_start3A_28] : memref<32x80x125xi32, #tpu.memory_space<hbm>> -> memref<1x80x125xi32, #tpu.memory_space<hbm>>
      %dma_start3A_30 = tpu.memref_squeeze %dma_start3A_29 : memref<1x80x125xi32, #tpu.memory_space<hbm>> -> memref<80x125xi32, #tpu.memory_space<hbm>>
      %dma_start3A_31 = arith.constant 0 : i32
      %dma_start3A_32 = arith.constant 0 : i32
      %dma_start3A_33 = tpu.memref_slice %arg4[%add3A, %dma_start3A_31, %dma_start3A_32] : memref<32x80x125xi32, #tpu.memory_space<hbm>> -> memref<1x80x125xi32, #tpu.memory_space<hbm>>
      %dma_start3A_34 = tpu.memref_squeeze %dma_start3A_33 : memref<1x80x125xi32, #tpu.memory_space<hbm>> -> memref<80x125xi32, #tpu.memory_space<hbm>>
      tpu.enqueue_dma source(%dma_start3A_34 : memref<80x125xi32, #tpu.memory_space<hbm>>) target(%arg8 : memref<80x125xi32, #tpu.memory_space<vmem>>) target_semaphore(%run_scoped3A : memref<!tpu.dma_semaphore, #tpu.memory_space<semaphore_mem>>)
      %dma_wait3A = arith.constant 0 : i32
      %dma_wait3A_35 = arith.constant 0 : i32
      %dma_wait3A_36 = tpu.memref_slice %arg4[%add3A, %dma_wait3A, %dma_wait3A_35] : memref<32x80x125xi32, #tpu.memory_space<hbm>> -> memref<1x80x125xi32, #tpu.memory_space<hbm>>
      %dma_wait3A_37 = tpu.memref_squeeze %dma_wait3A_36 : memref<1x80x125xi32, #tpu.memory_space<hbm>> -> memref<80x125xi32, #tpu.memory_space<hbm>>
      %dma_wait3A_38 = arith.constant 0 : i32
      %dma_wait3A_39 = arith.constant 0 : i32
      %dma_wait3A_40 = tpu.memref_slice %arg4[%add3A, %dma_wait3A_38, %dma_wait3A_39] : memref<32x80x125xi32, #tpu.memory_space<hbm>> -> memref<1x80x125xi32, #tpu.memory_space<hbm>>
      %dma_wait3A_41 = tpu.memref_squeeze %dma_wait3A_40 : memref<1x80x125xi32, #tpu.memory_space<hbm>> -> memref<80x125xi32, #tpu.memory_space<hbm>>
      tpu.wait_dma2 semaphore(%run_scoped3A : memref<!tpu.dma_semaphore, #tpu.memory_space<semaphore_mem>>) src(%dma_wait3A_41 : memref<80x125xi32, #tpu.memory_space<hbm>>) dst(%arg8 : memref<80x125xi32, #tpu.memory_space<vmem>>)
      tpu.yield
    }) : () -> ()
    %barrier3A = arith.constant 0 : index
    tpu.barrier barrier_id(%barrier3A)
    %dma_start3A = arith.constant 0 : i32
    %dma_start3A_5 = arith.constant 0 : i32
    %dma_start3A_6 = tpu.memref_slice %arg7[%dma_start3A, %dma_start3A_5] : memref<80x125xi32, #tpu.memory_space<vmem>> -> memref<1x125xi32, #tpu.memory_space<vmem>>
    %dma_start3A_7 = tpu.memref_squeeze %dma_start3A_6 : memref<1x125xi32, #tpu.memory_space<vmem>> -> memref<125xi32, #tpu.memory_space<vmem>>
    %dma_start3A_8 = arith.constant 0 : i32
    %dma_start3A_9 = arith.constant 0 : i32
    %dma_start3A_10 = tpu.memref_slice %arg2[%dma_start3A_8, %dma_start3A_9] : memref<10000x64xf32, #tpu.memory_space<hbm>> -> memref<10000x64xf32, #tpu.memory_space<hbm>>
    tpu.enqueue_indirect_dma source(%dma_start3A_10 : memref<10000x64xf32, #tpu.memory_space<hbm>>) target(%arg9 : memref<125x64xf32, #tpu.memory_space<vmem>>) offsets(%dma_start3A_7 : memref<125xi32, #tpu.memory_space<vmem>>) semaphore(%arg12 : memref<!tpu.dma_semaphore, #tpu.memory_space<semaphore_mem>>)
    %dma_start3A_11 = arith.constant 1 : i32
    %dma_start3A_12 = arith.constant 0 : i32
    %dma_start3A_13 = tpu.memref_slice %arg7[%dma_start3A_11, %dma_start3A_12] : memref<80x125xi32, #tpu.memory_space<vmem>> -> memref<1x125xi32, #tpu.memory_space<vmem>>
    %dma_start3A_14 = tpu.memref_squeeze %dma_start3A_13 : memref<1x125xi32, #tpu.memory_space<vmem>> -> memref<125xi32, #tpu.memory_space<vmem>>
    %dma_start3A_15 = arith.constant 0 : i32
    %dma_start3A_16 = arith.constant 0 : i32
    %dma_start3A_17 = tpu.memref_slice %arg2[%dma_start3A_15, %dma_start3A_16] : memref<10000x64xf32, #tpu.memory_space<hbm>> -> memref<10000x64xf32, #tpu.memory_space<hbm>>
    tpu.enqueue_indirect_dma source(%dma_start3A_17 : memref<10000x64xf32, #tpu.memory_space<hbm>>) target(%arg10 : memref<125x64xf32, #tpu.memory_space<vmem>>) offsets(%dma_start3A_14 : memref<125xi32, #tpu.memory_space<vmem>>) semaphore(%arg13 : memref<!tpu.dma_semaphore, #tpu.memory_space<semaphore_mem>>)
    %scan3A = arith.constant 0 : i32
    %scan3A_18 = arith.constant 40 : i32
    %scan3A_19 = arith.addi %scan3A, %scan3A_18 : i32
    %scan3A_20 = arith.constant 1 : i32
    scf.for %scan3A_27 = %scan3A to %scan3A_19 step %scan3A_20  : i32 {
      %mul3A_28 = arith.constant 1 : i32
      %mul3A_29 = arith.muli %scan3A_27, %mul3A_28 : i32
      %add3A_30 = arith.constant 0 : i32
      %add3A_31 = arith.addi %add3A_30, %mul3A_29 : i32
      %mul3A_32 = arith.constant 2 : i32
      %mul3A_33 = arith.muli %mul3A_32, %add3A_31 : i32
      %dma_wait3A = arith.constant 0 : i32
      %dma_wait3A_34 = arith.constant 0 : i32
      %dma_wait3A_35 = tpu.memref_slice %arg7[%dma_wait3A, %dma_wait3A_34] : memref<80x125xi32, #tpu.memory_space<vmem>> -> memref<1x125xi32, #tpu.memory_space<vmem>>
      %dma_wait3A_36 = tpu.memref_squeeze %dma_wait3A_35 : memref<1x125xi32, #tpu.memory_space<vmem>> -> memref<125xi32, #tpu.memory_space<vmem>>
      %dma_wait3A_37 = arith.constant 0 : i32
      %dma_wait3A_38 = arith.constant 0 : i32
      %dma_wait3A_39 = tpu.memref_slice %arg2[%dma_wait3A_37, %dma_wait3A_38] : memref<10000x64xf32, #tpu.memory_space<hbm>> -> memref<10000x64xf32, #tpu.memory_space<hbm>>
      tpu.wait_indirect_dma semaphore(%arg12 : memref<!tpu.dma_semaphore, #tpu.memory_space<semaphore_mem>>) src(%dma_wait3A_39 : memref<10000x64xf32, #tpu.memory_space<hbm>>) dst(%arg9 : memref<125x64xf32, #tpu.memory_space<vmem>>)
      %dma_start3A_40 = arith.constant 0 : i32
      %dma_start3A_41 = tpu.memref_slice %arg8[%mul3A_33, %dma_start3A_40] : memref<80x125xi32, #tpu.memory_space<vmem>> -> memref<1x125xi32, #tpu.memory_space<vmem>>
      %dma_start3A_42 = tpu.memref_squeeze %dma_start3A_41 : memref<1x125xi32, #tpu.memory_space<vmem>> -> memref<125xi32, #tpu.memory_space<vmem>>
      %dma_start3A_43 = arith.constant 0 : i32
      %dma_start3A_44 = arith.constant 0 : i32
      %dma_start3A_45 = tpu.memref_slice %arg11[%dma_start3A_43, %dma_start3A_44] : memref<10240x64xf32, #tpu.memory_space<vmem_shared>> -> memref<10240x64xf32, #tpu.memory_space<vmem_shared>>
      tpu.enqueue_indirect_dma source(%arg9 : memref<125x64xf32, #tpu.memory_space<vmem>>) target(%dma_start3A_45 : memref<10240x64xf32, #tpu.memory_space<vmem_shared>>) offsets(%dma_start3A_42 : memref<125xi32, #tpu.memory_space<vmem>>) semaphore(%arg14 : memref<!tpu.dma_semaphore, #tpu.memory_space<semaphore_mem>>) {add = true}
      %dma_wait3A_46 = arith.constant 0 : i32
      %dma_wait3A_47 = arith.constant 0 : i32
      %dma_wait3A_48 = tpu.memref_slice %arg8[%dma_wait3A_46, %dma_wait3A_47] : memref<80x125xi32, #tpu.memory_space<vmem>> -> memref<1x125xi32, #tpu.memory_space<vmem>>
      %dma_wait3A_49 = tpu.memref_squeeze %dma_wait3A_48 : memref<1x125xi32, #tpu.memory_space<vmem>> -> memref<125xi32, #tpu.memory_space<vmem>>
      %dma_wait3A_50 = arith.constant 0 : i32
      %dma_wait3A_51 = arith.constant 0 : i32
      %dma_wait3A_52 = tpu.memref_slice %arg11[%dma_wait3A_50, %dma_wait3A_51] : memref<10240x64xf32, #tpu.memory_space<vmem_shared>> -> memref<10240x64xf32, #tpu.memory_space<vmem_shared>>
      tpu.wait_indirect_dma semaphore(%arg14 : memref<!tpu.dma_semaphore, #tpu.memory_space<semaphore_mem>>) src(%arg9 : memref<125x64xf32, #tpu.memory_space<vmem>>) dst(%dma_wait3A_52 : memref<10240x64xf32, #tpu.memory_space<vmem_shared>>)
      %add3A_53 = arith.constant 2 : i32
      %add3A_54 = arith.addi %mul3A_33, %add3A_53 : i32
      %lt3A = arith.constant 80 : i32
      %lt3A_55 = arith.cmpi slt, %add3A_54, %lt3A : i32
      %convert_element_type3A = arith.extui %lt3A_55 : i1 to i32
      %cond3A = arith.constant 0 : i32
      %cond3A_56 = arith.cmpi ne, %convert_element_type3A, %cond3A : i32
      scf.if %cond3A_56 {
        %add3A_86 = arith.constant 2 : i32
        %add3A_87 = arith.addi %mul3A_33, %add3A_86 : i32
        %dma_start3A_88 = arith.constant 0 : i32
        %dma_start3A_89 = tpu.memref_slice %arg7[%add3A_87, %dma_start3A_88] : memref<80x125xi32, #tpu.memory_space<vmem>> -> memref<1x125xi32, #tpu.memory_space<vmem>>
        %dma_start3A_90 = tpu.memref_squeeze %dma_start3A_89 : memref<1x125xi32, #tpu.memory_space<vmem>> -> memref<125xi32, #tpu.memory_space<vmem>>
        %dma_start3A_91 = arith.constant 0 : i32
        %dma_start3A_92 = arith.constant 0 : i32
        %dma_start3A_93 = tpu.memref_slice %arg2[%dma_start3A_91, %dma_start3A_92] : memref<10000x64xf32, #tpu.memory_space<hbm>> -> memref<10000x64xf32, #tpu.memory_space<hbm>>
        tpu.enqueue_indirect_dma source(%dma_start3A_93 : memref<10000x64xf32, #tpu.memory_space<hbm>>) target(%arg9 : memref<125x64xf32, #tpu.memory_space<vmem>>) offsets(%dma_start3A_90 : memref<125xi32, #tpu.memory_space<vmem>>) semaphore(%arg12 : memref<!tpu.dma_semaphore, #tpu.memory_space<semaphore_mem>>)
      } else {
      }
      %dma_wait3A_57 = arith.constant 0 : i32
      %dma_wait3A_58 = arith.constant 0 : i32
      %dma_wait3A_59 = tpu.memref_slice %arg7[%dma_wait3A_57, %dma_wait3A_58] : memref<80x125xi32, #tpu.memory_space<vmem>> -> memref<1x125xi32, #tpu.memory_space<vmem>>
      %dma_wait3A_60 = tpu.memref_squeeze %dma_wait3A_59 : memref<1x125xi32, #tpu.memory_space<vmem>> -> memref<125xi32, #tpu.memory_space<vmem>>
      %dma_wait3A_61 = arith.constant 0 : i32
      %dma_wait3A_62 = arith.constant 0 : i32
      %dma_wait3A_63 = tpu.memref_slice %arg2[%dma_wait3A_61, %dma_wait3A_62] : memref<10000x64xf32, #tpu.memory_space<hbm>> -> memref<10000x64xf32, #tpu.memory_space<hbm>>
      tpu.wait_indirect_dma semaphore(%arg13 : memref<!tpu.dma_semaphore, #tpu.memory_space<semaphore_mem>>) src(%dma_wait3A_63 : memref<10000x64xf32, #tpu.memory_space<hbm>>) dst(%arg10 : memref<125x64xf32, #tpu.memory_space<vmem>>)
      %add3A_64 = arith.constant 1 : i32
      %add3A_65 = arith.addi %mul3A_33, %add3A_64 : i32
      %dma_start3A_66 = arith.constant 0 : i32
      %dma_start3A_67 = tpu.memref_slice %arg8[%add3A_65, %dma_start3A_66] : memref<80x125xi32, #tpu.memory_space<vmem>> -> memref<1x125xi32, #tpu.memory_space<vmem>>
      %dma_start3A_68 = tpu.memref_squeeze %dma_start3A_67 : memref<1x125xi32, #tpu.memory_space<vmem>> -> memref<125xi32, #tpu.memory_space<vmem>>
      %dma_start3A_69 = arith.constant 0 : i32
      %dma_start3A_70 = arith.constant 0 : i32
      %dma_start3A_71 = tpu.memref_slice %arg11[%dma_start3A_69, %dma_start3A_70] : memref<10240x64xf32, #tpu.memory_space<vmem_shared>> -> memref<10240x64xf32, #tpu.memory_space<vmem_shared>>
      tpu.enqueue_indirect_dma source(%arg10 : memref<125x64xf32, #tpu.memory_space<vmem>>) target(%dma_start3A_71 : memref<10240x64xf32, #tpu.memory_space<vmem_shared>>) offsets(%dma_start3A_68 : memref<125xi32, #tpu.memory_space<vmem>>) semaphore(%arg15 : memref<!tpu.dma_semaphore, #tpu.memory_space<semaphore_mem>>) {add = true}
      %dma_wait3A_72 = arith.constant 0 : i32
      %dma_wait3A_73 = arith.constant 0 : i32
      %dma_wait3A_74 = tpu.memref_slice %arg8[%dma_wait3A_72, %dma_wait3A_73] : memref<80x125xi32, #tpu.memory_space<vmem>> -> memref<1x125xi32, #tpu.memory_space<vmem>>
      %dma_wait3A_75 = tpu.memref_squeeze %dma_wait3A_74 : memref<1x125xi32, #tpu.memory_space<vmem>> -> memref<125xi32, #tpu.memory_space<vmem>>
      %dma_wait3A_76 = arith.constant 0 : i32
      %dma_wait3A_77 = arith.constant 0 : i32
      %dma_wait3A_78 = tpu.memref_slice %arg11[%dma_wait3A_76, %dma_wait3A_77] : memref<10240x64xf32, #tpu.memory_space<vmem_shared>> -> memref<10240x64xf32, #tpu.memory_space<vmem_shared>>
      tpu.wait_indirect_dma semaphore(%arg15 : memref<!tpu.dma_semaphore, #tpu.memory_space<semaphore_mem>>) src(%arg10 : memref<125x64xf32, #tpu.memory_space<vmem>>) dst(%dma_wait3A_78 : memref<10240x64xf32, #tpu.memory_space<vmem_shared>>)
      %add3A_79 = arith.constant 3 : i32
      %add3A_80 = arith.addi %mul3A_33, %add3A_79 : i32
      %lt3A_81 = arith.constant 80 : i32
      %lt3A_82 = arith.cmpi slt, %add3A_80, %lt3A_81 : i32
      %convert_element_type3A_83 = arith.extui %lt3A_82 : i1 to i32
      %cond3A_84 = arith.constant 0 : i32
      %cond3A_85 = arith.cmpi ne, %convert_element_type3A_83, %cond3A_84 : i32
      scf.if %cond3A_85 {
        %add3A_86 = arith.constant 3 : i32
        %add3A_87 = arith.addi %mul3A_33, %add3A_86 : i32
        %dma_start3A_88 = arith.constant 0 : i32
        %dma_start3A_89 = tpu.memref_slice %arg7[%add3A_87, %dma_start3A_88] : memref<80x125xi32, #tpu.memory_space<vmem>> -> memref<1x125xi32, #tpu.memory_space<vmem>>
        %dma_start3A_90 = tpu.memref_squeeze %dma_start3A_89 : memref<1x125xi32, #tpu.memory_space<vmem>> -> memref<125xi32, #tpu.memory_space<vmem>>
        %dma_start3A_91 = arith.constant 0 : i32
        %dma_start3A_92 = arith.constant 0 : i32
        %dma_start3A_93 = tpu.memref_slice %arg2[%dma_start3A_91, %dma_start3A_92] : memref<10000x64xf32, #tpu.memory_space<hbm>> -> memref<10000x64xf32, #tpu.memory_space<hbm>>
        tpu.enqueue_indirect_dma source(%dma_start3A_93 : memref<10000x64xf32, #tpu.memory_space<hbm>>) target(%arg10 : memref<125x64xf32, #tpu.memory_space<vmem>>) offsets(%dma_start3A_90 : memref<125xi32, #tpu.memory_space<vmem>>) semaphore(%arg13 : memref<!tpu.dma_semaphore, #tpu.memory_space<semaphore_mem>>)
      } else {
      }
    }
    %scan3A_21 = arith.constant 40 : i32
    %barrier3A_22 = arith.constant 0 : index
    tpu.barrier barrier_id(%barrier3A_22)
    %mul3A_23 = arith.constant 640 : i32
    %mul3A_24 = arith.muli %arg1, %mul3A_23 : i32
    %mul3A_25 = arith.constant 640 : i32
    %mul3A_26 = arith.muli %arg1, %mul3A_25 : i32
    "tpu.region"() ({
      %run_scoped3A = tpu.sem_alloc : memref<!tpu.dma_semaphore, #tpu.memory_space<semaphore_mem>>
      %dma_start3A_27 = arith.constant 0 : i32
      %dma_start3A_28 = arith.constant 0 : i32
      %dma_start3A_29 = tpu.memref_slice %arg6[%arg0, %dma_start3A_27, %dma_start3A_28] : memref<2x10240x64xf32, #tpu.memory_space<hbm>> -> memref<1x10240x64xf32, #tpu.memory_space<hbm>>
      %dma_start3A_30 = tpu.memref_squeeze %dma_start3A_29 : memref<1x10240x64xf32, #tpu.memory_space<hbm>> -> memref<10240x64xf32, #tpu.memory_space<hbm>>
      %dma_start3A_31 = arith.constant 0 : i32
      %dma_start3A_32 = tpu.memref_slice %dma_start3A_30[%mul3A_26, %dma_start3A_31] : memref<10240x64xf32, #tpu.memory_space<hbm>> -> memref<640x64xf32, #tpu.memory_space<hbm>>
      %dma_start3A_33 = arith.constant 0 : i32
      %dma_start3A_34 = tpu.memref_slice %arg11[%mul3A_24, %dma_start3A_33] : memref<10240x64xf32, #tpu.memory_space<vmem_shared>> -> memref<640x64xf32, #tpu.memory_space<vmem_shared>>
      tpu.enqueue_dma source(%dma_start3A_34 : memref<640x64xf32, #tpu.memory_space<vmem_shared>>) target(%dma_start3A_32 : memref<640x64xf32, #tpu.memory_space<hbm>>) target_semaphore(%run_scoped3A : memref<!tpu.dma_semaphore, #tpu.memory_space<semaphore_mem>>)
      %dma_wait3A = arith.constant 0 : i32
      %dma_wait3A_35 = arith.constant 0 : i32
      %dma_wait3A_36 = tpu.memref_slice %arg6[%arg0, %dma_wait3A, %dma_wait3A_35] : memref<2x10240x64xf32, #tpu.memory_space<hbm>> -> memref<1x10240x64xf32, #tpu.memory_space<hbm>>
      %dma_wait3A_37 = tpu.memref_squeeze %dma_wait3A_36 : memref<1x10240x64xf32, #tpu.memory_space<hbm>> -> memref<10240x64xf32, #tpu.memory_space<hbm>>
      %dma_wait3A_38 = arith.constant 0 : i32
      %dma_wait3A_39 = tpu.memref_slice %dma_wait3A_37[%mul3A_26, %dma_wait3A_38] : memref<10240x64xf32, #tpu.memory_space<hbm>> -> memref<640x64xf32, #tpu.memory_space<hbm>>
      %dma_wait3A_40 = arith.constant 0 : i32
      %dma_wait3A_41 = tpu.memref_slice %arg11[%mul3A_24, %dma_wait3A_40] : memref<10240x64xf32, #tpu.memory_space<vmem_shared>> -> memref<640x64xf32, #tpu.memory_space<vmem_shared>>
      tpu.wait_dma2 semaphore(%run_scoped3A : memref<!tpu.dma_semaphore, #tpu.memory_space<semaphore_mem>>) src(%dma_wait3A_41 : memref<640x64xf32, #tpu.memory_space<vmem_shared>>) dst(%dma_wait3A_39 : memref<640x64xf32, #tpu.memory_space<hbm>>)
      tpu.yield
    }) : () -> ()
    return
  }
}

module attributes {stable_mosaic.version = 14 : i64} {
  func.func @_uh0_body(%arg0: i32, %arg1: memref<2x1000x64xf32, #tpu.memory_space<vmem>>, %arg2: memref<2x1000x64xf32, #tpu.memory_space<vmem>>, %arg3: memref<2x1000x16xf32, #tpu.memory_space<vmem>>, %arg4: memref<1000x128xf32, #tpu.memory_space<vmem>>, %arg5: memref<128x64xf32, #tpu.memory_space<vmem>>, %arg6: memref<1x64xf32, #tpu.memory_space<vmem>>, %arg7: memref<128x64xf32, #tpu.memory_space<vmem>>, %arg8: memref<1x64xf32, #tpu.memory_space<vmem>>, %arg9: memref<1x64xf32, #tpu.memory_space<vmem>>, %arg10: memref<1000x64xf32, #tpu.memory_space<vmem>>, %arg11: memref<1000x1xf32, #tpu.memory_space<vmem>>, %arg12: memref<10x1000x64xf32, #tpu.memory_space<vmem>>, %arg13: memref<10x1x64xf32, #tpu.memory_space<vmem>>, %arg14: memref<10x1x64xf32, #tpu.memory_space<vmem>>) attributes {dimension_semantics = [#tpu.dimension_semantics<arbitrary>], iteration_bounds = array<i64: 20>, scalar_prefetch = 0 : i64, scratch_operands = 3 : i64, tpu.core_type = #tpu.core_type<tc>, window_params = [{transform_indices = @transform_0, window_bounds = array<i64: 2, 1000, 64>}, {transform_indices = @transform_1, window_bounds = array<i64: 2, 1000, 64>}, {transform_indices = @transform_2, window_bounds = array<i64: 2, 1000, 16>}, {transform_indices = @transform_3, window_bounds = array<i64: 1000, 128>}, {pipeline_mode = #tpu.pipeline_mode<synchronous>, transform_indices = @transform_4, window_bounds = array<i64: 128, 64>}, {pipeline_mode = #tpu.pipeline_mode<synchronous>, transform_indices = @transform_5, window_bounds = array<i64: 1, 64>}, {pipeline_mode = #tpu.pipeline_mode<synchronous>, transform_indices = @transform_6, window_bounds = array<i64: 128, 64>}, {pipeline_mode = #tpu.pipeline_mode<synchronous>, transform_indices = @transform_7, window_bounds = array<i64: 1, 64>}, {pipeline_mode = #tpu.pipeline_mode<synchronous>, transform_indices = @transform_8, window_bounds = array<i64: 1, 64>}, {transform_indices = @transform_9, window_bounds = array<i64: 1000, 64>}, {transform_indices = @transform_10, window_bounds = array<i64: 1000, 1>}]} {
    %lt3A = arith.constant 10 : i32
    %lt3A_0 = arith.cmpi slt, %arg0, %lt3A : i32
    %convert_element_type3A = arith.extui %lt3A_0 : i1 to i32
    %cond3A = arith.constant 0 : i32
    %cond3A_1 = arith.cmpi ne, %convert_element_type3A, %cond3A : i32
    scf.if %cond3A_1 {
      %get3A = arith.constant 0 : index
      %get3A_6 = arith.constant 0 : index
      %get3A_7 = arith.constant 0 : index
      %get3A_8 = vector.load %arg3[%get3A, %get3A_6, %get3A_7] : memref<2x1000x16xf32, #tpu.memory_space<vmem>>, vector<1x1000x1xf32>
      %get3A_9 = vector.shape_cast %get3A_8 : vector<1x1000x1xf32> to vector<1000x1xf32>
      %get3A_10 = arith.constant 1 : index
      %get3A_11 = arith.constant 0 : index
      %get3A_12 = arith.constant 0 : index
      %get3A_13 = vector.load %arg3[%get3A_10, %get3A_11, %get3A_12] : memref<2x1000x16xf32, #tpu.memory_space<vmem>>, vector<1x1000x1xf32>
      %get3A_14 = vector.shape_cast %get3A_13 : vector<1x1000x1xf32> to vector<1000x1xf32>
      %add3A = arith.addf %get3A_9, %get3A_14 : vector<1000x1xf32>
      %max3A = arith.constant 1.000000e+00 : f32
      %max3A_15 = vector.broadcast %max3A : f32 to vector<1000x1xf32>
      %max3A_16 = arith.maximumf %add3A, %max3A_15 : vector<1000x1xf32>
      %swap3A = arith.constant 0 : index
      %swap3A_17 = arith.constant 0 : index
      %swap3A_18 = vector.load %arg11[%swap3A, %swap3A_17] : memref<1000x1xf32, #tpu.memory_space<vmem>>, vector<1000x1xf32>
      tpu.vector_store %arg11[%swap3A, %swap3A_17], %max3A_16 {strides = array<i32>} : memref<1000x1xf32, #tpu.memory_space<vmem>>, vector<1000x1xf32>,
      %get3A_19 = arith.constant 0 : index
      %get3A_20 = arith.constant 0 : index
      %get3A_21 = arith.constant 0 : index
      %get3A_22 = vector.load %arg1[%get3A_19, %get3A_20, %get3A_21] : memref<2x1000x64xf32, #tpu.memory_space<vmem>>, vector<1x1000x64xf32>
      %get3A_23 = vector.shape_cast %get3A_22 : vector<1x1000x64xf32> to vector<1000x64xf32>
      %get3A_24 = arith.constant 1 : index
      %get3A_25 = arith.constant 0 : index
      %get3A_26 = arith.constant 0 : index
      %get3A_27 = vector.load %arg1[%get3A_24, %get3A_25, %get3A_26] : memref<2x1000x64xf32, #tpu.memory_space<vmem>>, vector<1x1000x64xf32>
      %get3A_28 = vector.shape_cast %get3A_27 : vector<1x1000x64xf32> to vector<1000x64xf32>
      %add3A_29 = arith.addf %get3A_23, %get3A_28 : vector<1000x64xf32>
      %div3A = vector.broadcast %max3A_16 : vector<1000x1xf32> to vector<1000x64xf32>
      %div3A_30 = arith.divf %add3A_29, %div3A : vector<1000x64xf32>
      %get3A_31 = arith.constant 0 : index
      %get3A_32 = arith.constant 0 : index
      %get3A_33 = arith.constant 0 : index
      %get3A_34 = vector.load %arg2[%get3A_31, %get3A_32, %get3A_33] : memref<2x1000x64xf32, #tpu.memory_space<vmem>>, vector<1x1000x64xf32>
      %get3A_35 = vector.shape_cast %get3A_34 : vector<1x1000x64xf32> to vector<1000x64xf32>
      %get3A_36 = arith.constant 1 : index
      %get3A_37 = arith.constant 0 : index
      %get3A_38 = arith.constant 0 : index
      %get3A_39 = vector.load %arg2[%get3A_36, %get3A_37, %get3A_38] : memref<2x1000x64xf32, #tpu.memory_space<vmem>>, vector<1x1000x64xf32>
      %get3A_40 = vector.shape_cast %get3A_39 : vector<1x1000x64xf32> to vector<1000x64xf32>
      %add3A_41 = arith.addf %get3A_35, %get3A_40 : vector<1000x64xf32>
      %div3A_42 = vector.broadcast %max3A_16 : vector<1000x1xf32> to vector<1000x64xf32>
      %div3A_43 = arith.divf %add3A_41, %div3A_42 : vector<1000x64xf32>
      %get3A_44 = arith.constant 0 : index
      %get3A_45 = arith.constant 0 : index
      %get3A_46 = vector.load %arg5[%get3A_44, %get3A_45] : memref<128x64xf32, #tpu.memory_space<vmem>>, vector<64x64xf32>
      %dot_general3A = arith.constant dense<0.000000e+00> : vector<1000x64xf32>
      %dot_general3A_47 = tpu.matmul %div3A_30, %get3A_46, %dot_general3A {dimension_numbers = #tpu.dot_dimension_numbers<[1], [0], [0], [1], [0, 0, 1, 1], [], []>, transpose_lhs_hint = false} : vector<1000x64xf32>, vector<64x64xf32>, vector<1000x64xf32> -> vector<1000x64xf32>
      %get3A_48 = arith.constant 64 : index
      %get3A_49 = arith.constant 0 : index
      %get3A_50 = vector.load %arg5[%get3A_48, %get3A_49] : memref<128x64xf32, #tpu.memory_space<vmem>>, vector<64x64xf32>
      %dot_general3A_51 = arith.constant dense<0.000000e+00> : vector<1000x64xf32>
      %dot_general3A_52 = tpu.matmul %div3A_43, %get3A_50, %dot_general3A_51 {dimension_numbers = #tpu.dot_dimension_numbers<[1], [0], [0], [1], [0, 0, 1, 1], [], []>, transpose_lhs_hint = false} : vector<1000x64xf32>, vector<64x64xf32>, vector<1000x64xf32> -> vector<1000x64xf32>
      %add3A_53 = arith.addf %dot_general3A_47, %dot_general3A_52 : vector<1000x64xf32>
      %get3A_54 = arith.constant 0 : index
      %get3A_55 = arith.constant 0 : index
      %get3A_56 = vector.load %arg6[%get3A_54, %get3A_55] : memref<1x64xf32, #tpu.memory_space<vmem>>, vector<1x64xf32>
      %add3A_57 = vector.broadcast %get3A_56 : vector<1x64xf32> to vector<1000x64xf32>
      %add3A_58 = arith.addf %add3A_53, %add3A_57 : vector<1000x64xf32>
      %get3A_59 = arith.constant 0 : index
      %get3A_60 = arith.constant 0 : index
      %get3A_61 = vector.load %arg4[%get3A_59, %get3A_60] : memref<1000x128xf32, #tpu.memory_space<vmem>>, vector<1000x128xf32>
      %get3A_62 = arith.constant 0 : index
      %get3A_63 = arith.constant 0 : index
      %get3A_64 = vector.load %arg7[%get3A_62, %get3A_63] : memref<128x64xf32, #tpu.memory_space<vmem>>, vector<128x64xf32>
      %dot_general3A_65 = arith.constant dense<0.000000e+00> : vector<1000x64xf32>
      %dot_general3A_66 = tpu.matmul %get3A_61, %get3A_64, %dot_general3A_65 {dimension_numbers = #tpu.dot_dimension_numbers<[1], [0], [0], [1], [0, 0, 1, 1], [], []>, transpose_lhs_hint = false} : vector<1000x128xf32>, vector<128x64xf32>, vector<1000x64xf32> -> vector<1000x64xf32>
      %add3A_67 = arith.addf %add3A_58, %dot_general3A_66 : vector<1000x64xf32>
      %swap3A_68 = arith.index_cast %arg0 : i32 to index
      %swap3A_69 = arith.constant 0 : index
      %swap3A_70 = arith.constant 0 : index
      %swap3A_71 = vector.load %arg12[%swap3A_68, %swap3A_69, %swap3A_70] : memref<10x1000x64xf32, #tpu.memory_space<vmem>>, vector<1x1000x64xf32>
      %swap3A_72 = vector.shape_cast %swap3A_71 : vector<1x1000x64xf32> to vector<1000x64xf32>
      %swap3A_73 = vector.shape_cast %add3A_67 : vector<1000x64xf32> to vector<1x1000x64xf32>
      tpu.vector_store %arg12[%swap3A_68, %swap3A_69, %swap3A_70], %swap3A_73 {strides = array<i32>} : memref<10x1000x64xf32, #tpu.memory_space<vmem>>, vector<1x1000x64xf32>,
      %reduce_sum3A = arith.constant dense<0.000000e+00> : vector<64xf32>
      %reduce_sum3A_74 = vector.multi_reduction <add>, %add3A_67, %reduce_sum3A [0] : vector<1000x64xf32> to vector<64xf32>
      %broadcast_in_dim3A = vector.shape_cast %reduce_sum3A_74 : vector<64xf32> to vector<1x64xf32>
      %mul3A = arith.constant 1.000000e-03 : f32
      %mul3A_75 = vector.broadcast %mul3A : f32 to vector<1x64xf32>
      %mul3A_76 = arith.mulf %broadcast_in_dim3A, %mul3A_75 : vector<1x64xf32>
      %sub3A = vector.broadcast %mul3A_76 : vector<1x64xf32> to vector<1000x64xf32>
      %sub3A_77 = arith.subf %add3A_67, %sub3A : vector<1000x64xf32>
      %swap3A_78 = arith.index_cast %arg0 : i32 to index
      %swap3A_79 = arith.constant 0 : index
      %swap3A_80 = arith.constant 0 : index
      %swap3A_81 = vector.load %arg13[%swap3A_78, %swap3A_79, %swap3A_80] : memref<10x1x64xf32, #tpu.memory_space<vmem>>, vector<1x1x64xf32>
      %swap3A_82 = vector.shape_cast %swap3A_81 : vector<1x1x64xf32> to vector<1x64xf32>
      %swap3A_83 = vector.shape_cast %broadcast_in_dim3A : vector<1x64xf32> to vector<1x1x64xf32>
      tpu.vector_store %arg13[%swap3A_78, %swap3A_79, %swap3A_80], %swap3A_83 {strides = array<i32>} : memref<10x1x64xf32, #tpu.memory_space<vmem>>, vector<1x1x64xf32>,
      %mul3A_84 = arith.mulf %sub3A_77, %sub3A_77 : vector<1000x64xf32>
      %reduce_sum3A_85 = arith.constant dense<0.000000e+00> : vector<64xf32>
      %reduce_sum3A_86 = vector.multi_reduction <add>, %mul3A_84, %reduce_sum3A_85 [0] : vector<1000x64xf32> to vector<64xf32>
      %broadcast_in_dim3A_87 = vector.shape_cast %reduce_sum3A_86 : vector<64xf32> to vector<1x64xf32>
      %swap3A_88 = arith.index_cast %arg0 : i32 to index
      %swap3A_89 = arith.constant 0 : index
      %swap3A_90 = arith.constant 0 : index
      %swap3A_91 = vector.load %arg14[%swap3A_88, %swap3A_89, %swap3A_90] : memref<10x1x64xf32, #tpu.memory_space<vmem>>, vector<1x1x64xf32>
      %swap3A_92 = vector.shape_cast %swap3A_91 : vector<1x1x64xf32> to vector<1x64xf32>
      %swap3A_93 = vector.shape_cast %broadcast_in_dim3A_87 : vector<1x64xf32> to vector<1x1x64xf32>
      tpu.vector_store %arg14[%swap3A_88, %swap3A_89, %swap3A_90], %swap3A_93 {strides = array<i32>} : memref<10x1x64xf32, #tpu.memory_space<vmem>>, vector<1x1x64xf32>,
    } else {
    }
    %ge3A = arith.constant 10 : i32
    %ge3A_2 = arith.cmpi sge, %arg0, %ge3A : i32
    %convert_element_type3A_3 = arith.extui %ge3A_2 : i1 to i32
    %cond3A_4 = arith.constant 0 : i32
    %cond3A_5 = arith.cmpi ne, %convert_element_type3A_3, %cond3A_4 : i32
    scf.if %cond3A_5 {
      %sub3A = arith.constant 10 : i32
      %sub3A_6 = arith.subi %arg0, %sub3A : i32
      %get3A = arith.index_cast %sub3A_6 : i32 to index
      %get3A_7 = arith.constant 0 : index
      %get3A_8 = arith.constant 0 : index
      %get3A_9 = vector.load %arg12[%get3A, %get3A_7, %get3A_8] : memref<10x1000x64xf32, #tpu.memory_space<vmem>>, vector<1x1000x64xf32>
      %get3A_10 = vector.shape_cast %get3A_9 : vector<1x1000x64xf32> to vector<1000x64xf32>
      %get3A_11 = arith.constant 0 : index
      %get3A_12 = arith.constant 0 : index
      %get3A_13 = arith.constant 0 : index
      %get3A_14 = vector.load %arg13[%get3A_11, %get3A_12, %get3A_13] : memref<10x1x64xf32, #tpu.memory_space<vmem>>, vector<10x1x64xf32>
      %get3A_15 = arith.constant 0 : index
      %get3A_16 = arith.constant 0 : index
      %get3A_17 = arith.constant 0 : index
      %get3A_18 = vector.load %arg14[%get3A_15, %get3A_16, %get3A_17] : memref<10x1x64xf32, #tpu.memory_space<vmem>>, vector<10x1x64xf32>
      %get3A_19 = arith.constant 0 : index
      %get3A_20 = arith.constant 0 : index
      %get3A_21 = vector.load %arg8[%get3A_19, %get3A_20] : memref<1x64xf32, #tpu.memory_space<vmem>>, vector<1x64xf32>
      %get3A_22 = arith.constant 0 : index
      %get3A_23 = arith.constant 0 : index
      %get3A_24 = vector.load %arg9[%get3A_22, %get3A_23] : memref<1x64xf32, #tpu.memory_space<vmem>>, vector<1x64xf32>
      %reduce_sum3A = arith.constant dense<0.000000e+00> : vector<1x64xf32>
      %reduce_sum3A_25 = vector.multi_reduction <add>, %get3A_14, %reduce_sum3A [0] : vector<10x1x64xf32> to vector<1x64xf32>
      %mul3A = arith.constant 9.99999974E-5 : f32
      %mul3A_26 = vector.broadcast %mul3A : f32 to vector<1x64xf32>
      %mul3A_27 = arith.mulf %reduce_sum3A_25, %mul3A_26 : vector<1x64xf32>
      %mul3A_28 = arith.constant 1.000000e-03 : f32
      %mul3A_29 = vector.broadcast %mul3A_28 : f32 to vector<10x1x64xf32>
      %mul3A_30 = arith.mulf %get3A_14, %mul3A_29 : vector<10x1x64xf32>
      %broadcast_in_dim3A = vector.shape_cast %mul3A_27 : vector<1x64xf32> to vector<1x1x64xf32>
      %sub3A_31 = vector.broadcast %broadcast_in_dim3A : vector<1x1x64xf32> to vector<10x1x64xf32>
      %sub3A_32 = arith.subf %mul3A_30, %sub3A_31 : vector<10x1x64xf32>
      %reduce_sum3A_33 = arith.constant dense<0.000000e+00> : vector<1x64xf32>
      %reduce_sum3A_34 = vector.multi_reduction <add>, %get3A_18, %reduce_sum3A_33 [0] : vector<10x1x64xf32> to vector<1x64xf32>
      %mul3A_35 = arith.mulf %sub3A_32, %sub3A_32 : vector<10x1x64xf32>
      %reduce_sum3A_36 = arith.constant dense<0.000000e+00> : vector<1x64xf32>
      %reduce_sum3A_37 = vector.multi_reduction <add>, %mul3A_35, %reduce_sum3A_36 [0] : vector<10x1x64xf32> to vector<1x64xf32>
      %mul3A_38 = arith.constant 1.000000e+03 : f32
      %mul3A_39 = vector.broadcast %mul3A_38 : f32 to vector<1x64xf32>
      %mul3A_40 = arith.mulf %reduce_sum3A_37, %mul3A_39 : vector<1x64xf32>
      %add3A = arith.addf %reduce_sum3A_34, %mul3A_40 : vector<1x64xf32>
      %mul3A_41 = arith.constant 9.99999974E-5 : f32
      %mul3A_42 = vector.broadcast %mul3A_41 : f32 to vector<1x64xf32>
      %mul3A_43 = arith.mulf %add3A, %mul3A_42 : vector<1x64xf32>
      %sub3A_44 = vector.broadcast %mul3A_27 : vector<1x64xf32> to vector<1000x64xf32>
      %sub3A_45 = arith.subf %get3A_10, %sub3A_44 : vector<1000x64xf32>
      %add3A_46 = arith.constant 9.99999974E-6 : f32
      %add3A_47 = vector.broadcast %add3A_46 : f32 to vector<1x64xf32>
      %add3A_48 = arith.addf %mul3A_43, %add3A_47 : vector<1x64xf32>
      %sqrt3A = math.sqrt %add3A_48 : vector<1x64xf32>
      %div3A = vector.broadcast %sqrt3A : vector<1x64xf32> to vector<1000x64xf32>
      %div3A_49 = arith.divf %sub3A_45, %div3A : vector<1000x64xf32>
      %mul3A_50 = vector.broadcast %get3A_21 : vector<1x64xf32> to vector<1000x64xf32>
      %mul3A_51 = arith.mulf %div3A_49, %mul3A_50 : vector<1000x64xf32>
      %add3A_52 = vector.broadcast %get3A_24 : vector<1x64xf32> to vector<1000x64xf32>
      %add3A_53 = arith.addf %mul3A_51, %add3A_52 : vector<1000x64xf32>
      %gt3A = arith.constant 0.000000e+00 : f32
      %gt3A_54 = vector.broadcast %gt3A : f32 to vector<1000x64xf32>
      %gt3A_55 = arith.cmpf ogt, %add3A_53, %gt3A_54 : vector<1000x64xf32>
      %exp3A = math.exp %add3A_53 : vector<1000x64xf32>
      %sub3A_56 = arith.constant 1.000000e+00 : f32
      %sub3A_57 = vector.broadcast %sub3A_56 : f32 to vector<1000x64xf32>
      %sub3A_58 = arith.subf %exp3A, %sub3A_57 : vector<1000x64xf32>
      %select_n3A = arith.select %gt3A_55, %add3A_53, %sub3A_58 : vector<1000x64xi1>, vector<1000x64xf32>
      %swap3A = arith.constant 0 : index
      %swap3A_59 = arith.constant 0 : index
      %swap3A_60 = vector.load %arg10[%swap3A, %swap3A_59] : memref<1000x64xf32, #tpu.memory_space<vmem>>, vector<1000x64xf32>
      tpu.vector_store %arg10[%swap3A, %swap3A_59], %select_n3A {strides = array<i32>} : memref<1000x64xf32, #tpu.memory_space<vmem>>, vector<1000x64xf32>,
    } else {
    }
    return
  }
  func.func @transform_0(%arg0: i32) -> (i32, i32, i32) {
    %min3A = arith.constant 9 : i32
    %min3A_0 = arith.minsi %arg0, %min3A : i32
    %c0_i32 = arith.constant 0 : i32
    %c0_i32_1 = arith.constant 0 : i32
    %c0_i32_2 = arith.constant 0 : i32
    return %c0_i32, %min3A_0, %c0_i32_1 : i32, i32, i32
  }
  func.func @transform_1(%arg0: i32) -> (i32, i32, i32) {
    %min3A = arith.constant 9 : i32
    %min3A_0 = arith.minsi %arg0, %min3A : i32
    %c0_i32 = arith.constant 0 : i32
    %c0_i32_1 = arith.constant 0 : i32
    %c0_i32_2 = arith.constant 0 : i32
    return %c0_i32, %min3A_0, %c0_i32_1 : i32, i32, i32
  }
  func.func @transform_2(%arg0: i32) -> (i32, i32, i32) {
    %min3A = arith.constant 9 : i32
    %min3A_0 = arith.minsi %arg0, %min3A : i32
    %c0_i32 = arith.constant 0 : i32
    %c0_i32_1 = arith.constant 0 : i32
    %c0_i32_2 = arith.constant 0 : i32
    return %c0_i32, %min3A_0, %c0_i32_1 : i32, i32, i32
  }
  func.func @transform_3(%arg0: i32) -> (i32, i32) {
    %min3A = arith.constant 9 : i32
    %min3A_0 = arith.minsi %arg0, %min3A : i32
    %c0_i32 = arith.constant 0 : i32
    %c0_i32_1 = arith.constant 0 : i32
    return %min3A_0, %c0_i32 : i32, i32
  }
  func.func @transform_4(%arg0: i32) -> (i32, i32) {
    %c0_i32 = arith.constant 0 : i32
    %c0_i32_0 = arith.constant 0 : i32
    %c0_i32_1 = arith.constant 0 : i32
    return %c0_i32, %c0_i32_0 : i32, i32
  }
  func.func @transform_5(%arg0: i32) -> (i32, i32) {
    %c0_i32 = arith.constant 0 : i32
    %c0_i32_0 = arith.constant 0 : i32
    %c0_i32_1 = arith.constant 0 : i32
    return %c0_i32, %c0_i32_0 : i32, i32
  }
  func.func @transform_6(%arg0: i32) -> (i32, i32) {
    %c0_i32 = arith.constant 0 : i32
    %c0_i32_0 = arith.constant 0 : i32
    %c0_i32_1 = arith.constant 0 : i32
    return %c0_i32, %c0_i32_0 : i32, i32
  }
  func.func @transform_7(%arg0: i32) -> (i32, i32) {
    %c0_i32 = arith.constant 0 : i32
    %c0_i32_0 = arith.constant 0 : i32
    %c0_i32_1 = arith.constant 0 : i32
    return %c0_i32, %c0_i32_0 : i32, i32
  }
  func.func @transform_8(%arg0: i32) -> (i32, i32) {
    %c0_i32 = arith.constant 0 : i32
    %c0_i32_0 = arith.constant 0 : i32
    %c0_i32_1 = arith.constant 0 : i32
    return %c0_i32, %c0_i32_0 : i32, i32
  }
  func.func @transform_9(%arg0: i32) -> (i32, i32) {
    %sub3A = arith.constant 10 : i32
    %sub3A_0 = arith.subi %arg0, %sub3A : i32
    %max3A = arith.constant 0 : i32
    %max3A_1 = arith.maxsi %sub3A_0, %max3A : i32
    %c0_i32 = arith.constant 0 : i32
    %c0_i32_2 = arith.constant 0 : i32
    return %max3A_1, %c0_i32 : i32, i32
  }
  func.func @transform_10(%arg0: i32) -> (i32, i32) {
    %min3A = arith.constant 9 : i32
    %min3A_0 = arith.minsi %arg0, %min3A : i32
    %c0_i32 = arith.constant 0 : i32
    %c0_i32_1 = arith.constant 0 : i32
    return %min3A_0, %c0_i32 : i32, i32
  }
}

module attributes {stable_mosaic.version = 14 : i64} {
  func.func @_uh_body(%arg0: i32, %arg1: memref<2x1000x64xf32, #tpu.memory_space<vmem>>, %arg2: memref<1000x1xf32, #tpu.memory_space<vmem>>, %arg3: memref<1000x64xf32, #tpu.memory_space<vmem>>, %arg4: memref<64x64xf32, #tpu.memory_space<vmem>>, %arg5: memref<1x64xf32, #tpu.memory_space<vmem>>, %arg6: memref<64x64xf32, #tpu.memory_space<vmem>>, %arg7: memref<1x64xf32, #tpu.memory_space<vmem>>, %arg8: memref<1x64xf32, #tpu.memory_space<vmem>>, %arg9: memref<1000x64xf32, #tpu.memory_space<vmem>>, %arg10: memref<10x1000x64xf32, #tpu.memory_space<vmem>>, %arg11: memref<10x1x64xf32, #tpu.memory_space<vmem>>, %arg12: memref<10x1x64xf32, #tpu.memory_space<vmem>>) attributes {dimension_semantics = [#tpu.dimension_semantics<arbitrary>], iteration_bounds = array<i64: 20>, scalar_prefetch = 0 : i64, scratch_operands = 3 : i64, tpu.core_type = #tpu.core_type<tc>, window_params = [{transform_indices = @transform_0, window_bounds = array<i64: 2, 1000, 64>}, {transform_indices = @transform_1, window_bounds = array<i64: 1000, 1>}, {transform_indices = @transform_2, window_bounds = array<i64: 1000, 64>}, {pipeline_mode = #tpu.pipeline_mode<synchronous>, transform_indices = @transform_3, window_bounds = array<i64: 64, 64>}, {pipeline_mode = #tpu.pipeline_mode<synchronous>, transform_indices = @transform_4, window_bounds = array<i64: 1, 64>}, {pipeline_mode = #tpu.pipeline_mode<synchronous>, transform_indices = @transform_5, window_bounds = array<i64: 64, 64>}, {pipeline_mode = #tpu.pipeline_mode<synchronous>, transform_indices = @transform_6, window_bounds = array<i64: 1, 64>}, {pipeline_mode = #tpu.pipeline_mode<synchronous>, transform_indices = @transform_7, window_bounds = array<i64: 1, 64>}, {transform_indices = @transform_8, window_bounds = array<i64: 1000, 64>}]} {
    %lt3A = arith.constant 10 : i32
    %lt3A_0 = arith.cmpi slt, %arg0, %lt3A : i32
    %convert_element_type3A = arith.extui %lt3A_0 : i1 to i32
    %cond3A = arith.constant 0 : i32
    %cond3A_1 = arith.cmpi ne, %convert_element_type3A, %cond3A : i32
    scf.if %cond3A_1 {
      %get3A = arith.constant 0 : index
      %get3A_6 = arith.constant 0 : index
      %get3A_7 = arith.constant 0 : index
      %get3A_8 = vector.load %arg1[%get3A, %get3A_6, %get3A_7] : memref<2x1000x64xf32, #tpu.memory_space<vmem>>, vector<1x1000x64xf32>
      %get3A_9 = vector.shape_cast %get3A_8 : vector<1x1000x64xf32> to vector<1000x64xf32>
      %get3A_10 = arith.constant 1 : index
      %get3A_11 = arith.constant 0 : index
      %get3A_12 = arith.constant 0 : index
      %get3A_13 = vector.load %arg1[%get3A_10, %get3A_11, %get3A_12] : memref<2x1000x64xf32, #tpu.memory_space<vmem>>, vector<1x1000x64xf32>
      %get3A_14 = vector.shape_cast %get3A_13 : vector<1x1000x64xf32> to vector<1000x64xf32>
      %add3A = arith.addf %get3A_9, %get3A_14 : vector<1000x64xf32>
      %get3A_15 = arith.constant 0 : index
      %get3A_16 = arith.constant 0 : index
      %get3A_17 = vector.load %arg2[%get3A_15, %get3A_16] : memref<1000x1xf32, #tpu.memory_space<vmem>>, vector<1000x1xf32>
      %div3A = vector.broadcast %get3A_17 : vector<1000x1xf32> to vector<1000x64xf32>
      %div3A_18 = arith.divf %add3A, %div3A : vector<1000x64xf32>
      %get3A_19 = arith.constant 0 : index
      %get3A_20 = arith.constant 0 : index
      %get3A_21 = vector.load %arg4[%get3A_19, %get3A_20] : memref<64x64xf32, #tpu.memory_space<vmem>>, vector<64x64xf32>
      %dot_general3A = arith.constant dense<0.000000e+00> : vector<1000x64xf32>
      %dot_general3A_22 = tpu.matmul %div3A_18, %get3A_21, %dot_general3A {dimension_numbers = #tpu.dot_dimension_numbers<[1], [0], [0], [1], [0, 0, 1, 1], [], []>, transpose_lhs_hint = false} : vector<1000x64xf32>, vector<64x64xf32>, vector<1000x64xf32> -> vector<1000x64xf32>
      %get3A_23 = arith.constant 0 : index
      %get3A_24 = arith.constant 0 : index
      %get3A_25 = vector.load %arg5[%get3A_23, %get3A_24] : memref<1x64xf32, #tpu.memory_space<vmem>>, vector<1x64xf32>
      %add3A_26 = vector.broadcast %get3A_25 : vector<1x64xf32> to vector<1000x64xf32>
      %add3A_27 = arith.addf %dot_general3A_22, %add3A_26 : vector<1000x64xf32>
      %get3A_28 = arith.constant 0 : index
      %get3A_29 = arith.constant 0 : index
      %get3A_30 = vector.load %arg3[%get3A_28, %get3A_29] : memref<1000x64xf32, #tpu.memory_space<vmem>>, vector<1000x64xf32>
      %get3A_31 = arith.constant 0 : index
      %get3A_32 = arith.constant 0 : index
      %get3A_33 = vector.load %arg6[%get3A_31, %get3A_32] : memref<64x64xf32, #tpu.memory_space<vmem>>, vector<64x64xf32>
      %dot_general3A_34 = arith.constant dense<0.000000e+00> : vector<1000x64xf32>
      %dot_general3A_35 = tpu.matmul %get3A_30, %get3A_33, %dot_general3A_34 {dimension_numbers = #tpu.dot_dimension_numbers<[1], [0], [0], [1], [0, 0, 1, 1], [], []>, transpose_lhs_hint = false} : vector<1000x64xf32>, vector<64x64xf32>, vector<1000x64xf32> -> vector<1000x64xf32>
      %add3A_36 = arith.addf %add3A_27, %dot_general3A_35 : vector<1000x64xf32>
      %swap3A = arith.index_cast %arg0 : i32 to index
      %swap3A_37 = arith.constant 0 : index
      %swap3A_38 = arith.constant 0 : index
      %swap3A_39 = vector.load %arg10[%swap3A, %swap3A_37, %swap3A_38] : memref<10x1000x64xf32, #tpu.memory_space<vmem>>, vector<1x1000x64xf32>
      %swap3A_40 = vector.shape_cast %swap3A_39 : vector<1x1000x64xf32> to vector<1000x64xf32>
      %swap3A_41 = vector.shape_cast %add3A_36 : vector<1000x64xf32> to vector<1x1000x64xf32>
      tpu.vector_store %arg10[%swap3A, %swap3A_37, %swap3A_38], %swap3A_41 {strides = array<i32>} : memref<10x1000x64xf32, #tpu.memory_space<vmem>>, vector<1x1000x64xf32>,
      %reduce_sum3A = arith.constant dense<0.000000e+00> : vector<64xf32>
      %reduce_sum3A_42 = vector.multi_reduction <add>, %add3A_36, %reduce_sum3A [0] : vector<1000x64xf32> to vector<64xf32>
      %broadcast_in_dim3A = vector.shape_cast %reduce_sum3A_42 : vector<64xf32> to vector<1x64xf32>
      %mul3A = arith.constant 1.000000e-03 : f32
      %mul3A_43 = vector.broadcast %mul3A : f32 to vector<1x64xf32>
      %mul3A_44 = arith.mulf %broadcast_in_dim3A, %mul3A_43 : vector<1x64xf32>
      %sub3A = vector.broadcast %mul3A_44 : vector<1x64xf32> to vector<1000x64xf32>
      %sub3A_45 = arith.subf %add3A_36, %sub3A : vector<1000x64xf32>
      %swap3A_46 = arith.index_cast %arg0 : i32 to index
      %swap3A_47 = arith.constant 0 : index
      %swap3A_48 = arith.constant 0 : index
      %swap3A_49 = vector.load %arg11[%swap3A_46, %swap3A_47, %swap3A_48] : memref<10x1x64xf32, #tpu.memory_space<vmem>>, vector<1x1x64xf32>
      %swap3A_50 = vector.shape_cast %swap3A_49 : vector<1x1x64xf32> to vector<1x64xf32>
      %swap3A_51 = vector.shape_cast %broadcast_in_dim3A : vector<1x64xf32> to vector<1x1x64xf32>
      tpu.vector_store %arg11[%swap3A_46, %swap3A_47, %swap3A_48], %swap3A_51 {strides = array<i32>} : memref<10x1x64xf32, #tpu.memory_space<vmem>>, vector<1x1x64xf32>,
      %mul3A_52 = arith.mulf %sub3A_45, %sub3A_45 : vector<1000x64xf32>
      %reduce_sum3A_53 = arith.constant dense<0.000000e+00> : vector<64xf32>
      %reduce_sum3A_54 = vector.multi_reduction <add>, %mul3A_52, %reduce_sum3A_53 [0] : vector<1000x64xf32> to vector<64xf32>
      %broadcast_in_dim3A_55 = vector.shape_cast %reduce_sum3A_54 : vector<64xf32> to vector<1x64xf32>
      %swap3A_56 = arith.index_cast %arg0 : i32 to index
      %swap3A_57 = arith.constant 0 : index
      %swap3A_58 = arith.constant 0 : index
      %swap3A_59 = vector.load %arg12[%swap3A_56, %swap3A_57, %swap3A_58] : memref<10x1x64xf32, #tpu.memory_space<vmem>>, vector<1x1x64xf32>
      %swap3A_60 = vector.shape_cast %swap3A_59 : vector<1x1x64xf32> to vector<1x64xf32>
      %swap3A_61 = vector.shape_cast %broadcast_in_dim3A_55 : vector<1x64xf32> to vector<1x1x64xf32>
      tpu.vector_store %arg12[%swap3A_56, %swap3A_57, %swap3A_58], %swap3A_61 {strides = array<i32>} : memref<10x1x64xf32, #tpu.memory_space<vmem>>, vector<1x1x64xf32>,
    } else {
    }
    %ge3A = arith.constant 10 : i32
    %ge3A_2 = arith.cmpi sge, %arg0, %ge3A : i32
    %convert_element_type3A_3 = arith.extui %ge3A_2 : i1 to i32
    %cond3A_4 = arith.constant 0 : i32
    %cond3A_5 = arith.cmpi ne, %convert_element_type3A_3, %cond3A_4 : i32
    scf.if %cond3A_5 {
      %sub3A = arith.constant 10 : i32
      %sub3A_6 = arith.subi %arg0, %sub3A : i32
      %get3A = arith.index_cast %sub3A_6 : i32 to index
      %get3A_7 = arith.constant 0 : index
      %get3A_8 = arith.constant 0 : index
      %get3A_9 = vector.load %arg10[%get3A, %get3A_7, %get3A_8] : memref<10x1000x64xf32, #tpu.memory_space<vmem>>, vector<1x1000x64xf32>
      %get3A_10 = vector.shape_cast %get3A_9 : vector<1x1000x64xf32> to vector<1000x64xf32>
      %get3A_11 = arith.constant 0 : index
      %get3A_12 = arith.constant 0 : index
      %get3A_13 = arith.constant 0 : index
      %get3A_14 = vector.load %arg11[%get3A_11, %get3A_12, %get3A_13] : memref<10x1x64xf32, #tpu.memory_space<vmem>>, vector<10x1x64xf32>
      %get3A_15 = arith.constant 0 : index
      %get3A_16 = arith.constant 0 : index
      %get3A_17 = arith.constant 0 : index
      %get3A_18 = vector.load %arg12[%get3A_15, %get3A_16, %get3A_17] : memref<10x1x64xf32, #tpu.memory_space<vmem>>, vector<10x1x64xf32>
      %get3A_19 = arith.constant 0 : index
      %get3A_20 = arith.constant 0 : index
      %get3A_21 = vector.load %arg7[%get3A_19, %get3A_20] : memref<1x64xf32, #tpu.memory_space<vmem>>, vector<1x64xf32>
      %get3A_22 = arith.constant 0 : index
      %get3A_23 = arith.constant 0 : index
      %get3A_24 = vector.load %arg8[%get3A_22, %get3A_23] : memref<1x64xf32, #tpu.memory_space<vmem>>, vector<1x64xf32>
      %reduce_sum3A = arith.constant dense<0.000000e+00> : vector<1x64xf32>
      %reduce_sum3A_25 = vector.multi_reduction <add>, %get3A_14, %reduce_sum3A [0] : vector<10x1x64xf32> to vector<1x64xf32>
      %mul3A = arith.constant 9.99999974E-5 : f32
      %mul3A_26 = vector.broadcast %mul3A : f32 to vector<1x64xf32>
      %mul3A_27 = arith.mulf %reduce_sum3A_25, %mul3A_26 : vector<1x64xf32>
      %mul3A_28 = arith.constant 1.000000e-03 : f32
      %mul3A_29 = vector.broadcast %mul3A_28 : f32 to vector<10x1x64xf32>
      %mul3A_30 = arith.mulf %get3A_14, %mul3A_29 : vector<10x1x64xf32>
      %broadcast_in_dim3A = vector.shape_cast %mul3A_27 : vector<1x64xf32> to vector<1x1x64xf32>
      %sub3A_31 = vector.broadcast %broadcast_in_dim3A : vector<1x1x64xf32> to vector<10x1x64xf32>
      %sub3A_32 = arith.subf %mul3A_30, %sub3A_31 : vector<10x1x64xf32>
      %reduce_sum3A_33 = arith.constant dense<0.000000e+00> : vector<1x64xf32>
      %reduce_sum3A_34 = vector.multi_reduction <add>, %get3A_18, %reduce_sum3A_33 [0] : vector<10x1x64xf32> to vector<1x64xf32>
      %mul3A_35 = arith.mulf %sub3A_32, %sub3A_32 : vector<10x1x64xf32>
      %reduce_sum3A_36 = arith.constant dense<0.000000e+00> : vector<1x64xf32>
      %reduce_sum3A_37 = vector.multi_reduction <add>, %mul3A_35, %reduce_sum3A_36 [0] : vector<10x1x64xf32> to vector<1x64xf32>
      %mul3A_38 = arith.constant 1.000000e+03 : f32
      %mul3A_39 = vector.broadcast %mul3A_38 : f32 to vector<1x64xf32>
      %mul3A_40 = arith.mulf %reduce_sum3A_37, %mul3A_39 : vector<1x64xf32>
      %add3A = arith.addf %reduce_sum3A_34, %mul3A_40 : vector<1x64xf32>
      %mul3A_41 = arith.constant 9.99999974E-5 : f32
      %mul3A_42 = vector.broadcast %mul3A_41 : f32 to vector<1x64xf32>
      %mul3A_43 = arith.mulf %add3A, %mul3A_42 : vector<1x64xf32>
      %sub3A_44 = vector.broadcast %mul3A_27 : vector<1x64xf32> to vector<1000x64xf32>
      %sub3A_45 = arith.subf %get3A_10, %sub3A_44 : vector<1000x64xf32>
      %add3A_46 = arith.constant 9.99999974E-6 : f32
      %add3A_47 = vector.broadcast %add3A_46 : f32 to vector<1x64xf32>
      %add3A_48 = arith.addf %mul3A_43, %add3A_47 : vector<1x64xf32>
      %sqrt3A = math.sqrt %add3A_48 : vector<1x64xf32>
      %div3A = vector.broadcast %sqrt3A : vector<1x64xf32> to vector<1000x64xf32>
      %div3A_49 = arith.divf %sub3A_45, %div3A : vector<1000x64xf32>
      %mul3A_50 = vector.broadcast %get3A_21 : vector<1x64xf32> to vector<1000x64xf32>
      %mul3A_51 = arith.mulf %div3A_49, %mul3A_50 : vector<1000x64xf32>
      %add3A_52 = vector.broadcast %get3A_24 : vector<1x64xf32> to vector<1000x64xf32>
      %add3A_53 = arith.addf %mul3A_51, %add3A_52 : vector<1000x64xf32>
      %gt3A = arith.constant 0.000000e+00 : f32
      %gt3A_54 = vector.broadcast %gt3A : f32 to vector<1000x64xf32>
      %gt3A_55 = arith.cmpf ogt, %add3A_53, %gt3A_54 : vector<1000x64xf32>
      %exp3A = math.exp %add3A_53 : vector<1000x64xf32>
      %sub3A_56 = arith.constant 1.000000e+00 : f32
      %sub3A_57 = vector.broadcast %sub3A_56 : f32 to vector<1000x64xf32>
      %sub3A_58 = arith.subf %exp3A, %sub3A_57 : vector<1000x64xf32>
      %select_n3A = arith.select %gt3A_55, %add3A_53, %sub3A_58 : vector<1000x64xi1>, vector<1000x64xf32>
      %swap3A = arith.constant 0 : index
      %swap3A_59 = arith.constant 0 : index
      %swap3A_60 = vector.load %arg9[%swap3A, %swap3A_59] : memref<1000x64xf32, #tpu.memory_space<vmem>>, vector<1000x64xf32>
      tpu.vector_store %arg9[%swap3A, %swap3A_59], %select_n3A {strides = array<i32>} : memref<1000x64xf32, #tpu.memory_space<vmem>>, vector<1000x64xf32>,
    } else {
    }
    return
  }
  func.func @transform_0(%arg0: i32) -> (i32, i32, i32) {
    %min3A = arith.constant 9 : i32
    %min3A_0 = arith.minsi %arg0, %min3A : i32
    %c0_i32 = arith.constant 0 : i32
    %c0_i32_1 = arith.constant 0 : i32
    %c0_i32_2 = arith.constant 0 : i32
    return %c0_i32, %min3A_0, %c0_i32_1 : i32, i32, i32
  }
  func.func @transform_1(%arg0: i32) -> (i32, i32) {
    %min3A = arith.constant 9 : i32
    %min3A_0 = arith.minsi %arg0, %min3A : i32
    %c0_i32 = arith.constant 0 : i32
    %c0_i32_1 = arith.constant 0 : i32
    return %min3A_0, %c0_i32 : i32, i32
  }
  func.func @transform_2(%arg0: i32) -> (i32, i32) {
    %min3A = arith.constant 9 : i32
    %min3A_0 = arith.minsi %arg0, %min3A : i32
    %c0_i32 = arith.constant 0 : i32
    %c0_i32_1 = arith.constant 0 : i32
    return %min3A_0, %c0_i32 : i32, i32
  }
  func.func @transform_3(%arg0: i32) -> (i32, i32) {
    %c0_i32 = arith.constant 0 : i32
    %c0_i32_0 = arith.constant 0 : i32
    %c0_i32_1 = arith.constant 0 : i32
    return %c0_i32, %c0_i32_0 : i32, i32
  }
  func.func @transform_4(%arg0: i32) -> (i32, i32) {
    %c0_i32 = arith.constant 0 : i32
    %c0_i32_0 = arith.constant 0 : i32
    %c0_i32_1 = arith.constant 0 : i32
    return %c0_i32, %c0_i32_0 : i32, i32
  }
  func.func @transform_5(%arg0: i32) -> (i32, i32) {
    %c0_i32 = arith.constant 0 : i32
    %c0_i32_0 = arith.constant 0 : i32
    %c0_i32_1 = arith.constant 0 : i32
    return %c0_i32, %c0_i32_0 : i32, i32
  }
  func.func @transform_6(%arg0: i32) -> (i32, i32) {
    %c0_i32 = arith.constant 0 : i32
    %c0_i32_0 = arith.constant 0 : i32
    %c0_i32_1 = arith.constant 0 : i32
    return %c0_i32, %c0_i32_0 : i32, i32
  }
  func.func @transform_7(%arg0: i32) -> (i32, i32) {
    %c0_i32 = arith.constant 0 : i32
    %c0_i32_0 = arith.constant 0 : i32
    %c0_i32_1 = arith.constant 0 : i32
    return %c0_i32, %c0_i32_0 : i32, i32
  }
  func.func @transform_8(%arg0: i32) -> (i32, i32) {
    %sub3A = arith.constant 10 : i32
    %sub3A_0 = arith.subi %arg0, %sub3A : i32
    %max3A = arith.constant 0 : i32
    %max3A_1 = arith.maxsi %sub3A_0, %max3A : i32
    %c0_i32 = arith.constant 0 : i32
    %c0_i32_2 = arith.constant 0 : i32
    return %max3A_1, %c0_i32 : i32, i32
  }
}

module attributes {stable_mosaic.version = 14 : i64} {
  func.func @_upool_body(%arg0: i32, %arg1: memref<2x1000x64xf32, #tpu.memory_space<vmem>>, %arg2: memref<1000x1xf32, #tpu.memory_space<vmem>>, %arg3: memref<1000x64xf32, #tpu.memory_space<vmem>>, %arg4: memref<64x64xf32, #tpu.memory_space<vmem>>, %arg5: memref<1x64xf32, #tpu.memory_space<vmem>>, %arg6: memref<64x64xf32, #tpu.memory_space<vmem>>, %arg7: memref<1x64xf32, #tpu.memory_space<vmem>>, %arg8: memref<1x64xf32, #tpu.memory_space<vmem>>, %arg9: memref<1000x1xi32, #tpu.memory_space<vmem>>, %arg10: memref<128x64xf32, #tpu.memory_space<vmem>>, %arg11: memref<1x64xf32, #tpu.memory_space<vmem>>, %arg12: memref<1x64xf32, #tpu.memory_space<vmem>>, %arg13: memref<1x64xf32, #tpu.memory_space<vmem>>, %arg14: memref<64x4xf32, #tpu.memory_space<vmem>>, %arg15: memref<1x4xf32, #tpu.memory_space<vmem>>, %arg16: memref<16x4xf32, #tpu.memory_space<vmem>>, %arg17: memref<10x1000x64xf32, #tpu.memory_space<vmem>>, %arg18: memref<10x1x64xf32, #tpu.memory_space<vmem>>, %arg19: memref<10x1x64xf32, #tpu.memory_space<vmem>>, %arg20: memref<16x64xf32, #tpu.memory_space<vmem>>, %arg21: memref<16x64xf32, #tpu.memory_space<vmem>>, %arg22: memref<16x1xf32, #tpu.memory_space<vmem>>) attributes {dimension_semantics = [#tpu.dimension_semantics<arbitrary>], iteration_bounds = array<i64: 20>, scalar_prefetch = 0 : i64, scratch_operands = 6 : i64, tpu.core_type = #tpu.core_type<tc>, window_params = [{transform_indices = @transform_0, window_bounds = array<i64: 2, 1000, 64>}, {transform_indices = @transform_1, window_bounds = array<i64: 1000, 1>}, {transform_indices = @transform_2, window_bounds = array<i64: 1000, 64>}, {pipeline_mode = #tpu.pipeline_mode<synchronous>, transform_indices = @transform_3, window_bounds = array<i64: 64, 64>}, {pipeline_mode = #tpu.pipeline_mode<synchronous>, transform_indices = @transform_4, window_bounds = array<i64: 1, 64>}, {pipeline_mode = #tpu.pipeline_mode<synchronous>, transform_indices = @transform_5, window_bounds = array<i64: 64, 64>}, {pipeline_mode = #tpu.pipeline_mode<synchronous>, transform_indices = @transform_6, window_bounds = array<i64: 1, 64>}, {pipeline_mode = #tpu.pipeline_mode<synchronous>, transform_indices = @transform_7, window_bounds = array<i64: 1, 64>}, {transform_indices = @transform_8, window_bounds = array<i64: 1000, 1>}, {pipeline_mode = #tpu.pipeline_mode<synchronous>, transform_indices = @transform_9, window_bounds = array<i64: 128, 64>}, {pipeline_mode = #tpu.pipeline_mode<synchronous>, transform_indices = @transform_10, window_bounds = array<i64: 1, 64>}, {pipeline_mode = #tpu.pipeline_mode<synchronous>, transform_indices = @transform_11, window_bounds = array<i64: 1, 64>}, {pipeline_mode = #tpu.pipeline_mode<synchronous>, transform_indices = @transform_12, window_bounds = array<i64: 1, 64>}, {pipeline_mode = #tpu.pipeline_mode<synchronous>, transform_indices = @transform_13, window_bounds = array<i64: 64, 4>}, {pipeline_mode = #tpu.pipeline_mode<synchronous>, transform_indices = @transform_14, window_bounds = array<i64: 1, 4>}, {pipeline_mode = #tpu.pipeline_mode<synchronous>, transform_indices = @transform_15, window_bounds = array<i64: 16, 4>}]} {
    %lt3A = arith.constant 10 : i32
    %lt3A_0 = arith.cmpi slt, %arg0, %lt3A : i32
    %convert_element_type3A = arith.extui %lt3A_0 : i1 to i32
    %cond3A = arith.constant 0 : i32
    %cond3A_1 = arith.cmpi ne, %convert_element_type3A, %cond3A : i32
    scf.if %cond3A_1 {
      %get3A = arith.constant 0 : index
      %get3A_6 = arith.constant 0 : index
      %get3A_7 = arith.constant 0 : index
      %get3A_8 = vector.load %arg1[%get3A, %get3A_6, %get3A_7] : memref<2x1000x64xf32, #tpu.memory_space<vmem>>, vector<1x1000x64xf32>
      %get3A_9 = vector.shape_cast %get3A_8 : vector<1x1000x64xf32> to vector<1000x64xf32>
      %get3A_10 = arith.constant 1 : index
      %get3A_11 = arith.constant 0 : index
      %get3A_12 = arith.constant 0 : index
      %get3A_13 = vector.load %arg1[%get3A_10, %get3A_11, %get3A_12] : memref<2x1000x64xf32, #tpu.memory_space<vmem>>, vector<1x1000x64xf32>
      %get3A_14 = vector.shape_cast %get3A_13 : vector<1x1000x64xf32> to vector<1000x64xf32>
      %add3A = arith.addf %get3A_9, %get3A_14 : vector<1000x64xf32>
      %get3A_15 = arith.constant 0 : index
      %get3A_16 = arith.constant 0 : index
      %get3A_17 = vector.load %arg2[%get3A_15, %get3A_16] : memref<1000x1xf32, #tpu.memory_space<vmem>>, vector<1000x1xf32>
      %div3A = vector.broadcast %get3A_17 : vector<1000x1xf32> to vector<1000x64xf32>
      %div3A_18 = arith.divf %add3A, %div3A : vector<1000x64xf32>
      %get3A_19 = arith.constant 0 : index
      %get3A_20 = arith.constant 0 : index
      %get3A_21 = vector.load %arg4[%get3A_19, %get3A_20] : memref<64x64xf32, #tpu.memory_space<vmem>>, vector<64x64xf32>
      %dot_general3A = arith.constant dense<0.000000e+00> : vector<1000x64xf32>
      %dot_general3A_22 = tpu.matmul %div3A_18, %get3A_21, %dot_general3A {dimension_numbers = #tpu.dot_dimension_numbers<[1], [0], [0], [1], [0, 0, 1, 1], [], []>, transpose_lhs_hint = false} : vector<1000x64xf32>, vector<64x64xf32>, vector<1000x64xf32> -> vector<1000x64xf32>
      %get3A_23 = arith.constant 0 : index
      %get3A_24 = arith.constant 0 : index
      %get3A_25 = vector.load %arg5[%get3A_23, %get3A_24] : memref<1x64xf32, #tpu.memory_space<vmem>>, vector<1x64xf32>
      %add3A_26 = vector.broadcast %get3A_25 : vector<1x64xf32> to vector<1000x64xf32>
      %add3A_27 = arith.addf %dot_general3A_22, %add3A_26 : vector<1000x64xf32>
      %get3A_28 = arith.constant 0 : index
      %get3A_29 = arith.constant 0 : index
      %get3A_30 = vector.load %arg3[%get3A_28, %get3A_29] : memref<1000x64xf32, #tpu.memory_space<vmem>>, vector<1000x64xf32>
      %get3A_31 = arith.constant 0 : index
      %get3A_32 = arith.constant 0 : index
      %get3A_33 = vector.load %arg6[%get3A_31, %get3A_32] : memref<64x64xf32, #tpu.memory_space<vmem>>, vector<64x64xf32>
      %dot_general3A_34 = arith.constant dense<0.000000e+00> : vector<1000x64xf32>
      %dot_general3A_35 = tpu.matmul %get3A_30, %get3A_33, %dot_general3A_34 {dimension_numbers = #tpu.dot_dimension_numbers<[1], [0], [0], [1], [0, 0, 1, 1], [], []>, transpose_lhs_hint = false} : vector<1000x64xf32>, vector<64x64xf32>, vector<1000x64xf32> -> vector<1000x64xf32>
      %add3A_36 = arith.addf %add3A_27, %dot_general3A_35 : vector<1000x64xf32>
      %swap3A = arith.index_cast %arg0 : i32 to index
      %swap3A_37 = arith.constant 0 : index
      %swap3A_38 = arith.constant 0 : index
      %swap3A_39 = vector.load %arg17[%swap3A, %swap3A_37, %swap3A_38] : memref<10x1000x64xf32, #tpu.memory_space<vmem>>, vector<1x1000x64xf32>
      %swap3A_40 = vector.shape_cast %swap3A_39 : vector<1x1000x64xf32> to vector<1000x64xf32>
      %swap3A_41 = vector.shape_cast %add3A_36 : vector<1000x64xf32> to vector<1x1000x64xf32>
      tpu.vector_store %arg17[%swap3A, %swap3A_37, %swap3A_38], %swap3A_41 {strides = array<i32>} : memref<10x1000x64xf32, #tpu.memory_space<vmem>>, vector<1x1000x64xf32>,
      %reduce_sum3A = arith.constant dense<0.000000e+00> : vector<64xf32>
      %reduce_sum3A_42 = vector.multi_reduction <add>, %add3A_36, %reduce_sum3A [0] : vector<1000x64xf32> to vector<64xf32>
      %broadcast_in_dim3A = vector.shape_cast %reduce_sum3A_42 : vector<64xf32> to vector<1x64xf32>
      %mul3A = arith.constant 1.000000e-03 : f32
      %mul3A_43 = vector.broadcast %mul3A : f32 to vector<1x64xf32>
      %mul3A_44 = arith.mulf %broadcast_in_dim3A, %mul3A_43 : vector<1x64xf32>
      %sub3A = vector.broadcast %mul3A_44 : vector<1x64xf32> to vector<1000x64xf32>
      %sub3A_45 = arith.subf %add3A_36, %sub3A : vector<1000x64xf32>
      %swap3A_46 = arith.index_cast %arg0 : i32 to index
      %swap3A_47 = arith.constant 0 : index
      %swap3A_48 = arith.constant 0 : index
      %swap3A_49 = vector.load %arg18[%swap3A_46, %swap3A_47, %swap3A_48] : memref<10x1x64xf32, #tpu.memory_space<vmem>>, vector<1x1x64xf32>
      %swap3A_50 = vector.shape_cast %swap3A_49 : vector<1x1x64xf32> to vector<1x64xf32>
      %swap3A_51 = vector.shape_cast %broadcast_in_dim3A : vector<1x64xf32> to vector<1x1x64xf32>
      tpu.vector_store %arg18[%swap3A_46, %swap3A_47, %swap3A_48], %swap3A_51 {strides = array<i32>} : memref<10x1x64xf32, #tpu.memory_space<vmem>>, vector<1x1x64xf32>,
      %mul3A_52 = arith.mulf %sub3A_45, %sub3A_45 : vector<1000x64xf32>
      %reduce_sum3A_53 = arith.constant dense<0.000000e+00> : vector<64xf32>
      %reduce_sum3A_54 = vector.multi_reduction <add>, %mul3A_52, %reduce_sum3A_53 [0] : vector<1000x64xf32> to vector<64xf32>
      %broadcast_in_dim3A_55 = vector.shape_cast %reduce_sum3A_54 : vector<64xf32> to vector<1x64xf32>
      %swap3A_56 = arith.index_cast %arg0 : i32 to index
      %swap3A_57 = arith.constant 0 : index
      %swap3A_58 = arith.constant 0 : index
      %swap3A_59 = vector.load %arg19[%swap3A_56, %swap3A_57, %swap3A_58] : memref<10x1x64xf32, #tpu.memory_space<vmem>>, vector<1x1x64xf32>
      %swap3A_60 = vector.shape_cast %swap3A_59 : vector<1x1x64xf32> to vector<1x64xf32>
      %swap3A_61 = vector.shape_cast %broadcast_in_dim3A_55 : vector<1x64xf32> to vector<1x1x64xf32>
      tpu.vector_store %arg19[%swap3A_56, %swap3A_57, %swap3A_58], %swap3A_61 {strides = array<i32>} : memref<10x1x64xf32, #tpu.memory_space<vmem>>, vector<1x1x64xf32>,
    } else {
    }
    %ge3A = arith.constant 10 : i32
    %ge3A_2 = arith.cmpi sge, %arg0, %ge3A : i32
    %convert_element_type3A_3 = arith.extui %ge3A_2 : i1 to i32
    %cond3A_4 = arith.constant 0 : i32
    %cond3A_5 = arith.cmpi ne, %convert_element_type3A_3, %cond3A_4 : i32
    scf.if %cond3A_5 {
      %sub3A = arith.constant 10 : i32
      %sub3A_6 = arith.subi %arg0, %sub3A : i32
      %get3A = arith.index_cast %sub3A_6 : i32 to index
      %get3A_7 = arith.constant 0 : index
      %get3A_8 = arith.constant 0 : index
      %get3A_9 = vector.load %arg17[%get3A, %get3A_7, %get3A_8] : memref<10x1000x64xf32, #tpu.memory_space<vmem>>, vector<1x1000x64xf32>
      %get3A_10 = vector.shape_cast %get3A_9 : vector<1x1000x64xf32> to vector<1000x64xf32>
      %get3A_11 = arith.constant 0 : index
      %get3A_12 = arith.constant 0 : index
      %get3A_13 = arith.constant 0 : index
      %get3A_14 = vector.load %arg18[%get3A_11, %get3A_12, %get3A_13] : memref<10x1x64xf32, #tpu.memory_space<vmem>>, vector<10x1x64xf32>
      %get3A_15 = arith.constant 0 : index
      %get3A_16 = arith.constant 0 : index
      %get3A_17 = arith.constant 0 : index
      %get3A_18 = vector.load %arg19[%get3A_15, %get3A_16, %get3A_17] : memref<10x1x64xf32, #tpu.memory_space<vmem>>, vector<10x1x64xf32>
      %get3A_19 = arith.constant 0 : index
      %get3A_20 = arith.constant 0 : index
      %get3A_21 = vector.load %arg7[%get3A_19, %get3A_20] : memref<1x64xf32, #tpu.memory_space<vmem>>, vector<1x64xf32>
      %get3A_22 = arith.constant 0 : index
      %get3A_23 = arith.constant 0 : index
      %get3A_24 = vector.load %arg8[%get3A_22, %get3A_23] : memref<1x64xf32, #tpu.memory_space<vmem>>, vector<1x64xf32>
      %reduce_sum3A = arith.constant dense<0.000000e+00> : vector<1x64xf32>
      %reduce_sum3A_25 = vector.multi_reduction <add>, %get3A_14, %reduce_sum3A [0] : vector<10x1x64xf32> to vector<1x64xf32>
      %mul3A = arith.constant 9.99999974E-5 : f32
      %mul3A_26 = vector.broadcast %mul3A : f32 to vector<1x64xf32>
      %mul3A_27 = arith.mulf %reduce_sum3A_25, %mul3A_26 : vector<1x64xf32>
      %mul3A_28 = arith.constant 1.000000e-03 : f32
      %mul3A_29 = vector.broadcast %mul3A_28 : f32 to vector<10x1x64xf32>
      %mul3A_30 = arith.mulf %get3A_14, %mul3A_29 : vector<10x1x64xf32>
      %broadcast_in_dim3A = vector.shape_cast %mul3A_27 : vector<1x64xf32> to vector<1x1x64xf32>
      %sub3A_31 = vector.broadcast %broadcast_in_dim3A : vector<1x1x64xf32> to vector<10x1x64xf32>
      %sub3A_32 = arith.subf %mul3A_30, %sub3A_31 : vector<10x1x64xf32>
      %reduce_sum3A_33 = arith.constant dense<0.000000e+00> : vector<1x64xf32>
      %reduce_sum3A_34 = vector.multi_reduction <add>, %get3A_18, %reduce_sum3A_33 [0] : vector<10x1x64xf32> to vector<1x64xf32>
      %mul3A_35 = arith.mulf %sub3A_32, %sub3A_32 : vector<10x1x64xf32>
      %reduce_sum3A_36 = arith.constant dense<0.000000e+00> : vector<1x64xf32>
      %reduce_sum3A_37 = vector.multi_reduction <add>, %mul3A_35, %reduce_sum3A_36 [0] : vector<10x1x64xf32> to vector<1x64xf32>
      %mul3A_38 = arith.constant 1.000000e+03 : f32
      %mul3A_39 = vector.broadcast %mul3A_38 : f32 to vector<1x64xf32>
      %mul3A_40 = arith.mulf %reduce_sum3A_37, %mul3A_39 : vector<1x64xf32>
      %add3A = arith.addf %reduce_sum3A_34, %mul3A_40 : vector<1x64xf32>
      %mul3A_41 = arith.constant 9.99999974E-5 : f32
      %mul3A_42 = vector.broadcast %mul3A_41 : f32 to vector<1x64xf32>
      %mul3A_43 = arith.mulf %add3A, %mul3A_42 : vector<1x64xf32>
      %sub3A_44 = vector.broadcast %mul3A_27 : vector<1x64xf32> to vector<1000x64xf32>
      %sub3A_45 = arith.subf %get3A_10, %sub3A_44 : vector<1000x64xf32>
      %add3A_46 = arith.constant 9.99999974E-6 : f32
      %add3A_47 = vector.broadcast %add3A_46 : f32 to vector<1x64xf32>
      %add3A_48 = arith.addf %mul3A_43, %add3A_47 : vector<1x64xf32>
      %sqrt3A = math.sqrt %add3A_48 : vector<1x64xf32>
      %div3A = vector.broadcast %sqrt3A : vector<1x64xf32> to vector<1000x64xf32>
      %div3A_49 = arith.divf %sub3A_45, %div3A : vector<1000x64xf32>
      %mul3A_50 = vector.broadcast %get3A_21 : vector<1x64xf32> to vector<1000x64xf32>
      %mul3A_51 = arith.mulf %div3A_49, %mul3A_50 : vector<1000x64xf32>
      %add3A_52 = vector.broadcast %get3A_24 : vector<1x64xf32> to vector<1000x64xf32>
      %add3A_53 = arith.addf %mul3A_51, %add3A_52 : vector<1000x64xf32>
      %gt3A = arith.constant 0.000000e+00 : f32
      %gt3A_54 = vector.broadcast %gt3A : f32 to vector<1000x64xf32>
      %gt3A_55 = arith.cmpf ogt, %add3A_53, %gt3A_54 : vector<1000x64xf32>
      %exp3A = math.exp %add3A_53 : vector<1000x64xf32>
      %sub3A_56 = arith.constant 1.000000e+00 : f32
      %sub3A_57 = vector.broadcast %sub3A_56 : f32 to vector<1000x64xf32>
      %sub3A_58 = arith.subf %exp3A, %sub3A_57 : vector<1000x64xf32>
      %select_n3A = arith.select %gt3A_55, %add3A_53, %sub3A_58 : vector<1000x64xi1>, vector<1000x64xf32>
      %get3A_59 = arith.constant 0 : index
      %get3A_60 = arith.constant 0 : index
      %get3A_61 = vector.load %arg9[%get3A_59, %get3A_60] : memref<1000x1xi32, #tpu.memory_space<vmem>>, vector<1000x1xi32>
      %iota3A = tpu.iota {dimensions = array<i32: 1>} : vector<1x16xi32>
      %eq3A = vector.broadcast %get3A_61 : vector<1000x1xi32> to vector<1000x16xi32>
      %eq3A_62 = vector.broadcast %iota3A : vector<1x16xi32> to vector<1000x16xi32>
      %eq3A_63 = arith.cmpi eq, %eq3A, %eq3A_62 : vector<1000x16xi32>
      %convert_element_type3A_64 = arith.extui %eq3A_63 : vector<1000x16xi1> to vector<1000x16xi32>
      %convert_element_type3A_65 = arith.sitofp %convert_element_type3A_64 : vector<1000x16xi32> to vector<1000x16xf32>
      %dot_general3A = arith.constant dense<0.000000e+00> : vector<16x64xf32>
      %dot_general3A_66 = tpu.matmul %convert_element_type3A_65, %select_n3A, %dot_general3A {dimension_numbers = #tpu.dot_dimension_numbers<[0], [0], [1], [1], [0, 1, 1, 1], [], []>, precision = #tpu.contract_precision<fp32>, transpose_lhs_hint = false} : vector<1000x16xf32>, vector<1000x64xf32>, vector<16x64xf32> -> vector<16x64xf32>
      %broadcast_in_dim3A_67 = arith.constant 1.000000e+00 : f32
      %broadcast_in_dim3A_68 = vector.broadcast %broadcast_in_dim3A_67 : f32 to vector<1000x1xf32>
      %dot_general3A_69 = arith.constant dense<0.000000e+00> : vector<16x1xf32>
      %dot_general3A_70 = tpu.matmul %convert_element_type3A_65, %broadcast_in_dim3A_68, %dot_general3A_69 {dimension_numbers = #tpu.dot_dimension_numbers<[0], [0], [1], [1], [0, 1, 1, 1], [], []>, precision = #tpu.contract_precision<fp32>, transpose_lhs_hint = false} : vector<1000x16xf32>, vector<1000x1xf32>, vector<16x1xf32> -> vector<16x1xf32>
      %eq3A_71 = arith.constant 0 : i32
      %eq3A_72 = vector.broadcast %eq3A_71 : i32 to vector<1000x1xi32>
      %eq3A_73 = arith.cmpi eq, %get3A_61, %eq3A_72 : vector<1000x1xi32>
      %jit3A = arith.constant 0xFF800000 : f32
      %broadcast_in_dim3A_74 = vector.shape_cast %eq3A_73 : vector<1000x1xi1> to vector<1000x1xi1>
      %broadcast_in_dim3A_75 = vector.broadcast %broadcast_in_dim3A_74 : vector<1000x1xi1> to vector<1000x64xi1>
      %broadcast_in_dim3A_76 = vector.broadcast %jit3A : f32 to vector<1000x64xf32>
      %select_n3A_77 = arith.select %broadcast_in_dim3A_75, %select_n3A, %broadcast_in_dim3A_76 : vector<1000x64xi1>, vector<1000x64xf32>
      %reduce_max3A = arith.constant dense<0xFF800000> : vector<64xf32>
      %reduce_max3A_78 = vector.multi_reduction <maximumf>, %select_n3A_77, %reduce_max3A [0] : vector<1000x64xf32> to vector<64xf32>
      %broadcast_in_dim3A_79 = vector.shape_cast %reduce_max3A_78 : vector<64xf32> to vector<1x64xf32>
      %eq3A_80 = arith.constant 1 : i32
      %eq3A_81 = vector.broadcast %eq3A_80 : i32 to vector<1000x1xi32>
      %eq3A_82 = arith.cmpi eq, %get3A_61, %eq3A_81 : vector<1000x1xi32>
      %jit3A_83 = arith.constant 0xFF800000 : f32
      %broadcast_in_dim3A_84 = vector.shape_cast %eq3A_82 : vector<1000x1xi1> to vector<1000x1xi1>
      %broadcast_in_dim3A_85 = vector.broadcast %broadcast_in_dim3A_84 : vector<1000x1xi1> to vector<1000x64xi1>
      %broadcast_in_dim3A_86 = vector.broadcast %jit3A_83 : f32 to vector<1000x64xf32>
      %select_n3A_87 = arith.select %broadcast_in_dim3A_85, %select_n3A, %broadcast_in_dim3A_86 : vector<1000x64xi1>, vector<1000x64xf32>
      %reduce_max3A_88 = arith.constant dense<0xFF800000> : vector<64xf32>
      %reduce_max3A_89 = vector.multi_reduction <maximumf>, %select_n3A_87, %reduce_max3A_88 [0] : vector<1000x64xf32> to vector<64xf32>
      %broadcast_in_dim3A_90 = vector.shape_cast %reduce_max3A_89 : vector<64xf32> to vector<1x64xf32>
      %eq3A_91 = arith.constant 2 : i32
      %eq3A_92 = vector.broadcast %eq3A_91 : i32 to vector<1000x1xi32>
      %eq3A_93 = arith.cmpi eq, %get3A_61, %eq3A_92 : vector<1000x1xi32>
      %jit3A_94 = arith.constant 0xFF800000 : f32
      %broadcast_in_dim3A_95 = vector.shape_cast %eq3A_93 : vector<1000x1xi1> to vector<1000x1xi1>
      %broadcast_in_dim3A_96 = vector.broadcast %broadcast_in_dim3A_95 : vector<1000x1xi1> to vector<1000x64xi1>
      %broadcast_in_dim3A_97 = vector.broadcast %jit3A_94 : f32 to vector<1000x64xf32>
      %select_n3A_98 = arith.select %broadcast_in_dim3A_96, %select_n3A, %broadcast_in_dim3A_97 : vector<1000x64xi1>, vector<1000x64xf32>
      %reduce_max3A_99 = arith.constant dense<0xFF800000> : vector<64xf32>
      %reduce_max3A_100 = vector.multi_reduction <maximumf>, %select_n3A_98, %reduce_max3A_99 [0] : vector<1000x64xf32> to vector<64xf32>
      %broadcast_in_dim3A_101 = vector.shape_cast %reduce_max3A_100 : vector<64xf32> to vector<1x64xf32>
      %eq3A_102 = arith.constant 3 : i32
      %eq3A_103 = vector.broadcast %eq3A_102 : i32 to vector<1000x1xi32>
      %eq3A_104 = arith.cmpi eq, %get3A_61, %eq3A_103 : vector<1000x1xi32>
      %jit3A_105 = arith.constant 0xFF800000 : f32
      %broadcast_in_dim3A_106 = vector.shape_cast %eq3A_104 : vector<1000x1xi1> to vector<1000x1xi1>
      %broadcast_in_dim3A_107 = vector.broadcast %broadcast_in_dim3A_106 : vector<1000x1xi1> to vector<1000x64xi1>
      %broadcast_in_dim3A_108 = vector.broadcast %jit3A_105 : f32 to vector<1000x64xf32>
      %select_n3A_109 = arith.select %broadcast_in_dim3A_107, %select_n3A, %broadcast_in_dim3A_108 : vector<1000x64xi1>, vector<1000x64xf32>
      %reduce_max3A_110 = arith.constant dense<0xFF800000> : vector<64xf32>
      %reduce_max3A_111 = vector.multi_reduction <maximumf>, %select_n3A_109, %reduce_max3A_110 [0] : vector<1000x64xf32> to vector<64xf32>
      %broadcast_in_dim3A_112 = vector.shape_cast %reduce_max3A_111 : vector<64xf32> to vector<1x64xf32>
      %eq3A_113 = arith.constant 4 : i32
      %eq3A_114 = vector.broadcast %eq3A_113 : i32 to vector<1000x1xi32>
      %eq3A_115 = arith.cmpi eq, %get3A_61, %eq3A_114 : vector<1000x1xi32>
      %jit3A_116 = arith.constant 0xFF800000 : f32
      %broadcast_in_dim3A_117 = vector.shape_cast %eq3A_115 : vector<1000x1xi1> to vector<1000x1xi1>
      %broadcast_in_dim3A_118 = vector.broadcast %broadcast_in_dim3A_117 : vector<1000x1xi1> to vector<1000x64xi1>
      %broadcast_in_dim3A_119 = vector.broadcast %jit3A_116 : f32 to vector<1000x64xf32>
      %select_n3A_120 = arith.select %broadcast_in_dim3A_118, %select_n3A, %broadcast_in_dim3A_119 : vector<1000x64xi1>, vector<1000x64xf32>
      %reduce_max3A_121 = arith.constant dense<0xFF800000> : vector<64xf32>
      %reduce_max3A_122 = vector.multi_reduction <maximumf>, %select_n3A_120, %reduce_max3A_121 [0] : vector<1000x64xf32> to vector<64xf32>
      %broadcast_in_dim3A_123 = vector.shape_cast %reduce_max3A_122 : vector<64xf32> to vector<1x64xf32>
      %eq3A_124 = arith.constant 5 : i32
      %eq3A_125 = vector.broadcast %eq3A_124 : i32 to vector<1000x1xi32>
      %eq3A_126 = arith.cmpi eq, %get3A_61, %eq3A_125 : vector<1000x1xi32>
      %jit3A_127 = arith.constant 0xFF800000 : f32
      %broadcast_in_dim3A_128 = vector.shape_cast %eq3A_126 : vector<1000x1xi1> to vector<1000x1xi1>
      %broadcast_in_dim3A_129 = vector.broadcast %broadcast_in_dim3A_128 : vector<1000x1xi1> to vector<1000x64xi1>
      %broadcast_in_dim3A_130 = vector.broadcast %jit3A_127 : f32 to vector<1000x64xf32>
      %select_n3A_131 = arith.select %broadcast_in_dim3A_129, %select_n3A, %broadcast_in_dim3A_130 : vector<1000x64xi1>, vector<1000x64xf32>
      %reduce_max3A_132 = arith.constant dense<0xFF800000> : vector<64xf32>
      %reduce_max3A_133 = vector.multi_reduction <maximumf>, %select_n3A_131, %reduce_max3A_132 [0] : vector<1000x64xf32> to vector<64xf32>
      %broadcast_in_dim3A_134 = vector.shape_cast %reduce_max3A_133 : vector<64xf32> to vector<1x64xf32>
      %eq3A_135 = arith.constant 6 : i32
      %eq3A_136 = vector.broadcast %eq3A_135 : i32 to vector<1000x1xi32>
      %eq3A_137 = arith.cmpi eq, %get3A_61, %eq3A_136 : vector<1000x1xi32>
      %jit3A_138 = arith.constant 0xFF800000 : f32
      %broadcast_in_dim3A_139 = vector.shape_cast %eq3A_137 : vector<1000x1xi1> to vector<1000x1xi1>
      %broadcast_in_dim3A_140 = vector.broadcast %broadcast_in_dim3A_139 : vector<1000x1xi1> to vector<1000x64xi1>
      %broadcast_in_dim3A_141 = vector.broadcast %jit3A_138 : f32 to vector<1000x64xf32>
      %select_n3A_142 = arith.select %broadcast_in_dim3A_140, %select_n3A, %broadcast_in_dim3A_141 : vector<1000x64xi1>, vector<1000x64xf32>
      %reduce_max3A_143 = arith.constant dense<0xFF800000> : vector<64xf32>
      %reduce_max3A_144 = vector.multi_reduction <maximumf>, %select_n3A_142, %reduce_max3A_143 [0] : vector<1000x64xf32> to vector<64xf32>
      %broadcast_in_dim3A_145 = vector.shape_cast %reduce_max3A_144 : vector<64xf32> to vector<1x64xf32>
      %eq3A_146 = arith.constant 7 : i32
      %eq3A_147 = vector.broadcast %eq3A_146 : i32 to vector<1000x1xi32>
      %eq3A_148 = arith.cmpi eq, %get3A_61, %eq3A_147 : vector<1000x1xi32>
      %jit3A_149 = arith.constant 0xFF800000 : f32
      %broadcast_in_dim3A_150 = vector.shape_cast %eq3A_148 : vector<1000x1xi1> to vector<1000x1xi1>
      %broadcast_in_dim3A_151 = vector.broadcast %broadcast_in_dim3A_150 : vector<1000x1xi1> to vector<1000x64xi1>
      %broadcast_in_dim3A_152 = vector.broadcast %jit3A_149 : f32 to vector<1000x64xf32>
      %select_n3A_153 = arith.select %broadcast_in_dim3A_151, %select_n3A, %broadcast_in_dim3A_152 : vector<1000x64xi1>, vector<1000x64xf32>
      %reduce_max3A_154 = arith.constant dense<0xFF800000> : vector<64xf32>
      %reduce_max3A_155 = vector.multi_reduction <maximumf>, %select_n3A_153, %reduce_max3A_154 [0] : vector<1000x64xf32> to vector<64xf32>
      %broadcast_in_dim3A_156 = vector.shape_cast %reduce_max3A_155 : vector<64xf32> to vector<1x64xf32>
      %eq3A_157 = arith.constant 8 : i32
      %eq3A_158 = vector.broadcast %eq3A_157 : i32 to vector<1000x1xi32>
      %eq3A_159 = arith.cmpi eq, %get3A_61, %eq3A_158 : vector<1000x1xi32>
      %jit3A_160 = arith.constant 0xFF800000 : f32
      %broadcast_in_dim3A_161 = vector.shape_cast %eq3A_159 : vector<1000x1xi1> to vector<1000x1xi1>
      %broadcast_in_dim3A_162 = vector.broadcast %broadcast_in_dim3A_161 : vector<1000x1xi1> to vector<1000x64xi1>
      %broadcast_in_dim3A_163 = vector.broadcast %jit3A_160 : f32 to vector<1000x64xf32>
      %select_n3A_164 = arith.select %broadcast_in_dim3A_162, %select_n3A, %broadcast_in_dim3A_163 : vector<1000x64xi1>, vector<1000x64xf32>
      %reduce_max3A_165 = arith.constant dense<0xFF800000> : vector<64xf32>
      %reduce_max3A_166 = vector.multi_reduction <maximumf>, %select_n3A_164, %reduce_max3A_165 [0] : vector<1000x64xf32> to vector<64xf32>
      %broadcast_in_dim3A_167 = vector.shape_cast %reduce_max3A_166 : vector<64xf32> to vector<1x64xf32>
      %eq3A_168 = arith.constant 9 : i32
      %eq3A_169 = vector.broadcast %eq3A_168 : i32 to vector<1000x1xi32>
      %eq3A_170 = arith.cmpi eq, %get3A_61, %eq3A_169 : vector<1000x1xi32>
      %jit3A_171 = arith.constant 0xFF800000 : f32
      %broadcast_in_dim3A_172 = vector.shape_cast %eq3A_170 : vector<1000x1xi1> to vector<1000x1xi1>
      %broadcast_in_dim3A_173 = vector.broadcast %broadcast_in_dim3A_172 : vector<1000x1xi1> to vector<1000x64xi1>
      %broadcast_in_dim3A_174 = vector.broadcast %jit3A_171 : f32 to vector<1000x64xf32>
      %select_n3A_175 = arith.select %broadcast_in_dim3A_173, %select_n3A, %broadcast_in_dim3A_174 : vector<1000x64xi1>, vector<1000x64xf32>
      %reduce_max3A_176 = arith.constant dense<0xFF800000> : vector<64xf32>
      %reduce_max3A_177 = vector.multi_reduction <maximumf>, %select_n3A_175, %reduce_max3A_176 [0] : vector<1000x64xf32> to vector<64xf32>
      %broadcast_in_dim3A_178 = vector.shape_cast %reduce_max3A_177 : vector<64xf32> to vector<1x64xf32>
      %eq3A_179 = arith.constant 10 : i32
      %eq3A_180 = vector.broadcast %eq3A_179 : i32 to vector<1000x1xi32>
      %eq3A_181 = arith.cmpi eq, %get3A_61, %eq3A_180 : vector<1000x1xi32>
      %jit3A_182 = arith.constant 0xFF800000 : f32
      %broadcast_in_dim3A_183 = vector.shape_cast %eq3A_181 : vector<1000x1xi1> to vector<1000x1xi1>
      %broadcast_in_dim3A_184 = vector.broadcast %broadcast_in_dim3A_183 : vector<1000x1xi1> to vector<1000x64xi1>
      %broadcast_in_dim3A_185 = vector.broadcast %jit3A_182 : f32 to vector<1000x64xf32>
      %select_n3A_186 = arith.select %broadcast_in_dim3A_184, %select_n3A, %broadcast_in_dim3A_185 : vector<1000x64xi1>, vector<1000x64xf32>
      %reduce_max3A_187 = arith.constant dense<0xFF800000> : vector<64xf32>
      %reduce_max3A_188 = vector.multi_reduction <maximumf>, %select_n3A_186, %reduce_max3A_187 [0] : vector<1000x64xf32> to vector<64xf32>
      %broadcast_in_dim3A_189 = vector.shape_cast %reduce_max3A_188 : vector<64xf32> to vector<1x64xf32>
      %eq3A_190 = arith.constant 11 : i32
      %eq3A_191 = vector.broadcast %eq3A_190 : i32 to vector<1000x1xi32>
      %eq3A_192 = arith.cmpi eq, %get3A_61, %eq3A_191 : vector<1000x1xi32>
      %jit3A_193 = arith.constant 0xFF800000 : f32
      %broadcast_in_dim3A_194 = vector.shape_cast %eq3A_192 : vector<1000x1xi1> to vector<1000x1xi1>
      %broadcast_in_dim3A_195 = vector.broadcast %broadcast_in_dim3A_194 : vector<1000x1xi1> to vector<1000x64xi1>
      %broadcast_in_dim3A_196 = vector.broadcast %jit3A_193 : f32 to vector<1000x64xf32>
      %select_n3A_197 = arith.select %broadcast_in_dim3A_195, %select_n3A, %broadcast_in_dim3A_196 : vector<1000x64xi1>, vector<1000x64xf32>
      %reduce_max3A_198 = arith.constant dense<0xFF800000> : vector<64xf32>
      %reduce_max3A_199 = vector.multi_reduction <maximumf>, %select_n3A_197, %reduce_max3A_198 [0] : vector<1000x64xf32> to vector<64xf32>
      %broadcast_in_dim3A_200 = vector.shape_cast %reduce_max3A_199 : vector<64xf32> to vector<1x64xf32>
      %eq3A_201 = arith.constant 12 : i32
      %eq3A_202 = vector.broadcast %eq3A_201 : i32 to vector<1000x1xi32>
      %eq3A_203 = arith.cmpi eq, %get3A_61, %eq3A_202 : vector<1000x1xi32>
      %jit3A_204 = arith.constant 0xFF800000 : f32
      %broadcast_in_dim3A_205 = vector.shape_cast %eq3A_203 : vector<1000x1xi1> to vector<1000x1xi1>
      %broadcast_in_dim3A_206 = vector.broadcast %broadcast_in_dim3A_205 : vector<1000x1xi1> to vector<1000x64xi1>
      %broadcast_in_dim3A_207 = vector.broadcast %jit3A_204 : f32 to vector<1000x64xf32>
      %select_n3A_208 = arith.select %broadcast_in_dim3A_206, %select_n3A, %broadcast_in_dim3A_207 : vector<1000x64xi1>, vector<1000x64xf32>
      %reduce_max3A_209 = arith.constant dense<0xFF800000> : vector<64xf32>
      %reduce_max3A_210 = vector.multi_reduction <maximumf>, %select_n3A_208, %reduce_max3A_209 [0] : vector<1000x64xf32> to vector<64xf32>
      %broadcast_in_dim3A_211 = vector.shape_cast %reduce_max3A_210 : vector<64xf32> to vector<1x64xf32>
      %eq3A_212 = arith.constant 13 : i32
      %eq3A_213 = vector.broadcast %eq3A_212 : i32 to vector<1000x1xi32>
      %eq3A_214 = arith.cmpi eq, %get3A_61, %eq3A_213 : vector<1000x1xi32>
      %jit3A_215 = arith.constant 0xFF800000 : f32
      %broadcast_in_dim3A_216 = vector.shape_cast %eq3A_214 : vector<1000x1xi1> to vector<1000x1xi1>
      %broadcast_in_dim3A_217 = vector.broadcast %broadcast_in_dim3A_216 : vector<1000x1xi1> to vector<1000x64xi1>
      %broadcast_in_dim3A_218 = vector.broadcast %jit3A_215 : f32 to vector<1000x64xf32>
      %select_n3A_219 = arith.select %broadcast_in_dim3A_217, %select_n3A, %broadcast_in_dim3A_218 : vector<1000x64xi1>, vector<1000x64xf32>
      %reduce_max3A_220 = arith.constant dense<0xFF800000> : vector<64xf32>
      %reduce_max3A_221 = vector.multi_reduction <maximumf>, %select_n3A_219, %reduce_max3A_220 [0] : vector<1000x64xf32> to vector<64xf32>
      %broadcast_in_dim3A_222 = vector.shape_cast %reduce_max3A_221 : vector<64xf32> to vector<1x64xf32>
      %eq3A_223 = arith.constant 14 : i32
      %eq3A_224 = vector.broadcast %eq3A_223 : i32 to vector<1000x1xi32>
      %eq3A_225 = arith.cmpi eq, %get3A_61, %eq3A_224 : vector<1000x1xi32>
      %jit3A_226 = arith.constant 0xFF800000 : f32
      %broadcast_in_dim3A_227 = vector.shape_cast %eq3A_225 : vector<1000x1xi1> to vector<1000x1xi1>
      %broadcast_in_dim3A_228 = vector.broadcast %broadcast_in_dim3A_227 : vector<1000x1xi1> to vector<1000x64xi1>
      %broadcast_in_dim3A_229 = vector.broadcast %jit3A_226 : f32 to vector<1000x64xf32>
      %select_n3A_230 = arith.select %broadcast_in_dim3A_228, %select_n3A, %broadcast_in_dim3A_229 : vector<1000x64xi1>, vector<1000x64xf32>
      %reduce_max3A_231 = arith.constant dense<0xFF800000> : vector<64xf32>
      %reduce_max3A_232 = vector.multi_reduction <maximumf>, %select_n3A_230, %reduce_max3A_231 [0] : vector<1000x64xf32> to vector<64xf32>
      %broadcast_in_dim3A_233 = vector.shape_cast %reduce_max3A_232 : vector<64xf32> to vector<1x64xf32>
      %eq3A_234 = arith.constant 15 : i32
      %eq3A_235 = vector.broadcast %eq3A_234 : i32 to vector<1000x1xi32>
      %eq3A_236 = arith.cmpi eq, %get3A_61, %eq3A_235 : vector<1000x1xi32>
      %jit3A_237 = arith.constant 0xFF800000 : f32
      %broadcast_in_dim3A_238 = vector.shape_cast %eq3A_236 : vector<1000x1xi1> to vector<1000x1xi1>
      %broadcast_in_dim3A_239 = vector.broadcast %broadcast_in_dim3A_238 : vector<1000x1xi1> to vector<1000x64xi1>
      %broadcast_in_dim3A_240 = vector.broadcast %jit3A_237 : f32 to vector<1000x64xf32>
      %select_n3A_241 = arith.select %broadcast_in_dim3A_239, %select_n3A, %broadcast_in_dim3A_240 : vector<1000x64xi1>, vector<1000x64xf32>
      %reduce_max3A_242 = arith.constant dense<0xFF800000> : vector<64xf32>
      %reduce_max3A_243 = vector.multi_reduction <maximumf>, %select_n3A_241, %reduce_max3A_242 [0] : vector<1000x64xf32> to vector<64xf32>
      %broadcast_in_dim3A_244 = vector.shape_cast %reduce_max3A_243 : vector<64xf32> to vector<1x64xf32>
      %concatenate3A = tpu.concatenate %broadcast_in_dim3A_79, %broadcast_in_dim3A_90, %broadcast_in_dim3A_101, %broadcast_in_dim3A_112, %broadcast_in_dim3A_123, %broadcast_in_dim3A_134, %broadcast_in_dim3A_145, %broadcast_in_dim3A_156, %broadcast_in_dim3A_167, %broadcast_in_dim3A_178, %broadcast_in_dim3A_189, %broadcast_in_dim3A_200, %broadcast_in_dim3A_211, %broadcast_in_dim3A_222, %broadcast_in_dim3A_233, %broadcast_in_dim3A_244 in 0 : vector<1x64xf32>, vector<1x64xf32>, vector<1x64xf32>, vector<1x64xf32>, vector<1x64xf32>, vector<1x64xf32>, vector<1x64xf32>, vector<1x64xf32>, vector<1x64xf32>, vector<1x64xf32>, vector<1x64xf32>, vector<1x64xf32>, vector<1x64xf32>, vector<1x64xf32>, vector<1x64xf32>, vector<1x64xf32> -> vector<16x64xf32>
      %eq3A_245 = arith.constant 10 : i32
      %eq3A_246 = arith.cmpi eq, %arg0, %eq3A_245 : i32
      %convert_element_type3A_247 = arith.extui %eq3A_246 : i1 to i32
      %cond3A_248 = arith.constant 0 : i32
      %cond3A_249 = arith.cmpi ne, %convert_element_type3A_247, %cond3A_248 : i32
      scf.if %cond3A_249 {
        %swap3A = arith.constant 0 : index
        %swap3A_260 = arith.constant 0 : index
        %swap3A_261 = vector.load %arg20[%swap3A, %swap3A_260] : memref<16x64xf32, #tpu.memory_space<vmem>>, vector<16x64xf32>
        tpu.vector_store %arg20[%swap3A, %swap3A_260], %dot_general3A_66 {strides = array<i32>} : memref<16x64xf32, #tpu.memory_space<vmem>>, vector<16x64xf32>,
        %swap3A_262 = arith.constant 0 : index
        %swap3A_263 = arith.constant 0 : index
        %swap3A_264 = vector.load %arg22[%swap3A_262, %swap3A_263] : memref<16x1xf32, #tpu.memory_space<vmem>>, vector<16x1xf32>
        tpu.vector_store %arg22[%swap3A_262, %swap3A_263], %dot_general3A_70 {strides = array<i32>} : memref<16x1xf32, #tpu.memory_space<vmem>>, vector<16x1xf32>,
        %swap3A_265 = arith.constant 0 : index
        %swap3A_266 = arith.constant 0 : index
        %swap3A_267 = vector.load %arg21[%swap3A_265, %swap3A_266] : memref<16x64xf32, #tpu.memory_space<vmem>>, vector<16x64xf32>
        tpu.vector_store %arg21[%swap3A_265, %swap3A_266], %concatenate3A {strides = array<i32>} : memref<16x64xf32, #tpu.memory_space<vmem>>, vector<16x64xf32>,
      } else {
      }
      %gt3A_250 = arith.constant 10 : i32
      %gt3A_251 = arith.cmpi sgt, %arg0, %gt3A_250 : i32
      %convert_element_type3A_252 = arith.extui %gt3A_251 : i1 to i32
      %cond3A_253 = arith.constant 0 : i32
      %cond3A_254 = arith.cmpi ne, %convert_element_type3A_252, %cond3A_253 : i32
      scf.if %cond3A_254 {
        %get3A_260 = arith.constant 0 : index
        %get3A_261 = arith.constant 0 : index
        %get3A_262 = vector.load %arg20[%get3A_260, %get3A_261] : memref<16x64xf32, #tpu.memory_space<vmem>>, vector<16x64xf32>
        %add3A_263 = arith.addf %get3A_262, %dot_general3A_66 : vector<16x64xf32>
        %swap3A = arith.constant 0 : index
        %swap3A_264 = arith.constant 0 : index
        %swap3A_265 = vector.load %arg20[%swap3A, %swap3A_264] : memref<16x64xf32, #tpu.memory_space<vmem>>, vector<16x64xf32>
        tpu.vector_store %arg20[%swap3A, %swap3A_264], %add3A_263 {strides = array<i32>} : memref<16x64xf32, #tpu.memory_space<vmem>>, vector<16x64xf32>,
        %get3A_266 = arith.constant 0 : index
        %get3A_267 = arith.constant 0 : index
        %get3A_268 = vector.load %arg22[%get3A_266, %get3A_267] : memref<16x1xf32, #tpu.memory_space<vmem>>, vector<16x1xf32>
        %add3A_269 = arith.addf %get3A_268, %dot_general3A_70 : vector<16x1xf32>
        %swap3A_270 = arith.constant 0 : index
        %swap3A_271 = arith.constant 0 : index
        %swap3A_272 = vector.load %arg22[%swap3A_270, %swap3A_271] : memref<16x1xf32, #tpu.memory_space<vmem>>, vector<16x1xf32>
        tpu.vector_store %arg22[%swap3A_270, %swap3A_271], %add3A_269 {strides = array<i32>} : memref<16x1xf32, #tpu.memory_space<vmem>>, vector<16x1xf32>,
        %get3A_273 = arith.constant 0 : index
        %get3A_274 = arith.constant 0 : index
        %get3A_275 = vector.load %arg21[%get3A_273, %get3A_274] : memref<16x64xf32, #tpu.memory_space<vmem>>, vector<16x64xf32>
        %max3A = arith.maximumf %get3A_275, %concatenate3A : vector<16x64xf32>
        %swap3A_276 = arith.constant 0 : index
        %swap3A_277 = arith.constant 0 : index
        %swap3A_278 = vector.load %arg21[%swap3A_276, %swap3A_277] : memref<16x64xf32, #tpu.memory_space<vmem>>, vector<16x64xf32>
        tpu.vector_store %arg21[%swap3A_276, %swap3A_277], %max3A {strides = array<i32>} : memref<16x64xf32, #tpu.memory_space<vmem>>, vector<16x64xf32>,
      } else {
      }
      %eq3A_255 = arith.constant 19 : i32
      %eq3A_256 = arith.cmpi eq, %arg0, %eq3A_255 : i32
      %convert_element_type3A_257 = arith.extui %eq3A_256 : i1 to i32
      %cond3A_258 = arith.constant 0 : i32
      %cond3A_259 = arith.cmpi ne, %convert_element_type3A_257, %cond3A_258 : i32
      scf.if %cond3A_259 {
        %get3A_260 = arith.constant 0 : index
        %get3A_261 = arith.constant 0 : index
        %get3A_262 = vector.load %arg20[%get3A_260, %get3A_261] : memref<16x64xf32, #tpu.memory_space<vmem>>, vector<16x64xf32>
        %get3A_263 = arith.constant 0 : index
        %get3A_264 = arith.constant 0 : index
        %get3A_265 = vector.load %arg22[%get3A_263, %get3A_264] : memref<16x1xf32, #tpu.memory_space<vmem>>, vector<16x1xf32>
        %max3A = arith.constant 1.000000e+00 : f32
        %max3A_266 = vector.broadcast %max3A : f32 to vector<16x1xf32>
        %max3A_267 = arith.maximumf %get3A_265, %max3A_266 : vector<16x1xf32>
        %div3A_268 = vector.broadcast %max3A_267 : vector<16x1xf32> to vector<16x64xf32>
        %div3A_269 = arith.divf %get3A_262, %div3A_268 : vector<16x64xf32>
        %get3A_270 = arith.constant 0 : index
        %get3A_271 = arith.constant 0 : index
        %get3A_272 = vector.load %arg21[%get3A_270, %get3A_271] : memref<16x64xf32, #tpu.memory_space<vmem>>, vector<16x64xf32>
        %concatenate3A_273 = tpu.concatenate %div3A_269, %get3A_272 in 1 : vector<16x64xf32>, vector<16x64xf32> -> vector<16x128xf32>
        %get3A_274 = arith.constant 0 : index
        %get3A_275 = arith.constant 0 : index
        %get3A_276 = vector.load %arg10[%get3A_274, %get3A_275] : memref<128x64xf32, #tpu.memory_space<vmem>>, vector<128x64xf32>
        %dot_general3A_277 = arith.constant dense<0.000000e+00> : vector<16x64xf32>
        %dot_general3A_278 = tpu.matmul %concatenate3A_273, %get3A_276, %dot_general3A_277 {dimension_numbers = #tpu.dot_dimension_numbers<[1], [0], [0], [1], [0, 0, 1, 1], [], []>, transpose_lhs_hint = false} : vector<16x128xf32>, vector<128x64xf32>, vector<16x64xf32> -> vector<16x64xf32>
        %get3A_279 = arith.constant 0 : index
        %get3A_280 = arith.constant 0 : index
        %get3A_281 = vector.load %arg11[%get3A_279, %get3A_280] : memref<1x64xf32, #tpu.memory_space<vmem>>, vector<1x64xf32>
        %add3A_282 = vector.broadcast %get3A_281 : vector<1x64xf32> to vector<16x64xf32>
        %add3A_283 = arith.addf %dot_general3A_278, %add3A_282 : vector<16x64xf32>
        %reduce_sum3A_284 = arith.constant dense<0.000000e+00> : vector<64xf32>
        %reduce_sum3A_285 = vector.multi_reduction <add>, %add3A_283, %reduce_sum3A_284 [0] : vector<16x64xf32> to vector<64xf32>
        %broadcast_in_dim3A_286 = vector.shape_cast %reduce_sum3A_285 : vector<64xf32> to vector<1x64xf32>
        %div3A_287 = arith.constant 1.600000e+01 : f32
        %div3A_288 = vector.broadcast %div3A_287 : f32 to vector<1x64xf32>
        %div3A_289 = arith.divf %broadcast_in_dim3A_286, %div3A_288 : vector<1x64xf32>
        %sub3A_290 = vector.broadcast %div3A_289 : vector<1x64xf32> to vector<16x64xf32>
        %sub3A_291 = arith.subf %add3A_283, %sub3A_290 : vector<16x64xf32>
        %sub3A_292 = vector.broadcast %div3A_289 : vector<1x64xf32> to vector<16x64xf32>
        %sub3A_293 = arith.subf %add3A_283, %sub3A_292 : vector<16x64xf32>
        %mul3A_294 = arith.mulf %sub3A_291, %sub3A_293 : vector<16x64xf32>
        %reduce_sum3A_295 = arith.constant dense<0.000000e+00> : vector<64xf32>
        %reduce_sum3A_296 = vector.multi_reduction <add>, %mul3A_294, %reduce_sum3A_295 [0] : vector<16x64xf32> to vector<64xf32>
        %broadcast_in_dim3A_297 = vector.shape_cast %reduce_sum3A_296 : vector<64xf32> to vector<1x64xf32>
        %div3A_298 = arith.constant 1.600000e+01 : f32
        %div3A_299 = vector.broadcast %div3A_298 : f32 to vector<1x64xf32>
        %div3A_300 = arith.divf %broadcast_in_dim3A_297, %div3A_299 : vector<1x64xf32>
        %sub3A_301 = vector.broadcast %div3A_289 : vector<1x64xf32> to vector<16x64xf32>
        %sub3A_302 = arith.subf %add3A_283, %sub3A_301 : vector<16x64xf32>
        %add3A_303 = arith.constant 9.99999974E-6 : f32
        %add3A_304 = vector.broadcast %add3A_303 : f32 to vector<1x64xf32>
        %add3A_305 = arith.addf %div3A_300, %add3A_304 : vector<1x64xf32>
        %sqrt3A_306 = math.sqrt %add3A_305 : vector<1x64xf32>
        %div3A_307 = vector.broadcast %sqrt3A_306 : vector<1x64xf32> to vector<16x64xf32>
        %div3A_308 = arith.divf %sub3A_302, %div3A_307 : vector<16x64xf32>
        %get3A_309 = arith.constant 0 : index
        %get3A_310 = arith.constant 0 : index
        %get3A_311 = vector.load %arg12[%get3A_309, %get3A_310] : memref<1x64xf32, #tpu.memory_space<vmem>>, vector<1x64xf32>
        %mul3A_312 = vector.broadcast %get3A_311 : vector<1x64xf32> to vector<16x64xf32>
        %mul3A_313 = arith.mulf %div3A_308, %mul3A_312 : vector<16x64xf32>
        %get3A_314 = arith.constant 0 : index
        %get3A_315 = arith.constant 0 : index
        %get3A_316 = vector.load %arg13[%get3A_314, %get3A_315] : memref<1x64xf32, #tpu.memory_space<vmem>>, vector<1x64xf32>
        %add3A_317 = vector.broadcast %get3A_316 : vector<1x64xf32> to vector<16x64xf32>
        %add3A_318 = arith.addf %mul3A_313, %add3A_317 : vector<16x64xf32>
        %gt3A_319 = arith.constant 0.000000e+00 : f32
        %gt3A_320 = vector.broadcast %gt3A_319 : f32 to vector<16x64xf32>
        %gt3A_321 = arith.cmpf ogt, %add3A_318, %gt3A_320 : vector<16x64xf32>
        %exp3A_322 = math.exp %add3A_318 : vector<16x64xf32>
        %sub3A_323 = arith.constant 1.000000e+00 : f32
        %sub3A_324 = vector.broadcast %sub3A_323 : f32 to vector<16x64xf32>
        %sub3A_325 = arith.subf %exp3A_322, %sub3A_324 : vector<16x64xf32>
        %select_n3A_326 = arith.select %gt3A_321, %add3A_318, %sub3A_325 : vector<16x64xi1>, vector<16x64xf32>
        %get3A_327 = arith.constant 0 : index
        %get3A_328 = arith.constant 0 : index
        %get3A_329 = vector.load %arg14[%get3A_327, %get3A_328] : memref<64x4xf32, #tpu.memory_space<vmem>>, vector<64x4xf32>
        %dot_general3A_330 = arith.constant dense<0.000000e+00> : vector<16x4xf32>
        %dot_general3A_331 = tpu.matmul %select_n3A_326, %get3A_329, %dot_general3A_330 {dimension_numbers = #tpu.dot_dimension_numbers<[1], [0], [0], [1], [0, 0, 1, 1], [], []>, transpose_lhs_hint = false} : vector<16x64xf32>, vector<64x4xf32>, vector<16x4xf32> -> vector<16x4xf32>
        %get3A_332 = arith.constant 0 : index
        %get3A_333 = arith.constant 0 : index
        %get3A_334 = vector.load %arg15[%get3A_332, %get3A_333] : memref<1x4xf32, #tpu.memory_space<vmem>>, vector<1x4xf32>
        %add3A_335 = vector.broadcast %get3A_334 : vector<1x4xf32> to vector<16x4xf32>
        %add3A_336 = arith.addf %dot_general3A_331, %add3A_335 : vector<16x4xf32>
        %swap3A = arith.constant 0 : index
        %swap3A_337 = arith.constant 0 : index
        %swap3A_338 = vector.load %arg16[%swap3A, %swap3A_337] : memref<16x4xf32, #tpu.memory_space<vmem>>, vector<16x4xf32>
        tpu.vector_store %arg16[%swap3A, %swap3A_337], %add3A_336 {strides = array<i32>} : memref<16x4xf32, #tpu.memory_space<vmem>>, vector<16x4xf32>,
      } else {
      }
    } else {
    }
    return
  }
  func.func @transform_0(%arg0: i32) -> (i32, i32, i32) {
    %min3A = arith.constant 9 : i32
    %min3A_0 = arith.minsi %arg0, %min3A : i32
    %c0_i32 = arith.constant 0 : i32
    %c0_i32_1 = arith.constant 0 : i32
    %c0_i32_2 = arith.constant 0 : i32
    return %c0_i32, %min3A_0, %c0_i32_1 : i32, i32, i32
  }
  func.func @transform_1(%arg0: i32) -> (i32, i32) {
    %min3A = arith.constant 9 : i32
    %min3A_0 = arith.minsi %arg0, %min3A : i32
    %c0_i32 = arith.constant 0 : i32
    %c0_i32_1 = arith.constant 0 : i32
    return %min3A_0, %c0_i32 : i32, i32
  }
  func.func @transform_2(%arg0: i32) -> (i32, i32) {
    %min3A = arith.constant 9 : i32
    %min3A_0 = arith.minsi %arg0, %min3A : i32
    %c0_i32 = arith.constant 0 : i32
    %c0_i32_1 = arith.constant 0 : i32
    return %min3A_0, %c0_i32 : i32, i32
  }
  func.func @transform_3(%arg0: i32) -> (i32, i32) {
    %c0_i32 = arith.constant 0 : i32
    %c0_i32_0 = arith.constant 0 : i32
    %c0_i32_1 = arith.constant 0 : i32
    return %c0_i32, %c0_i32_0 : i32, i32
  }
  func.func @transform_4(%arg0: i32) -> (i32, i32) {
    %c0_i32 = arith.constant 0 : i32
    %c0_i32_0 = arith.constant 0 : i32
    %c0_i32_1 = arith.constant 0 : i32
    return %c0_i32, %c0_i32_0 : i32, i32
  }
  func.func @transform_5(%arg0: i32) -> (i32, i32) {
    %c0_i32 = arith.constant 0 : i32
    %c0_i32_0 = arith.constant 0 : i32
    %c0_i32_1 = arith.constant 0 : i32
    return %c0_i32, %c0_i32_0 : i32, i32
  }
  func.func @transform_6(%arg0: i32) -> (i32, i32) {
    %c0_i32 = arith.constant 0 : i32
    %c0_i32_0 = arith.constant 0 : i32
    %c0_i32_1 = arith.constant 0 : i32
    return %c0_i32, %c0_i32_0 : i32, i32
  }
  func.func @transform_7(%arg0: i32) -> (i32, i32) {
    %c0_i32 = arith.constant 0 : i32
    %c0_i32_0 = arith.constant 0 : i32
    %c0_i32_1 = arith.constant 0 : i32
    return %c0_i32, %c0_i32_0 : i32, i32
  }
  func.func @transform_8(%arg0: i32) -> (i32, i32) {
    %sub3A = arith.constant 10 : i32
    %sub3A_0 = arith.subi %arg0, %sub3A : i32
    %max3A = arith.constant 0 : i32
    %max3A_1 = arith.maxsi %sub3A_0, %max3A : i32
    %c0_i32 = arith.constant 0 : i32
    %c0_i32_2 = arith.constant 0 : i32
    return %max3A_1, %c0_i32 : i32, i32
  }
  func.func @transform_9(%arg0: i32) -> (i32, i32) {
    %c0_i32 = arith.constant 0 : i32
    %c0_i32_0 = arith.constant 0 : i32
    %c0_i32_1 = arith.constant 0 : i32
    return %c0_i32, %c0_i32_0 : i32, i32
  }
  func.func @transform_10(%arg0: i32) -> (i32, i32) {
    %c0_i32 = arith.constant 0 : i32
    %c0_i32_0 = arith.constant 0 : i32
    %c0_i32_1 = arith.constant 0 : i32
    return %c0_i32, %c0_i32_0 : i32, i32
  }
  func.func @transform_11(%arg0: i32) -> (i32, i32) {
    %c0_i32 = arith.constant 0 : i32
    %c0_i32_0 = arith.constant 0 : i32
    %c0_i32_1 = arith.constant 0 : i32
    return %c0_i32, %c0_i32_0 : i32, i32
  }
  func.func @transform_12(%arg0: i32) -> (i32, i32) {
    %c0_i32 = arith.constant 0 : i32
    %c0_i32_0 = arith.constant 0 : i32
    %c0_i32_1 = arith.constant 0 : i32
    return %c0_i32, %c0_i32_0 : i32, i32
  }
  func.func @transform_13(%arg0: i32) -> (i32, i32) {
    %c0_i32 = arith.constant 0 : i32
    %c0_i32_0 = arith.constant 0 : i32
    %c0_i32_1 = arith.constant 0 : i32
    return %c0_i32, %c0_i32_0 : i32, i32
  }
  func.func @transform_14(%arg0: i32) -> (i32, i32) {
    %c0_i32 = arith.constant 0 : i32
    %c0_i32_0 = arith.constant 0 : i32
    %c0_i32_1 = arith.constant 0 : i32
    return %c0_i32, %c0_i32_0 : i32, i32
  }
  func.func @transform_15(%arg0: i32) -> (i32, i32) {
    %c0_i32 = arith.constant 0 : i32
    %c0_i32_0 = arith.constant 0 : i32
    %c0_i32_1 = arith.constant 0 : i32
    return %c0_i32, %c0_i32_0 : i32, i32
  }
}

</mosaic_0001>

<sc_bundles>
// kernel: kernel.12.cloned.1.call-start
scs
__scs_entry_jumppad:
0x0: {  	(pc) =	sbr.rel $0x88, $3  }
0x1: {  	(tag) =	ssettag $0x0;
	lr =	simm.s32 $0x1  }
0x2: {  	[smem:$0x3F89] =	sst lr;
	_ =	strace $0xD0000000  }
0x3: {  	_ = 	snop  }
0x4: {  	_ = 	snop  }
0x5: {  	_ = 	snop  }
0x6: {  	_ = 	snop  }
0x7: {  	_ = 	snop  }
__scs_overlays_trampoline_lowered:
0x8: {  	[smem:$0x3F98] =	sst s0  }
0x9: {  	[smem:$0x3F99] =	sst s1  }
0xa: {  	[smem:$0x3F9A] =	sst s2  }
0xb: {  	[smem:$0x3F9B] =	sst s3  }
0xc: {  	[smem:$0x3F9C] =	sst s4  }
0xd: {  	[smem:$0x3F9D] =	sst s5  }
0xe: {  	[smem:$0x3F9E] =	sst s6  }
0xf: {  	[smem:$0x3F9F] =	sst s7  }
0x10: {  	[smem:$0x3FA0] =	sst s8  }
0x11: {  	[smem:$0x3FA1] =	sst s9;
	s0 =	simm.s32 @!p0 $0x0  }
0x12: {  	s1 =	sld [smem:$0x3F87];
	s0 =	simm.s32 @p0 $0x1  }
0x13: {  	[smem:$0x3FA2] =	sst s0;
	s0 =	simm.s32 @!p1 $0x0  }
0x14: {  	s2 =	sld [smem:$0x3F86];
	s0 =	simm.s32 @p1 $0x1  }
0x15: {  	[smem:$0x3FA3] =	sst s0;
	s0 =	simm.s32 @!p2 $0x0  }
0x16: {  	s3 =	sld [smem:$0x3FDB];
	s0 =	simm.s32 @p2 $0x1  }
0x17: {  	s4 =	simm.s32 $0x1BF5;
	[smem:$0x3FA5] =	sst s0  }
0x18: {  	s0 =	sld [smem:$0x3F88];
	_ =	swait.ge [sflag:s4], $0x0  }
0x19: {  	s7 =	sld [smem:$0x3F89]  }
0x1a: {  	s8 =	sadd.s32 $0xFFFFE003, lr  }
0x1b: {  	s9 =	sadd.s32 $0xFFFFFEF7, lr;
	s5 =	simm.s32 $0xFFFFFFFF;
	p2 =	slt.u32 s8, $0xFFFFF086  }
0x1c: {  	p1 =	slt.u32 s9, $0xF7A;
	s5 =	simm.s32 @!p2 $0x0  }
0x1d: {  	s5 =	simm.s32 @p1 $0x1;
	p0 =	seq.s32 s7, s2  }
0x1e: {  	s7 =	smul.u32 @!p0 $0xF7A, s2;
	p2 =	seq.s32 @!p0 s5, $0x0  }
0x1f: {  	s9 =	smul.u32 $0xF7A, s1;
	s8 =	simm.s32 @!p0 $0x1BF5;
	p2 =	por !p2, p0  }
0x20: {  	[sflag:s8] =	ssyncset.s32 @!p0 $0xFFFFF086;
	s6 =	sadd.s32 @!p0 s3, s7;
	s7 =	simm.s32 @!p0 $0x108  }
0x21: {  	s3 =	sadd.s32 s3, s9;
	s6 =	sadd.s32 @!p0 $0x88, s6;
	s7 =	simm.s32 @p2 $0x1082  }
0x22: {  	[simem:s7], [sflag:s8] =	dma.local @!p0 [hbm:s6], $0xF7A  }
0x23: {  	s9 =	sor.u32 $0xD0000000, s2;
	s6 =	simm.s32 $0x108;
	_ =	swait.ge @!p0 [sflag:s8], $0x0  }
0x24: {  	s3 =	sadd.s32 $0x88, s3;
	s6 =	simm.s32 @!p1 $0x1082;
	[sflag:s4] =	ssyncset.s32 $0xFFFFF086  }
0x25: {  	[simem:s6], [sflag:s4] =	dma.local [hbm:s3], $0xF7A  }
0x26: {  	[smem:$0x3F89] =	sst s1;
	(tag) =	ssettag s2;
	_ =	strace s9  }
0x27: {  	s1 =	sld [smem:$0x3F99]  }
0x28: {  	s2 =	sld [smem:$0x3F9A]  }
0x29: {  	s4 =	sld [smem:$0x3F9C]  }
0x2a: {  	p0 =	seq.s32 s5, $0x0;
	s5 =	sld [smem:$0x3F9D]  }
0x2b: {  	s6 =	sld [smem:$0x3F9E]  }
0x2c: {  	s7 =	sld [smem:$0x3F9F]  }
0x2d: {  	s3 =	simm.s32 $0x108;
	s8 =	sld [smem:$0x3FA0]  }
0x2e: {  	s3 =	simm.s32 @!p0 $0x1082;
	s9 =	sld [smem:$0x3FA1]  }
0x2f: {  	lr =	sadd.s32 s0, s3;
	s0 =	sld [smem:$0x3F98]  }
0x30: {  	s3 =	sld [smem:$0x3F9B]  }
0x31: {  	[smem:$0x3FA4] =	sst s10  }
0x32: {  	s10 =	sld [smem:$0x3FA2];
	_ =	sdelay $0x3  }
0x33: {  	p0 =	seq.s32 s10, $0x1;
	s10 =	sld [smem:$0x3FA4];
	_ =	sdelay $0x3  }
0x34: {  	[smem:$0x3FA4] =	sst s10  }
0x35: {  	s10 =	sld [smem:$0x3FA3];
	_ =	sdelay $0x3  }
0x36: {  	p1 =	seq.s32 s10, $0x1;
	s10 =	sld [smem:$0x3FA4];
	_ =	sdelay $0x3  }
0x37: {  	[smem:$0x3FA4] =	sst s10  }
0x38: {  	s10 =	sld [smem:$0x3FA5]  }
0x39: {  	_ = 	snop;
	(pc) =	sbr.ind lr, $3  }
0x3a: {  	_ = 	snop  }
0x3b: {  	_ = 	snop  }
0x3c: {  	p2 =	seq.s32 s10, $0x1;
	s10 =	sld [smem:$0x3FA4]  }
0x3d: {  	_ =	shalt  }
0x3e: {  	_ =	shalt  }
0x3f: {  	_ =	shalt  }
0x40: {  	_ =	shalt  }
0x41: {  	_ =	shalt  }
0x42: {  	_ =	shalt  }
0x43: {  	_ =	shalt  }
0x44: {  	_ =	shalt  }
0x45: {  	_ =	shalt  }
0x46: {  	_ =	shalt  }
0x47: {  	_ =	shalt  }
0x48: {  	_ =	shalt  }
0x49: {  	_ =	shalt  }
0x4a: {  	_ =	shalt  }
0x4b: {  	_ =	shalt  }
0x4c: {  	_ =	shalt  }
0x4d: {  	_ =	shalt  }
0x4e: {  	_ =	shalt  }
0x4f: {  	_ =	shalt  }
0x50: {  	_ =	shalt  }
0x51: {  	_ =	shalt  }
0x52: {  	_ =	shalt  }
0x53: {  	_ =	shalt  }
0x54: {  	_ =	shalt  }
0x55: {  	_ =	shalt  }
0x56: {  	_ =	shalt  }
0x57: {  	_ =	shalt  }
0x58: {  	_ =	shalt  }
0x59: {  	_ =	shalt  }
0x5a: {  	_ =	shalt  }
0x5b: {  	_ =	shalt  }
0x5c: {  	_ =	shalt  }
0x5d: {  	_ =	shalt  }
0x5e: {  	_ =	shalt  }
0x5f: {  	_ =	shalt  }
0x60: {  	_ =	shalt  }
0x61: {  	_ =	shalt  }
0x62: {  	_ =	shalt  }
0x63: {  	_ =	shalt  }
0x64: {  	_ =	shalt  }
0x65: {  	_ =	shalt  }
0x66: {  	_ =	shalt  }
0x67: {  	_ =	shalt  }
0x68: {  	_ =	shalt  }
0x69: {  	_ =	shalt  }
0x6a: {  	_ =	shalt  }
0x6b: {  	_ =	shalt  }
0x6c: {  	_ =	shalt  }
0x6d: {  	_ =	shalt  }
0x6e: {  	_ =	shalt  }
0x6f: {  	_ =	shalt  }
0x70: {  	_ =	shalt  }
0x71: {  	_ =	shalt  }
0x72: {  	_ =	shalt  }
0x73: {  	_ =	shalt  }
0x74: {  	_ =	shalt  }
0x75: {  	_ =	shalt  }
0x76: {  	_ =	shalt  }
0x77: {  	_ =	shalt  }
0x78: {  	_ =	shalt  }
0x79: {  	_ =	shalt  }
0x7a: {  	_ =	shalt  }
0x7b: {  	_ =	shalt  }
0x7c: {  	_ =	shalt  }
0x7d: {  	_ =	shalt  }
0x7e: {  	_ =	shalt  }
0x7f: {  	_ =	shalt  }
0x80: {  	_ =	shalt  }
0x81: {  	_ =	shalt  }
0x82: {  	_ =	shalt  }
0x83: {  	_ =	shalt  }
0x84: {  	_ =	shalt  }
0x85: {  	_ =	shalt  }
0x86: {  	_ =	shalt  }
0x87: {  	_ =	shalt  }
.Lfunc_end0:
.L_simem_size_0:
called_computation.1_lowered:
.L_overlay_start_0:
0x88: {  	s2 =	sld [smem:$0x3FD9]  }
0x89: {  	s3 =	sld [smem:$0x3FFE];
	_ =	sdelay $0x1  }
0x8a: {  	s1 =	srdreg.scid  }
0x8b: {  	s0 =	sand.u32 $0x1, s1  }
0x8c: {  	s17 =	sshll.u32 s0, $0xA;
	s2 =	sadd.s32 s3, s2  }
0x8d: {  	s2 =	sadd.s32 s2, s17  }
0x8e: {  	[smem:$0x3FB0] =	sst s2  }
0x8f: {  	_ = 	snop  }
0x90: {  	(tm) =	ssettm $0x1  }
0x91: {  	s18 =	sld [smem:$0x3FFB];
	_ =	sdelay $0x3  }
0x92: {  	_ =	strace s18  }
0x93: {  	s2 =	sld [smem:$0x3FFC];
	_ =	sdelay $0x3  }
0x94: {  	_ =	strace s2  }
0x95: {  	s2 =	sld [smem:$0x3FFD];
	_ =	sdelay $0x3  }
0x96: {  	_ =	strace s2  }
0x97: {  	_ =	strace $0x8FFFFFFF  }
0x98: {  	s19 =	sld [smem:$0x3FDB];
	_ =	sdelay $0x1  }
0x99: {  	s20 =	simm.s32 $_scs_section_size  }
0x9a: {  	s4 =	simm.s32 $_size__tile_overlayer_lowered;
	s5 =	simm.s32 $_tile_overlayer_lowered  }
0x9b: {  	s6 =	simm.s32 $0x1BFF;
	s21 =	sshll.u32 s5, $0x1;
	s3 =	sadd.s32 s20, s19  }
0x9c: {  	s22 =	simm.s32 $0x0;
	s4 =	sshll.u32 s4, $0x1;
	s5 =	sadd.s32 s21, s3  }
0x9d: {  	[timem:s22], [sflag:s6] =	dma.local [hbm:s5], s4  }
0x9e: {  	_ =	swait.ge [sflag:s6], s4  }
0x9f: {  	s4 =	ssub.s32 $0x0, s4;
	[sflag:s6] =	ssyncset.done $0x0  }
0xa0: {  	[sflag:s6] =	ssyncadd.s32 s4;
	_ =	sdelay $0x1  }
0xa1: {  	s23 =	simm.s32 $0x1B8B  }
0xa2: {  	_ =	swait.ge [sflag:s23], $0x1  }
0xa3: {  	[sflag:s23] =	ssyncset.done $0x0  }
0xa4: {  	[sflag:s23] =	ssyncadd.s32 $0xFFFFFFFF  }
0xa5: {  	s4 =	sld [smem:$0x0]  }
0xa6: {  	s5 =	sand.u32 $0xFFFFFFFE, s1  }
0xa7: {  	p0 =	sne.s32 s1, s5  }
0xa8: {  	s5 =	sshll.u32 @p0 s5, $0xE  }
0xa9: {  	s5 =	sadd.s32 @p0 $0x11B8D, s5;
	s6 =	sshll.u32 @p0 s4, $0x11  }
0xaa: {  	s5 =	sor.u32 @p0 s6, s5  }
0xab: {  	[sflag:s5] =	ssyncadd.remote.s32 @p0 $0x1;
	_ =	sdelay $0x1  }
0xac: {  	s5 =	simm.s32 @p0 $0x1B8D  }
0xad: {  	_ =	swait.eq @p0 [sflag:s5], $0x1  }
0xae: {  	[sflag:s5] =	ssyncadd.s32 @p0 $0xFFFFFFFF  }
0xaf: {  	s6 =	sshll.u32 @!p0 s1, $0xE  }
0xb0: {  	s6 =	sor.u32 @!p0 $0x4000, s6;
	s5 =	simm.s32 @!p0 $0x1B8D  }
0xb1: {  	s4 =	sshll.u32 @!p0 s4, $0x11;
	s6 =	sadd.s32 @!p0 $0x11B8D, s6;
	_ =	swait.eq @!p0 [sflag:s5], $0x1  }
0xb2: {  	s4 =	sor.u32 @!p0 s4, s6;
	[sflag:s5] =	ssyncadd.s32 @!p0 $0xFFFFFFFF  }
0xb3: {  	s25 =	simm.s32 $0x1B8E;
	s24 =	sld [smem:$0x3FFE];
	[sflag:s4] =	ssyncadd.remote.s32 @!p0 $0x1  }
0xb4: {  	s26 =	simm.s32 $execute0_lowered;
	[smem:$0x3FD2] =	sst s25  }
0xb5: {  	s5 =	sshll.u32 s26, $0x1;
	_ =	strace $0x80000049;
	[dreg:$0x1] =	wrdreg $0xFFFFFFFF  }
0xb6: {  	s28 =	simm.s32 $_size_execute0_lowered;
	s3 =	sadd.s32 s3, s5;
	[dreg:$0x0] =	wrdreg $0x0  }
0xb7: {  	s5 =	sshll.u32 s28, $0x1;
	[dreg:$0x2] =	wrdreg s3  }
0xb8: {  	[dreg:$0x3] =	wrdreg s5  }
0xb9: {  	[dreg:$0x4] =	wrdreg $0xC0  }
0xba: {  	_ =	task [dreg:s22], $0x5FFFF  }
0xbb: {  	[dreg:$0x1] =	wrdreg $0xFFFFFFFF  }
0xbc: {  	[dreg:$0x0] =	wrdreg $0x60  }
0xbd: {  	[dreg:$0x2] =	wrdreg s24  }
0xbe: {  	[dreg:$0x3] =	wrdreg $0x8E800  }
0xbf: {  	[dreg:$0x4] =	wrdreg $0xA  }
0xc0: {  	_ =	task.clear_ibuf [dreg:s22], $0x5FFFF;
	_ =	strace $0x90000049  }
0xc1: {  	s29 =	simm.s32 $0xA;
	_ =	strace $0x8000004B  }
0xc2: {  	_ =	swait.ge [sflag:s29], $0x1  }
0xc3: {  	[sflag:s29] =	ssyncadd.s32 $0xFFFFFFFF  }
0xc4: {  	_ =	strace $0x9000004B  }
0xc5: {  	_ =	sfence  }
0xc6: {  	s30 =	sld [smem:$0x0];
	_ =	sdelay $0x2  }
0xc7: {  	s31 =	sshll.u32 s1, $0xD;
	s1 =	sshrl.u32 s1, $0x2  }
0xc8: {  	s4 =	sand.u32 $0x4000, s31;
	s1 =	sadd.s32 s1, s30  }
0xc9: {  	s0 =	sor.u32 s4, s0;
	s1 =	sshll.u32 s1, $0x11  }
0xca: {  	s0 =	sor.u32 s1, s0  }
0xcb: {  	s0 =	sadd.s32 $0x8F2B, s0  }
0xcc: {  	[sflag:s0] =	ssyncadd.remote.s32 $0x1  }
0xcd: {  	_ =	sfence.sel $0xFFFF  }
0xce: {  	[dreg:$0x0] =	wrdreg $0xFFFFFFFF;
	(pc) =	sbr.abs _section_cstart, $3  }
0xcf: {  	[dreg:$0x1] =	wrdreg $0xFFFFFFFF  }
0xd0: {  	_ =	task.clear_ibuf [dreg:s22], $0x2FFFF;
	_ =	strace $0x9FFFFFFF  }
0xd1: {  	(tm) =	ssettm $0x7FFFFFFF  }
tec
execute0_lowered:
.L_overlay_start_1:
0x0: {  	(tag) =	ssettag $0x1  }
0x1: {  	s1 =	srdreg.scid  }
0x2: {  	s0 =	stileid.u32;
	s5 =	rddreg [dreg:$0x0]  }
0x3: {  	s2 =	rddreg [dreg:$0x1];
	s3 =	simm.s32 $0x0;
	s13 =	simm.s32 $0x7D  }
0x4: {  	s14 =	simm.s32 $0x5000;
	s15 =	simm.s32 $0x80;
	s16 =	simm.s32 $0x6F40  }
0x5: {  	s17 =	simm.s32 $0x1;
	s18 =	simm.s32 $0x3;
	s19 =	simm.s32 $0x2  }
0x6: {  	s20 =	simm.s32 $0x4;
	s21 =	simm.s32 $0x4F00;
	s22 =	simm.s32 $0x4F80  }
0x7: {  	s6 =	sand.u32 $0x1, s1;
	s28 =	sshll.u32 s0, $0x1;
	s1 =	rddreg [dreg:$0x2]  }
0x8: {  	[smem:$0x7FF] =	sst s3;
	s8 =	smul.u32 $0xA000, s0;
	s31 =	sshll.u32 s0, $0x6  }
0x9: {  	s4 =	sor.u32 s6, s28;
	_ =	strace $0x8000004A;
	s9 =	smul.u32 $0x14000, s6  }
0xa: {  	s6 =	ssub.s32 $0x2, s6;
	s7 =	smul.u32 $0x500, s4;
	s4 =	sadd.s32 $0x77200, s5  }
0xb: {  	s23 =	sshrl.u32 s8, $0x3;
	s30 =	sshrl.u32 s6, $0x1;
	s12 =	sadd.s32 s8, s2  }
0xc: {  	s29 =	sadd.s32 s23, s5;
	s9 =	sadd.s32 s9, s5;
	s11 =	ssub.s32 s6, s30  }
0xd: {  	s6 =	sor.u32 $0x1C05, s31;
	s10 =	sadd.s32 s7, s5;
	s5 =	sadd.s32 $0x2C000, s29  }
0xe: {  	s24 =	sadd.s32 $0x8AC00, s9;
	s9 =	smax.u32 s11, $0x1;
	s11 =	simm.s32 $0x5  }
0xf: {  	s7 =	sadd.s32 $0xE600, s10;
	s8 =	sadd.s32 $0x4600, s10;
	s10 =	sshrl.u32 s12, $0x3  }
0x10: {  	s12 =	simm.s32 $0x2800;
	s23 =	sadd.s32 s23, s24;
	s24 =	simm.s32 $0x0  }
.LBB2_1:
0x11: {  	[spmem:s10], [sflag:s6] =	dma.local [hbm:s5], $0x1400  }
0x12: {  	_ =	swait.ge [sflag:s11], $0x1400  }
0x13: {  	[sflag:s11] =	ssyncset.done $0x0  }
0x14: {  	[sflag:s11] =	ssyncadd.s32 $0xFFFFEC00  }
0x15: {  	[tilespmem:s3], [sflag:$0x5] =	stream.linear.gather [hbm4b:s7+s3], $0x2800, $0x38;
	[tilespmem:$0x12E80] =	vst v63  }
0x16: {  	_ =	swait.ge [sflag:s11], $0x2800  }
0x17: {  	[sflag:s11] =	ssyncset.done $0x0  }
0x18: {  	[sflag:s11] =	ssyncadd.s32 $0xFFFFD800  }
0x19: {  	[tilespmem:s12], [sflag:$0x5] =	stream.linear.gather [hbm4b:s8+s3], $0x2800, $0x38;
	[tilespmem:$0x12E80] =	vst v63  }
0x1a: {  	_ =	swait.ge [sflag:s11], $0x2800  }
0x1b: {  	[sflag:s11] =	ssyncset.done $0x0  }
0x1c: {  	[sflag:s11] =	ssyncadd.s32 $0xFFFFD800  }
0x1d: {  	[bflag:$0x0] =	sbarrier.arrive $0xFFFF  }
0x1e: {  	[tilespmem:s14], [sflag:$0x1] =	stream.indirect.gather [hbm4b:s4+s13], $0x40, s3, s13, $0xb8;
	[tilespmem:$0x12E80] =	vst v63  }
0x1f: {  	_ = 	snop  }
0x20: {  	[tilespmem:s16], [sflag:$0x2] =	stream.indirect.gather [hbm4b:s4+s13], $0x40, s15, s13, $0xb8;
	[tilespmem:$0x12E80] =	vst v63  }
0x21: {  	_ =	swait.ge [sflag:s17], $0x1F40  }
0x22: {  	[sflag:s17] =	ssyncset.done $0x0  }
0x23: {  	s25 =	simm.s32 $0x2800;
	[sflag:s17] =	ssyncadd.s32 $0xFFFFE0C0  }
0x24: {  	[spmem:s2] =	stream.indirect.scatter.add.f32 [tilespmem:s14], [sflag:$0x3], $0x40, s25, s13, $0xb8;
	[tilespmem:$0x12E80] =	vst v63  }
0x25: {  	_ =	swait.ge [sflag:s18], $0x1F40  }
0x26: {  	[sflag:s18] =	ssyncset.done $0x0  }
0x27: {  	s30 =	simm.s32 $0x100;
	[sflag:s18] =	ssyncadd.s32 $0xFFFFE0C0  }
0x28: {  	[tilespmem:s14], [sflag:$0x1] =	stream.indirect.gather [hbm4b:s4+s13], $0x40, s30, s13, $0xb8;
	[tilespmem:$0x12E80] =	vst v63  }
0x29: {  	_ =	swait.ge [sflag:s19], $0x1F40  }
0x2a: {  	[sflag:s19] =	ssyncset.done $0x0  }
0x2b: {  	s31 =	simm.s32 $0x2880;
	[sflag:s19] =	ssyncadd.s32 $0xFFFFE0C0  }
0x2c: {  	[spmem:s2] =	stream.indirect.scatter.add.f32 [tilespmem:s16], [sflag:$0x4], $0x40, s31, s13, $0xb8;
	[tilespmem:$0x12E80] =	vst v63  }
0x2d: {  	_ =	swait.ge [sflag:s20], $0x1F40  }
0x2e: {  	[sflag:s20] =	ssyncset.done $0x0  }
0x2f: {  	s26 =	simm.s32 $0x180;
	s25 =	simm.s32 $0x400;
	[sflag:s20] =	ssyncadd.s32 $0xFFFFE0C0  }
.LBB2_2:
0x30: {  	[tilespmem:s16], [sflag:$0x2] =	stream.indirect.gather [hbm4b:s4+s13], $0x40, s26, s13, $0xb8;
	[tilespmem:$0x12E80] =	vst v63  }
0x31: {  	s26 =	smov.u32 s25  }
0x32: {  	p0 =	sne.s32 s25, $0x9800;
	s25 =	sadd.s32 $0x400, s25;
	_ =	swait.ge [sflag:s17], $0x1F40  }
0x33: {  	s26 =	sshra.s32 s26, $0x2;
	[sflag:s17] =	ssyncset.done $0x0  }
0x34: {  	s28 =	sadd.s32 $0x2800, s26;
	[sflag:s17] =	ssyncadd.s32 $0xFFFFE0C0  }
0x35: {  	[spmem:s2] =	stream.indirect.scatter.add.f32 [tilespmem:s14], [sflag:$0x3], $0x40, s28, s13, $0xb8;
	[tilespmem:$0x12E80] =	vst v63  }
0x36: {  	_ =	swait.ge [sflag:s18], $0x1F40  }
0x37: {  	[sflag:s18] =	ssyncset.done $0x0  }
0x38: {  	s28 =	sadd.s32 $0x100, s26;
	[sflag:s18] =	ssyncadd.s32 $0xFFFFE0C0  }
0x39: {  	[tilespmem:s14], [sflag:$0x1] =	stream.indirect.gather [hbm4b:s4+s13], $0x40, s28, s13, $0xb8;
	[tilespmem:$0x12E80] =	vst v63  }
0x3a: {  	_ =	swait.ge [sflag:s19], $0x1F40  }
0x3b: {  	[sflag:s19] =	ssyncset.done $0x0  }
.Ltmp0:
0x3c: {  	s28 =	sadd.s32 $0x2880, s26;
	[sflag:s19] =	ssyncadd.s32 $0xFFFFE0C0;
	(pc) =	sbr.rel @p0 .LBB2_2-.Ltmp0, $4  }
0x3d: {  	[spmem:s2] =	stream.indirect.scatter.add.f32 [tilespmem:s16], [sflag:$0x4], $0x40, s28, s13, $0xb8;
	[tilespmem:$0x12E80] =	vst v63  }
0x3e: {  	_ =	swait.ge [sflag:s20], $0x1F40  }
0x3f: {  	[sflag:s20] =	ssyncset.done $0x0  }
0x40: {  	s26 =	sadd.s32 $0x180, s26;
	[sflag:s20] =	ssyncadd.s32 $0xFFFFE0C0  }
0x41: {  	[tilespmem:s16], [sflag:$0x2] =	stream.indirect.gather [hbm4b:s4+s13], $0x40, s26, s13, $0xb8;
	[tilespmem:$0x12E80] =	vst v63  }
0x42: {  	_ =	swait.ge [sflag:s17], $0x1F40  }
0x43: {  	[sflag:s17] =	ssyncset.done $0x0  }
0x44: {  	[sflag:s17] =	ssyncadd.s32 $0xFFFFE0C0  }
0x45: {  	[spmem:s2] =	stream.indirect.scatter.add.f32 [tilespmem:s14], [sflag:$0x3], $0x40, s21, s13, $0xb8;
	[tilespmem:$0x12E80] =	vst v63  }
0x46: {  	_ =	swait.ge [sflag:s18], $0x1F40  }
0x47: {  	[sflag:s18] =	ssyncset.done $0x0  }
0x48: {  	[sflag:s18] =	ssyncadd.s32 $0xFFFFE0C0  }
0x49: {  	_ =	swait.ge [sflag:s19], $0x1F40  }
0x4a: {  	[sflag:s19] =	ssyncset.done $0x0  }
0x4b: {  	[sflag:s19] =	ssyncadd.s32 $0xFFFFE0C0  }
0x4c: {  	[spmem:s2] =	stream.indirect.scatter.add.f32 [tilespmem:s16], [sflag:$0x4], $0x40, s22, s13, $0xb8;
	[tilespmem:$0x12E80] =	vst v63  }
0x4d: {  	_ =	swait.ge [sflag:s20], $0x1F40  }
0x4e: {  	s24 =	sadd.s32 $0x1, s24;
	[sflag:s20] =	ssyncset.done $0x0  }
0x4f: {  	p0 =	sne.s32 s24, s9;
	[sflag:s20] =	ssyncadd.s32 $0xFFFFE0C0  }
.Ltmp1:
0x50: {  	[bflag:$0x0] =	sbarrier.arrive $0xFFFF;
	(pc) =	sbr.rel @p0 .LBB2_1-.Ltmp1, $4  }
0x51: {  	[hbm:s23], [sflag:s6] =	dma.local [spmem:s10], $0x1400  }
0x52: {  	_ =	swait.ge [sflag:s11], $0x1400  }
0x53: {  	[sflag:s11] =	ssyncset.done $0x0  }
0x54: {  	[sflag:s11] =	ssyncadd.s32 $0xFFFFEC00  }
0x55: {  	_ =	sfence.sel $0x180000  }
0x56: {  	[bflag:$0x0] =	sbarrier.arrive $0xFFFF  }
0x57: {  	p0 =	sne.s32 s0, $0x0;
	_ =	strace $0x9000004A  }
0x58: {  	s0 =	sadd.s32 @!p0 $0x100000, s1;
	[bflag:$0x2] =	sbarrier.arrive $0xFFFF  }
0x59: {  	[sflag:s0] =	ssyncadd.tile.s32 @!p0 $0x1;
	_ =	shalt  }
.Lfunc_end2:
_tile_overlayer_lowered:
.L_overlay_start_2:
0x5a: {  	(tag) =	ssettag $0x2  }
0x5b: {  	s0 =	rddreg [dreg:$0x0];
	s2 =	stileid.u32  }
0x5c: {  	s1 =	rddreg [dreg:$0x1];
	p0 =	sne.s32 s2, $0x0  }
0x5d: {  	s3 =	rddreg [dreg:$0x2];
	[bflag:$0x3] =	sbarrier.arrive $0xFFFF;
	s2 =	simm.s32 @!p0 $0x1C05  }
0x5e: {  	[timem:s3], [sflag:s2] =	dma.local @!p0 [hbm:s0], s1  }
0x5f: {  	s0 =	simm.s32 @!p0 $0x5  }
0x60: {  	_ =	swait.ge @!p0 [sflag:s0], s1  }
0x61: {  	s1 =	ssub.s32 @!p0 $0x0, s1;
	[sflag:s0] =	ssyncset.done @!p0 $0x0  }
0x62: {  	[sflag:s0] =	ssyncadd.s32 @!p0 s1  }
0x63: {  	[bflag:$0x3] =	sbarrier.arrive $0xFFFF  }
0x64: {  	_ =	shalt  }

// kernel: kernel.15.cloned.1.call-start
scs
__scs_entry_jumppad:
0x0: {  	(pc) =	sbr.rel $0x88, $3  }
0x1: {  	(tag) =	ssettag $0x0;
	lr =	simm.s32 $0x1  }
0x2: {  	[smem:$0x3F89] =	sst lr;
	_ =	strace $0xD0000000  }
0x3: {  	_ = 	snop  }
0x4: {  	_ = 	snop  }
0x5: {  	_ = 	snop  }
0x6: {  	_ = 	snop  }
0x7: {  	_ = 	snop  }
__scs_overlays_trampoline_lowered:
0x8: {  	[smem:$0x3F98] =	sst s0  }
0x9: {  	[smem:$0x3F99] =	sst s1  }
0xa: {  	[smem:$0x3F9A] =	sst s2  }
0xb: {  	[smem:$0x3F9B] =	sst s3  }
0xc: {  	[smem:$0x3F9C] =	sst s4  }
0xd: {  	[smem:$0x3F9D] =	sst s5  }
0xe: {  	[smem:$0x3F9E] =	sst s6  }
0xf: {  	[smem:$0x3F9F] =	sst s7  }
0x10: {  	[smem:$0x3FA0] =	sst s8  }
0x11: {  	[smem:$0x3FA1] =	sst s9;
	s0 =	simm.s32 @!p0 $0x0  }
0x12: {  	s1 =	sld [smem:$0x3F87];
	s0 =	simm.s32 @p0 $0x1  }
0x13: {  	[smem:$0x3FA2] =	sst s0;
	s0 =	simm.s32 @!p1 $0x0  }
0x14: {  	s2 =	sld [smem:$0x3F86];
	s0 =	simm.s32 @p1 $0x1  }
0x15: {  	[smem:$0x3FA3] =	sst s0;
	s0 =	simm.s32 @!p2 $0x0  }
0x16: {  	s3 =	sld [smem:$0x3FDB];
	s0 =	simm.s32 @p2 $0x1  }
0x17: {  	s4 =	simm.s32 $0x1BF5;
	[smem:$0x3FA5] =	sst s0  }
0x18: {  	s0 =	sld [smem:$0x3F88];
	_ =	swait.ge [sflag:s4], $0x0  }
0x19: {  	s7 =	sld [smem:$0x3F89]  }
0x1a: {  	s8 =	sadd.s32 $0xFFFFE003, lr  }
0x1b: {  	s9 =	sadd.s32 $0xFFFFFEF7, lr;
	s5 =	simm.s32 $0xFFFFFFFF;
	p2 =	slt.u32 s8, $0xFFFFF086  }
0x1c: {  	p1 =	slt.u32 s9, $0xF7A;
	s5 =	simm.s32 @!p2 $0x0  }
0x1d: {  	s5 =	simm.s32 @p1 $0x1;
	p0 =	seq.s32 s7, s2  }
0x1e: {  	s7 =	smul.u32 @!p0 $0xF7A, s2;
	p2 =	seq.s32 @!p0 s5, $0x0  }
0x1f: {  	s9 =	smul.u32 $0xF7A, s1;
	s8 =	simm.s32 @!p0 $0x1BF5;
	p2 =	por !p2, p0  }
0x20: {  	[sflag:s8] =	ssyncset.s32 @!p0 $0xFFFFF086;
	s6 =	sadd.s32 @!p0 s3, s7;
	s7 =	simm.s32 @!p0 $0x108  }
0x21: {  	s3 =	sadd.s32 s3, s9;
	s6 =	sadd.s32 @!p0 $0x88, s6;
	s7 =	simm.s32 @p2 $0x1082  }
0x22: {  	[simem:s7], [sflag:s8] =	dma.local @!p0 [hbm:s6], $0xF7A  }
0x23: {  	s9 =	sor.u32 $0xD0000000, s2;
	s6 =	simm.s32 $0x108;
	_ =	swait.ge @!p0 [sflag:s8], $0x0  }
0x24: {  	s3 =	sadd.s32 $0x88, s3;
	s6 =	simm.s32 @!p1 $0x1082;
	[sflag:s4] =	ssyncset.s32 $0xFFFFF086  }
0x25: {  	[simem:s6], [sflag:s4] =	dma.local [hbm:s3], $0xF7A  }
0x26: {  	[smem:$0x3F89] =	sst s1;
	(tag) =	ssettag s2;
	_ =	strace s9  }
0x27: {  	s1 =	sld [smem:$0x3F99]  }
0x28: {  	s2 =	sld [smem:$0x3F9A]  }
0x29: {  	s4 =	sld [smem:$0x3F9C]  }
0x2a: {  	p0 =	seq.s32 s5, $0x0;
	s5 =	sld [smem:$0x3F9D]  }
0x2b: {  	s6 =	sld [smem:$0x3F9E]  }
0x2c: {  	s7 =	sld [smem:$0x3F9F]  }
0x2d: {  	s3 =	simm.s32 $0x108;
	s8 =	sld [smem:$0x3FA0]  }
0x2e: {  	s3 =	simm.s32 @!p0 $0x1082;
	s9 =	sld [smem:$0x3FA1]  }
0x2f: {  	lr =	sadd.s32 s0, s3;
	s0 =	sld [smem:$0x3F98]  }
0x30: {  	s3 =	sld [smem:$0x3F9B]  }
0x31: {  	[smem:$0x3FA4] =	sst s10  }
0x32: {  	s10 =	sld [smem:$0x3FA2];
	_ =	sdelay $0x3  }
0x33: {  	p0 =	seq.s32 s10, $0x1;
	s10 =	sld [smem:$0x3FA4];
	_ =	sdelay $0x3  }
0x34: {  	[smem:$0x3FA4] =	sst s10  }
0x35: {  	s10 =	sld [smem:$0x3FA3];
	_ =	sdelay $0x3  }
0x36: {  	p1 =	seq.s32 s10, $0x1;
	s10 =	sld [smem:$0x3FA4];
	_ =	sdelay $0x3  }
0x37: {  	[smem:$0x3FA4] =	sst s10  }
0x38: {  	s10 =	sld [smem:$0x3FA5]  }
0x39: {  	_ = 	snop;
	(pc) =	sbr.ind lr, $3  }
0x3a: {  	_ = 	snop  }
0x3b: {  	_ = 	snop  }
0x3c: {  	p2 =	seq.s32 s10, $0x1;
	s10 =	sld [smem:$0x3FA4]  }
0x3d: {  	_ =	shalt  }
0x3e: {  	_ =	shalt  }
0x3f: {  	_ =	shalt  }
0x40: {  	_ =	shalt  }
0x41: {  	_ =	shalt  }
0x42: {  	_ =	shalt  }
0x43: {  	_ =	shalt  }
0x44: {  	_ =	shalt  }
0x45: {  	_ =	shalt  }
0x46: {  	_ =	shalt  }
0x47: {  	_ =	shalt  }
0x48: {  	_ =	shalt  }
0x49: {  	_ =	shalt  }
0x4a: {  	_ =	shalt  }
0x4b: {  	_ =	shalt  }
0x4c: {  	_ =	shalt  }
0x4d: {  	_ =	shalt  }
0x4e: {  	_ =	shalt  }
0x4f: {  	_ =	shalt  }
0x50: {  	_ =	shalt  }
0x51: {  	_ =	shalt  }
0x52: {  	_ =	shalt  }
0x53: {  	_ =	shalt  }
0x54: {  	_ =	shalt  }
0x55: {  	_ =	shalt  }
0x56: {  	_ =	shalt  }
0x57: {  	_ =	shalt  }
0x58: {  	_ =	shalt  }
0x59: {  	_ =	shalt  }
0x5a: {  	_ =	shalt  }
0x5b: {  	_ =	shalt  }
0x5c: {  	_ =	shalt  }
0x5d: {  	_ =	shalt  }
0x5e: {  	_ =	shalt  }
0x5f: {  	_ =	shalt  }
0x60: {  	_ =	shalt  }
0x61: {  	_ =	shalt  }
0x62: {  	_ =	shalt  }
0x63: {  	_ =	shalt  }
0x64: {  	_ =	shalt  }
0x65: {  	_ =	shalt  }
0x66: {  	_ =	shalt  }
0x67: {  	_ =	shalt  }
0x68: {  	_ =	shalt  }
0x69: {  	_ =	shalt  }
0x6a: {  	_ =	shalt  }
0x6b: {  	_ =	shalt  }
0x6c: {  	_ =	shalt  }
0x6d: {  	_ =	shalt  }
0x6e: {  	_ =	shalt  }
0x6f: {  	_ =	shalt  }
0x70: {  	_ =	shalt  }
0x71: {  	_ =	shalt  }
0x72: {  	_ =	shalt  }
0x73: {  	_ =	shalt  }
0x74: {  	_ =	shalt  }
0x75: {  	_ =	shalt  }
0x76: {  	_ =	shalt  }
0x77: {  	_ =	shalt  }
0x78: {  	_ =	shalt  }
0x79: {  	_ =	shalt  }
0x7a: {  	_ =	shalt  }
0x7b: {  	_ =	shalt  }
0x7c: {  	_ =	shalt  }
0x7d: {  	_ =	shalt  }
0x7e: {  	_ =	shalt  }
0x7f: {  	_ =	shalt  }
0x80: {  	_ =	shalt  }
0x81: {  	_ =	shalt  }
0x82: {  	_ =	shalt  }
0x83: {  	_ =	shalt  }
0x84: {  	_ =	shalt  }
0x85: {  	_ =	shalt  }
0x86: {  	_ =	shalt  }
0x87: {  	_ =	shalt  }
.Lfunc_end0:
.L_simem_size_0:
called_computation.2_lowered:
.L_overlay_start_0:
0x88: {  	s2 =	sld [smem:$0x3FD9]  }
0x89: {  	s3 =	sld [smem:$0x3FFE];
	_ =	sdelay $0x1  }
0x8a: {  	s1 =	srdreg.scid  }
0x8b: {  	s0 =	sand.u32 $0x1, s1  }
0x8c: {  	s16 =	sshll.u32 s0, $0xA;
	s2 =	sadd.s32 s3, s2  }
0x8d: {  	s2 =	sadd.s32 s2, s16  }
0x8e: {  	[smem:$0x3FB0] =	sst s2  }
0x8f: {  	_ = 	snop  }
0x90: {  	(tm) =	ssettm $0x1  }
0x91: {  	s17 =	sld [smem:$0x3FFB];
	_ =	sdelay $0x3  }
0x92: {  	_ =	strace s17  }
0x93: {  	s2 =	sld [smem:$0x3FFC];
	_ =	sdelay $0x3  }
0x94: {  	_ =	strace s2  }
0x95: {  	s2 =	sld [smem:$0x3FFD];
	_ =	sdelay $0x3  }
0x96: {  	_ =	strace s2  }
0x97: {  	_ =	strace $0x8FFFFFFF  }
0x98: {  	s18 =	sld [smem:$0x3FDB];
	_ =	sdelay $0x1  }
0x99: {  	s19 =	simm.s32 $_scs_section_size  }
0x9a: {  	s4 =	simm.s32 $_size__tile_overlayer_lowered;
	s5 =	simm.s32 $_tile_overlayer_lowered  }
0x9b: {  	s22 =	simm.s32 $0x1BFF;
	s21 =	sshll.u32 s5, $0x1;
	s2 =	sadd.s32 s19, s18  }
0x9c: {  	s6 =	simm.s32 $0x0;
	s20 =	sshll.u32 s4, $0x1;
	s4 =	sadd.s32 s21, s2  }
0x9d: {  	[timem:s6], [sflag:s22] =	dma.local [hbm:s4], s20  }
0x9e: {  	_ =	swait.ge [sflag:s22], s20  }
0x9f: {  	s3 =	ssub.s32 $0x0, s20;
	[sflag:s22] =	ssyncset.done $0x0  }
0xa0: {  	[sflag:s22] =	ssyncadd.s32 s3;
	_ =	sdelay $0x1  }
0xa1: {  	s23 =	simm.s32 $0x1B8B  }
0xa2: {  	_ =	swait.ge [sflag:s23], $0x1  }
0xa3: {  	[sflag:s23] =	ssyncset.done $0x0  }
0xa4: {  	s25 =	simm.s32 $0x1B8E;
	s24 =	sld [smem:$0x3FFE];
	[sflag:s23] =	ssyncadd.s32 $0xFFFFFFFF  }
0xa5: {  	s26 =	simm.s32 $execute0_lowered;
	[smem:$0x3FD2] =	sst s25  }
0xa6: {  	s4 =	sshll.u32 s26, $0x1;
	_ =	strace $0x8000004C;
	[dreg:$0x1] =	wrdreg $0xFFFFFFFF  }
0xa7: {  	s28 =	simm.s32 $_size_execute0_lowered;
	s2 =	sadd.s32 s2, s4;
	[dreg:$0x0] =	wrdreg $0x0  }
0xa8: {  	s4 =	sshll.u32 s28, $0x1;
	[dreg:$0x2] =	wrdreg s2  }
0xa9: {  	[dreg:$0x3] =	wrdreg s4  }
0xaa: {  	[dreg:$0x4] =	wrdreg $0xC0  }
0xab: {  	_ =	task [dreg:s6], $0x5FFFF  }
0xac: {  	[dreg:$0x1] =	wrdreg $0xFFFFFFFF  }
0xad: {  	[dreg:$0x0] =	wrdreg $0x60  }
0xae: {  	[dreg:$0x2] =	wrdreg s24  }
0xaf: {  	[dreg:$0x3] =	wrdreg $0x8E800  }
0xb0: {  	[dreg:$0x4] =	wrdreg $0x9  }
0xb1: {  	_ =	task.clear_ibuf [dreg:s6], $0x5FFFF;
	_ =	strace $0x9000004C  }
0xb2: {  	s29 =	simm.s32 $0x9;
	_ =	strace $0x8000004E  }
0xb3: {  	_ =	swait.ge [sflag:s29], $0x1  }
0xb4: {  	[sflag:s29] =	ssyncadd.s32 $0xFFFFFFFF  }
0xb5: {  	_ =	strace $0x9000004E  }
0xb6: {  	_ =	sfence  }
0xb7: {  	s30 =	sld [smem:$0x0];
	_ =	sdelay $0x2  }
0xb8: {  	s31 =	sshll.u32 s1, $0xD;
	s1 =	sshrl.u32 s1, $0x2  }
0xb9: {  	s3 =	sand.u32 $0x4000, s31;
	s1 =	sadd.s32 s1, s30  }
0xba: {  	s0 =	sor.u32 s3, s0;
	s1 =	sshll.u32 s1, $0x11  }
0xbb: {  	s0 =	sor.u32 s1, s0  }
0xbc: {  	s0 =	sadd.s32 $0x8F2B, s0  }
0xbd: {  	[sflag:s0] =	ssyncadd.remote.s32 $0x1  }
0xbe: {  	_ =	sfence.sel $0xFFFF  }
0xbf: {  	[dreg:$0x0] =	wrdreg $0xFFFFFFFF;
	(pc) =	sbr.abs _section_cstart, $3  }
0xc0: {  	[dreg:$0x1] =	wrdreg $0xFFFFFFFF  }
0xc1: {  	_ =	task.clear_ibuf [dreg:s6], $0x2FFFF;
	_ =	strace $0x9FFFFFFF  }
0xc2: {  	(tm) =	ssettm $0x7FFFFFFF  }
0xc3: {  	_ =	shalt  }
tec
execute0_lowered:
.L_overlay_start_1:
0x0: {  	(tag) =	ssettag $0x1  }
0x1: {  	s1 =	srdreg.scid  }
0x2: {  	s0 =	stileid.u32;
	s5 =	rddreg [dreg:$0x0]  }
0x3: {  	s2 =	rddreg [dreg:$0x1];
	s3 =	simm.s32 $0x0;
	s13 =	simm.s32 $0x7D  }
0x4: {  	s14 =	simm.s32 $0x5000;
	s15 =	simm.s32 $0x80;
	s16 =	simm.s32 $0x6F40  }
0x5: {  	s17 =	simm.s32 $0x1;
	s18 =	simm.s32 $0x3;
	s19 =	simm.s32 $0x2  }
0x6: {  	s20 =	simm.s32 $0x4;
	s21 =	simm.s32 $0x4F00;
	s22 =	simm.s32 $0x4F80  }
0x7: {  	s6 =	sand.u32 $0x1, s1;
	s28 =	sshll.u32 s0, $0x1;
	s1 =	rddreg [dreg:$0x2]  }
0x8: {  	[smem:$0x7FF] =	sst s3;
	s8 =	smul.u32 $0xA000, s0;
	s31 =	sshll.u32 s0, $0x6  }
0x9: {  	s4 =	sor.u32 s6, s28;
	_ =	strace $0x8000004D;
	s9 =	smul.u32 $0x14000, s6  }
0xa: {  	s6 =	ssub.s32 $0x2, s6;
	s7 =	smul.u32 $0x500, s4;
	s4 =	sadd.s32 $0x18600, s5  }
0xb: {  	s23 =	sshrl.u32 s8, $0x3;
	s30 =	sshrl.u32 s6, $0x1;
	s12 =	sadd.s32 s8, s2  }
0xc: {  	s29 =	sadd.s32 s23, s5;
	s9 =	sadd.s32 s9, s5;
	s11 =	ssub.s32 s6, s30  }
0xd: {  	s6 =	sor.u32 $0x1C05, s31;
	s10 =	sadd.s32 s7, s5;
	s5 =	sadd.s32 $0x2C000, s29  }
0xe: {  	s24 =	sadd.s32 $0x40000, s9;
	s9 =	smax.u32 s11, $0x1;
	s11 =	simm.s32 $0x5  }
0xf: {  	s7 =	sadd.s32 $0xE600, s10;
	s8 =	sadd.s32 $0x4600, s10;
	s10 =	sshrl.u32 s12, $0x3  }
0x10: {  	s12 =	simm.s32 $0x2800;
	s23 =	sadd.s32 s23, s24;
	s24 =	simm.s32 $0x0  }
.LBB2_1:
0x11: {  	[spmem:s10], [sflag:s6] =	dma.local [hbm:s5], $0x1400  }
0x12: {  	_ =	swait.ge [sflag:s11], $0x1400  }
0x13: {  	[sflag:s11] =	ssyncset.done $0x0  }
0x14: {  	[sflag:s11] =	ssyncadd.s32 $0xFFFFEC00  }
0x15: {  	[tilespmem:s3], [sflag:$0x5] =	stream.linear.gather [hbm4b:s7+s3], $0x2800, $0x38;
	[tilespmem:$0x12E80] =	vst v63  }
0x16: {  	_ =	swait.ge [sflag:s11], $0x2800  }
0x17: {  	[sflag:s11] =	ssyncset.done $0x0  }
0x18: {  	[sflag:s11] =	ssyncadd.s32 $0xFFFFD800  }
0x19: {  	[tilespmem:s12], [sflag:$0x5] =	stream.linear.gather [hbm4b:s8+s3], $0x2800, $0x38;
	[tilespmem:$0x12E80] =	vst v63  }
0x1a: {  	_ =	swait.ge [sflag:s11], $0x2800  }
0x1b: {  	[sflag:s11] =	ssyncset.done $0x0  }
0x1c: {  	[sflag:s11] =	ssyncadd.s32 $0xFFFFD800  }
0x1d: {  	[bflag:$0x0] =	sbarrier.arrive $0xFFFF  }
0x1e: {  	[tilespmem:s14], [sflag:$0x1] =	stream.indirect.gather [hbm4b:s4+s13], $0x40, s3, s13, $0xb8;
	[tilespmem:$0x12E80] =	vst v63  }
0x1f: {  	_ = 	snop  }
0x20: {  	[tilespmem:s16], [sflag:$0x2] =	stream.indirect.gather [hbm4b:s4+s13], $0x40, s15, s13, $0xb8;
	[tilespmem:$0x12E80] =	vst v63  }
0x21: {  	_ =	swait.ge [sflag:s17], $0x1F40  }
0x22: {  	[sflag:s17] =	ssyncset.done $0x0  }
0x23: {  	s25 =	simm.s32 $0x2800;
	[sflag:s17] =	ssyncadd.s32 $0xFFFFE0C0  }
0x24: {  	[spmem:s2] =	stream.indirect.scatter.add.f32 [tilespmem:s14], [sflag:$0x3], $0x40, s25, s13, $0xb8;
	[tilespmem:$0x12E80] =	vst v63  }
0x25: {  	_ =	swait.ge [sflag:s18], $0x1F40  }
0x26: {  	[sflag:s18] =	ssyncset.done $0x0  }
0x27: {  	s30 =	simm.s32 $0x100;
	[sflag:s18] =	ssyncadd.s32 $0xFFFFE0C0  }
0x28: {  	[tilespmem:s14], [sflag:$0x1] =	stream.indirect.gather [hbm4b:s4+s13], $0x40, s30, s13, $0xb8;
	[tilespmem:$0x12E80] =	vst v63  }
0x29: {  	_ =	swait.ge [sflag:s19], $0x1F40  }
0x2a: {  	[sflag:s19] =	ssyncset.done $0x0  }
0x2b: {  	s31 =	simm.s32 $0x2880;
	[sflag:s19] =	ssyncadd.s32 $0xFFFFE0C0  }
0x2c: {  	[spmem:s2] =	stream.indirect.scatter.add.f32 [tilespmem:s16], [sflag:$0x4], $0x40, s31, s13, $0xb8;
	[tilespmem:$0x12E80] =	vst v63  }
0x2d: {  	_ =	swait.ge [sflag:s20], $0x1F40  }
0x2e: {  	[sflag:s20] =	ssyncset.done $0x0  }
0x2f: {  	s26 =	simm.s32 $0x180;
	s25 =	simm.s32 $0x400;
	[sflag:s20] =	ssyncadd.s32 $0xFFFFE0C0  }
.LBB2_2:
0x30: {  	[tilespmem:s16], [sflag:$0x2] =	stream.indirect.gather [hbm4b:s4+s13], $0x40, s26, s13, $0xb8;
	[tilespmem:$0x12E80] =	vst v63  }
0x31: {  	s26 =	smov.u32 s25  }
0x32: {  	p0 =	sne.s32 s25, $0x9800;
	s25 =	sadd.s32 $0x400, s25;
	_ =	swait.ge [sflag:s17], $0x1F40  }
0x33: {  	s26 =	sshra.s32 s26, $0x2;
	[sflag:s17] =	ssyncset.done $0x0  }
0x34: {  	s28 =	sadd.s32 $0x2800, s26;
	[sflag:s17] =	ssyncadd.s32 $0xFFFFE0C0  }
0x35: {  	[spmem:s2] =	stream.indirect.scatter.add.f32 [tilespmem:s14], [sflag:$0x3], $0x40, s28, s13, $0xb8;
	[tilespmem:$0x12E80] =	vst v63  }
0x36: {  	_ =	swait.ge [sflag:s18], $0x1F40  }
0x37: {  	[sflag:s18] =	ssyncset.done $0x0  }
0x38: {  	s28 =	sadd.s32 $0x100, s26;
	[sflag:s18] =	ssyncadd.s32 $0xFFFFE0C0  }
0x39: {  	[tilespmem:s14], [sflag:$0x1] =	stream.indirect.gather [hbm4b:s4+s13], $0x40, s28, s13, $0xb8;
	[tilespmem:$0x12E80] =	vst v63  }
0x3a: {  	_ =	swait.ge [sflag:s19], $0x1F40  }
0x3b: {  	[sflag:s19] =	ssyncset.done $0x0  }
.Ltmp0:
0x3c: {  	s28 =	sadd.s32 $0x2880, s26;
	[sflag:s19] =	ssyncadd.s32 $0xFFFFE0C0;
	(pc) =	sbr.rel @p0 .LBB2_2-.Ltmp0, $4  }
0x3d: {  	[spmem:s2] =	stream.indirect.scatter.add.f32 [tilespmem:s16], [sflag:$0x4], $0x40, s28, s13, $0xb8;
	[tilespmem:$0x12E80] =	vst v63  }
0x3e: {  	_ =	swait.ge [sflag:s20], $0x1F40  }
0x3f: {  	[sflag:s20] =	ssyncset.done $0x0  }
0x40: {  	s26 =	sadd.s32 $0x180, s26;
	[sflag:s20] =	ssyncadd.s32 $0xFFFFE0C0  }
0x41: {  	[tilespmem:s16], [sflag:$0x2] =	stream.indirect.gather [hbm4b:s4+s13], $0x40, s26, s13, $0xb8;
	[tilespmem:$0x12E80] =	vst v63  }
0x42: {  	_ =	swait.ge [sflag:s17], $0x1F40  }
0x43: {  	[sflag:s17] =	ssyncset.done $0x0  }
0x44: {  	[sflag:s17] =	ssyncadd.s32 $0xFFFFE0C0  }
0x45: {  	[spmem:s2] =	stream.indirect.scatter.add.f32 [tilespmem:s14], [sflag:$0x3], $0x40, s21, s13, $0xb8;
	[tilespmem:$0x12E80] =	vst v63  }
0x46: {  	_ =	swait.ge [sflag:s18], $0x1F40  }
0x47: {  	[sflag:s18] =	ssyncset.done $0x0  }
0x48: {  	[sflag:s18] =	ssyncadd.s32 $0xFFFFE0C0  }
0x49: {  	_ =	swait.ge [sflag:s19], $0x1F40  }
0x4a: {  	[sflag:s19] =	ssyncset.done $0x0  }
0x4b: {  	[sflag:s19] =	ssyncadd.s32 $0xFFFFE0C0  }
0x4c: {  	[spmem:s2] =	stream.indirect.scatter.add.f32 [tilespmem:s16], [sflag:$0x4], $0x40, s22, s13, $0xb8;
	[tilespmem:$0x12E80] =	vst v63  }
0x4d: {  	_ =	swait.ge [sflag:s20], $0x1F40  }
0x4e: {  	s24 =	sadd.s32 $0x1, s24;
	[sflag:s20] =	ssyncset.done $0x0  }
0x4f: {  	p0 =	sne.s32 s24, s9;
	[sflag:s20] =	ssyncadd.s32 $0xFFFFE0C0  }
.Ltmp1:
0x50: {  	[bflag:$0x0] =	sbarrier.arrive $0xFFFF;
	(pc) =	sbr.rel @p0 .LBB2_1-.Ltmp1, $4  }
0x51: {  	[hbm:s23], [sflag:s6] =	dma.local [spmem:s10], $0x1400  }
0x52: {  	_ =	swait.ge [sflag:s11], $0x1400  }
0x53: {  	[sflag:s11] =	ssyncset.done $0x0  }
0x54: {  	[sflag:s11] =	ssyncadd.s32 $0xFFFFEC00  }
0x55: {  	_ =	sfence.sel $0x180000  }
0x56: {  	[bflag:$0x0] =	sbarrier.arrive $0xFFFF  }
0x57: {  	p0 =	sne.s32 s0, $0x0;
	_ =	strace $0x9000004D  }
0x58: {  	s0 =	sadd.s32 @!p0 $0x100000, s1;
	[bflag:$0x2] =	sbarrier.arrive $0xFFFF  }
0x59: {  	[sflag:s0] =	ssyncadd.tile.s32 @!p0 $0x1;
	_ =	shalt  }
.Lfunc_end2:
_tile_overlayer_lowered:
.L_overlay_start_2:
0x5a: {  	(tag) =	ssettag $0x2  }
0x5b: {  	s0 =	rddreg [dreg:$0x0];
	s2 =	stileid.u32  }
0x5c: {  	s1 =	rddreg [dreg:$0x1];
	p0 =	sne.s32 s2, $0x0  }
0x5d: {  	s3 =	rddreg [dreg:$0x2];
	[bflag:$0x3] =	sbarrier.arrive $0xFFFF;
	s2 =	simm.s32 @!p0 $0x1C05  }
0x5e: {  	[timem:s3], [sflag:s2] =	dma.local @!p0 [hbm:s0], s1  }
0x5f: {  	s0 =	simm.s32 @!p0 $0x5  }
0x60: {  	_ =	swait.ge @!p0 [sflag:s0], s1  }
0x61: {  	s1 =	ssub.s32 @!p0 $0x0, s1;
	[sflag:s0] =	ssyncset.done @!p0 $0x0  }
0x62: {  	[sflag:s0] =	ssyncadd.s32 @!p0 s1  }
0x63: {  	[bflag:$0x3] =	sbarrier.arrive $0xFFFF  }
0x64: {  	_ =	shalt  }

// kernel: kernel.18.cloned.1.call-start
scs
__scs_entry_jumppad:
0x0: {  	(pc) =	sbr.rel $0x88, $3  }
0x1: {  	(tag) =	ssettag $0x0;
	lr =	simm.s32 $0x1  }
0x2: {  	[smem:$0x3F89] =	sst lr;
	_ =	strace $0xD0000000  }
0x3: {  	_ = 	snop  }
0x4: {  	_ = 	snop  }
0x5: {  	_ = 	snop  }
0x6: {  	_ = 	snop  }
0x7: {  	_ = 	snop  }
__scs_overlays_trampoline_lowered:
0x8: {  	[smem:$0x3F98] =	sst s0  }
0x9: {  	[smem:$0x3F99] =	sst s1  }
0xa: {  	[smem:$0x3F9A] =	sst s2  }
0xb: {  	[smem:$0x3F9B] =	sst s3  }
0xc: {  	[smem:$0x3F9C] =	sst s4  }
0xd: {  	[smem:$0x3F9D] =	sst s5  }
0xe: {  	[smem:$0x3F9E] =	sst s6  }
0xf: {  	[smem:$0x3F9F] =	sst s7  }
0x10: {  	[smem:$0x3FA0] =	sst s8  }
0x11: {  	[smem:$0x3FA1] =	sst s9;
	s0 =	simm.s32 @!p0 $0x0  }
0x12: {  	s1 =	sld [smem:$0x3F87];
	s0 =	simm.s32 @p0 $0x1  }
0x13: {  	[smem:$0x3FA2] =	sst s0;
	s0 =	simm.s32 @!p1 $0x0  }
0x14: {  	s2 =	sld [smem:$0x3F86];
	s0 =	simm.s32 @p1 $0x1  }
0x15: {  	[smem:$0x3FA3] =	sst s0;
	s0 =	simm.s32 @!p2 $0x0  }
0x16: {  	s3 =	sld [smem:$0x3FDB];
	s0 =	simm.s32 @p2 $0x1  }
0x17: {  	s4 =	simm.s32 $0x1BF5;
	[smem:$0x3FA5] =	sst s0  }
0x18: {  	s0 =	sld [smem:$0x3F88];
	_ =	swait.ge [sflag:s4], $0x0  }
0x19: {  	s7 =	sld [smem:$0x3F89]  }
0x1a: {  	s8 =	sadd.s32 $0xFFFFE003, lr  }
0x1b: {  	s9 =	sadd.s32 $0xFFFFFEF7, lr;
	s5 =	simm.s32 $0xFFFFFFFF;
	p2 =	slt.u32 s8, $0xFFFFF086  }
0x1c: {  	p1 =	slt.u32 s9, $0xF7A;
	s5 =	simm.s32 @!p2 $0x0  }
0x1d: {  	s5 =	simm.s32 @p1 $0x1;
	p0 =	seq.s32 s7, s2  }
0x1e: {  	s7 =	smul.u32 @!p0 $0xF7A, s2;
	p2 =	seq.s32 @!p0 s5, $0x0  }
0x1f: {  	s9 =	smul.u32 $0xF7A, s1;
	s8 =	simm.s32 @!p0 $0x1BF5;
	p2 =	por !p2, p0  }
0x20: {  	[sflag:s8] =	ssyncset.s32 @!p0 $0xFFFFF086;
	s6 =	sadd.s32 @!p0 s3, s7;
	s7 =	simm.s32 @!p0 $0x108  }
0x21: {  	s3 =	sadd.s32 s3, s9;
	s6 =	sadd.s32 @!p0 $0x88, s6;
	s7 =	simm.s32 @p2 $0x1082  }
0x22: {  	[simem:s7], [sflag:s8] =	dma.local @!p0 [hbm:s6], $0xF7A  }
0x23: {  	s9 =	sor.u32 $0xD0000000, s2;
	s6 =	simm.s32 $0x108;
	_ =	swait.ge @!p0 [sflag:s8], $0x0  }
0x24: {  	s3 =	sadd.s32 $0x88, s3;
	s6 =	simm.s32 @!p1 $0x1082;
	[sflag:s4] =	ssyncset.s32 $0xFFFFF086  }
0x25: {  	[simem:s6], [sflag:s4] =	dma.local [hbm:s3], $0xF7A  }
0x26: {  	[smem:$0x3F89] =	sst s1;
	(tag) =	ssettag s2;
	_ =	strace s9  }
0x27: {  	s1 =	sld [smem:$0x3F99]  }
0x28: {  	s2 =	sld [smem:$0x3F9A]  }
0x29: {  	s4 =	sld [smem:$0x3F9C]  }
0x2a: {  	p0 =	seq.s32 s5, $0x0;
	s5 =	sld [smem:$0x3F9D]  }
0x2b: {  	s6 =	sld [smem:$0x3F9E]  }
0x2c: {  	s7 =	sld [smem:$0x3F9F]  }
0x2d: {  	s3 =	simm.s32 $0x108;
	s8 =	sld [smem:$0x3FA0]  }
0x2e: {  	s3 =	simm.s32 @!p0 $0x1082;
	s9 =	sld [smem:$0x3FA1]  }
0x2f: {  	lr =	sadd.s32 s0, s3;
	s0 =	sld [smem:$0x3F98]  }
0x30: {  	s3 =	sld [smem:$0x3F9B]  }
0x31: {  	[smem:$0x3FA4] =	sst s10  }
0x32: {  	s10 =	sld [smem:$0x3FA2];
	_ =	sdelay $0x3  }
0x33: {  	p0 =	seq.s32 s10, $0x1;
	s10 =	sld [smem:$0x3FA4];
	_ =	sdelay $0x3  }
0x34: {  	[smem:$0x3FA4] =	sst s10  }
0x35: {  	s10 =	sld [smem:$0x3FA3];
	_ =	sdelay $0x3  }
0x36: {  	p1 =	seq.s32 s10, $0x1;
	s10 =	sld [smem:$0x3FA4];
	_ =	sdelay $0x3  }
0x37: {  	[smem:$0x3FA4] =	sst s10  }
0x38: {  	s10 =	sld [smem:$0x3FA5]  }
0x39: {  	_ = 	snop;
	(pc) =	sbr.ind lr, $3  }
0x3a: {  	_ = 	snop  }
0x3b: {  	_ = 	snop  }
0x3c: {  	p2 =	seq.s32 s10, $0x1;
	s10 =	sld [smem:$0x3FA4]  }
0x3d: {  	_ =	shalt  }
0x3e: {  	_ =	shalt  }
0x3f: {  	_ =	shalt  }
0x40: {  	_ =	shalt  }
0x41: {  	_ =	shalt  }
0x42: {  	_ =	shalt  }
0x43: {  	_ =	shalt  }
0x44: {  	_ =	shalt  }
0x45: {  	_ =	shalt  }
0x46: {  	_ =	shalt  }
0x47: {  	_ =	shalt  }
0x48: {  	_ =	shalt  }
0x49: {  	_ =	shalt  }
0x4a: {  	_ =	shalt  }
0x4b: {  	_ =	shalt  }
0x4c: {  	_ =	shalt  }
0x4d: {  	_ =	shalt  }
0x4e: {  	_ =	shalt  }
0x4f: {  	_ =	shalt  }
0x50: {  	_ =	shalt  }
0x51: {  	_ =	shalt  }
0x52: {  	_ =	shalt  }
0x53: {  	_ =	shalt  }
0x54: {  	_ =	shalt  }
0x55: {  	_ =	shalt  }
0x56: {  	_ =	shalt  }
0x57: {  	_ =	shalt  }
0x58: {  	_ =	shalt  }
0x59: {  	_ =	shalt  }
0x5a: {  	_ =	shalt  }
0x5b: {  	_ =	shalt  }
0x5c: {  	_ =	shalt  }
0x5d: {  	_ =	shalt  }
0x5e: {  	_ =	shalt  }
0x5f: {  	_ =	shalt  }
0x60: {  	_ =	shalt  }
0x61: {  	_ =	shalt  }
0x62: {  	_ =	shalt  }
0x63: {  	_ =	shalt  }
0x64: {  	_ =	shalt  }
0x65: {  	_ =	shalt  }
0x66: {  	_ =	shalt  }
0x67: {  	_ =	shalt  }
0x68: {  	_ =	shalt  }
0x69: {  	_ =	shalt  }
0x6a: {  	_ =	shalt  }
0x6b: {  	_ =	shalt  }
0x6c: {  	_ =	shalt  }
0x6d: {  	_ =	shalt  }
0x6e: {  	_ =	shalt  }
0x6f: {  	_ =	shalt  }
0x70: {  	_ =	shalt  }
0x71: {  	_ =	shalt  }
0x72: {  	_ =	shalt  }
0x73: {  	_ =	shalt  }
0x74: {  	_ =	shalt  }
0x75: {  	_ =	shalt  }
0x76: {  	_ =	shalt  }
0x77: {  	_ =	shalt  }
0x78: {  	_ =	shalt  }
0x79: {  	_ =	shalt  }
0x7a: {  	_ =	shalt  }
0x7b: {  	_ =	shalt  }
0x7c: {  	_ =	shalt  }
0x7d: {  	_ =	shalt  }
0x7e: {  	_ =	shalt  }
0x7f: {  	_ =	shalt  }
0x80: {  	_ =	shalt  }
0x81: {  	_ =	shalt  }
0x82: {  	_ =	shalt  }
0x83: {  	_ =	shalt  }
0x84: {  	_ =	shalt  }
0x85: {  	_ =	shalt  }
0x86: {  	_ =	shalt  }
0x87: {  	_ =	shalt  }
.Lfunc_end0:
.L_simem_size_0:
called_computation.3_lowered:
.L_overlay_start_0:
0x88: {  	s2 =	sld [smem:$0x3FD9]  }
0x89: {  	s3 =	sld [smem:$0x3FFE];
	_ =	sdelay $0x1  }
0x8a: {  	s1 =	srdreg.scid  }
0x8b: {  	s0 =	sand.u32 $0x1, s1  }
0x8c: {  	s16 =	sshll.u32 s0, $0xA;
	s2 =	sadd.s32 s3, s2  }
0x8d: {  	s2 =	sadd.s32 s2, s16  }
0x8e: {  	[smem:$0x3FB0] =	sst s2  }
0x8f: {  	_ = 	snop  }
0x90: {  	(tm) =	ssettm $0x1  }
0x91: {  	s17 =	sld [smem:$0x3FFB];
	_ =	sdelay $0x3  }
0x92: {  	_ =	strace s17  }
0x93: {  	s2 =	sld [smem:$0x3FFC];
	_ =	sdelay $0x3  }
0x94: {  	_ =	strace s2  }
0x95: {  	s2 =	sld [smem:$0x3FFD];
	_ =	sdelay $0x3  }
0x96: {  	_ =	strace s2  }
0x97: {  	_ =	strace $0x8FFFFFFF  }
0x98: {  	s18 =	sld [smem:$0x3FDB];
	_ =	sdelay $0x1  }
0x99: {  	s19 =	simm.s32 $_scs_section_size  }
0x9a: {  	s4 =	simm.s32 $_size__tile_overlayer_lowered;
	s5 =	simm.s32 $_tile_overlayer_lowered  }
0x9b: {  	s22 =	simm.s32 $0x1BFF;
	s21 =	sshll.u32 s5, $0x1;
	s2 =	sadd.s32 s19, s18  }
0x9c: {  	s6 =	simm.s32 $0x0;
	s20 =	sshll.u32 s4, $0x1;
	s4 =	sadd.s32 s21, s2  }
0x9d: {  	[timem:s6], [sflag:s22] =	dma.local [hbm:s4], s20  }
0x9e: {  	_ =	swait.ge [sflag:s22], s20  }
0x9f: {  	s3 =	ssub.s32 $0x0, s20;
	[sflag:s22] =	ssyncset.done $0x0  }
0xa0: {  	[sflag:s22] =	ssyncadd.s32 s3;
	_ =	sdelay $0x1  }
0xa1: {  	s23 =	simm.s32 $0x1B8B  }
0xa2: {  	_ =	swait.ge [sflag:s23], $0x1  }
0xa3: {  	[sflag:s23] =	ssyncset.done $0x0  }
0xa4: {  	s25 =	simm.s32 $0x1B8E;
	s24 =	sld [smem:$0x3FFE];
	[sflag:s23] =	ssyncadd.s32 $0xFFFFFFFF  }
0xa5: {  	s26 =	simm.s32 $execute0_lowered;
	[smem:$0x3FD2] =	sst s25  }
0xa6: {  	s4 =	sshll.u32 s26, $0x1;
	_ =	strace $0x8000004F;
	[dreg:$0x1] =	wrdreg $0xFFFFFFFF  }
0xa7: {  	s28 =	simm.s32 $_size_execute0_lowered;
	s2 =	sadd.s32 s2, s4;
	[dreg:$0x0] =	wrdreg $0x0  }
0xa8: {  	s4 =	sshll.u32 s28, $0x1;
	[dreg:$0x2] =	wrdreg s2  }
0xa9: {  	[dreg:$0x3] =	wrdreg s4  }
0xaa: {  	[dreg:$0x4] =	wrdreg $0xC0  }
0xab: {  	_ =	task [dreg:s6], $0x5FFFF  }
0xac: {  	[dreg:$0x1] =	wrdreg $0xFFFFFFFF  }
0xad: {  	[dreg:$0x0] =	wrdreg $0x60  }
0xae: {  	[dreg:$0x2] =	wrdreg s24  }
0xaf: {  	[dreg:$0x3] =	wrdreg $0x8E800  }
0xb0: {  	[dreg:$0x4] =	wrdreg $0x9  }
0xb1: {  	_ =	task.clear_ibuf [dreg:s6], $0x5FFFF;
	_ =	strace $0x9000004F  }
0xb2: {  	s29 =	simm.s32 $0x9;
	_ =	strace $0x80000051  }
0xb3: {  	_ =	swait.ge [sflag:s29], $0x1  }
0xb4: {  	[sflag:s29] =	ssyncadd.s32 $0xFFFFFFFF  }
0xb5: {  	_ =	strace $0x90000051  }
0xb6: {  	_ =	sfence  }
0xb7: {  	s30 =	sld [smem:$0x0];
	_ =	sdelay $0x2  }
0xb8: {  	s31 =	sshll.u32 s1, $0xD;
	s1 =	sshrl.u32 s1, $0x2  }
0xb9: {  	s3 =	sand.u32 $0x4000, s31;
	s1 =	sadd.s32 s1, s30  }
0xba: {  	s0 =	sor.u32 s3, s0;
	s1 =	sshll.u32 s1, $0x11  }
0xbb: {  	s0 =	sor.u32 s1, s0  }
0xbc: {  	s0 =	sadd.s32 $0x8F2B, s0  }
0xbd: {  	[sflag:s0] =	ssyncadd.remote.s32 $0x1  }
0xbe: {  	_ =	sfence.sel $0xFFFF  }
0xbf: {  	[dreg:$0x0] =	wrdreg $0xFFFFFFFF;
	(pc) =	sbr.abs _section_cstart, $3  }
0xc0: {  	[dreg:$0x1] =	wrdreg $0xFFFFFFFF  }
0xc1: {  	_ =	task.clear_ibuf [dreg:s6], $0x2FFFF;
	_ =	strace $0x9FFFFFFF  }
0xc2: {  	(tm) =	ssettm $0x7FFFFFFF  }
0xc3: {  	_ =	shalt  }
tec
execute0_lowered:
.L_overlay_start_1:
0x0: {  	(tag) =	ssettag $0x1  }
0x1: {  	s1 =	srdreg.scid  }
0x2: {  	s0 =	stileid.u32;
	s5 =	rddreg [dreg:$0x0]  }
0x3: {  	s2 =	rddreg [dreg:$0x1];
	s3 =	simm.s32 $0x0;
	s13 =	simm.s32 $0x7D  }
0x4: {  	s14 =	simm.s32 $0x5000;
	s15 =	simm.s32 $0x80;
	s16 =	simm.s32 $0x6F40  }
0x5: {  	s17 =	simm.s32 $0x1;
	s18 =	simm.s32 $0x3;
	s19 =	simm.s32 $0x2  }
0x6: {  	s20 =	simm.s32 $0x4;
	s21 =	simm.s32 $0x4F00;
	s22 =	simm.s32 $0x4F80  }
0x7: {  	s6 =	sand.u32 $0x1, s1;
	s28 =	sshll.u32 s0, $0x1;
	s1 =	rddreg [dreg:$0x2]  }
0x8: {  	[smem:$0x7FF] =	sst s3;
	s8 =	smul.u32 $0xA000, s0;
	s31 =	sshll.u32 s0, $0x6  }
0x9: {  	s4 =	sor.u32 s6, s28;
	_ =	strace $0x80000050;
	s9 =	smul.u32 $0x14000, s6  }
0xa: {  	s6 =	ssub.s32 $0x2, s6;
	s7 =	smul.u32 $0x500, s4;
	s4 =	sadd.s32 $0x18600, s5  }
0xb: {  	s23 =	sshrl.u32 s8, $0x3;
	s30 =	sshrl.u32 s6, $0x1;
	s12 =	sadd.s32 s8, s2  }
0xc: {  	s29 =	sadd.s32 s23, s5;
	s9 =	sadd.s32 s9, s5;
	s11 =	ssub.s32 s6, s30  }
0xd: {  	s6 =	sor.u32 $0x1C05, s31;
	s10 =	sadd.s32 s7, s5;
	s5 =	sadd.s32 $0x2C000, s29  }
0xe: {  	s24 =	sadd.s32 $0x40000, s9;
	s9 =	smax.u32 s11, $0x1;
	s11 =	simm.s32 $0x5  }
0xf: {  	s7 =	sadd.s32 $0xE600, s10;
	s8 =	sadd.s32 $0x4600, s10;
	s10 =	sshrl.u32 s12, $0x3  }
0x10: {  	s12 =	simm.s32 $0x2800;
	s23 =	sadd.s32 s23, s24;
	s24 =	simm.s32 $0x0  }
.LBB2_1:
0x11: {  	[spmem:s10], [sflag:s6] =	dma.local [hbm:s5], $0x1400  }
0x12: {  	_ =	swait.ge [sflag:s11], $0x1400  }
0x13: {  	[sflag:s11] =	ssyncset.done $0x0  }
0x14: {  	[sflag:s11] =	ssyncadd.s32 $0xFFFFEC00  }
0x15: {  	[tilespmem:s3], [sflag:$0x5] =	stream.linear.gather [hbm4b:s7+s3], $0x2800, $0x38;
	[tilespmem:$0x12E80] =	vst v63  }
0x16: {  	_ =	swait.ge [sflag:s11], $0x2800  }
0x17: {  	[sflag:s11] =	ssyncset.done $0x0  }
0x18: {  	[sflag:s11] =	ssyncadd.s32 $0xFFFFD800  }
0x19: {  	[tilespmem:s12], [sflag:$0x5] =	stream.linear.gather [hbm4b:s8+s3], $0x2800, $0x38;
	[tilespmem:$0x12E80] =	vst v63  }
0x1a: {  	_ =	swait.ge [sflag:s11], $0x2800  }
0x1b: {  	[sflag:s11] =	ssyncset.done $0x0  }
0x1c: {  	[sflag:s11] =	ssyncadd.s32 $0xFFFFD800  }
0x1d: {  	[bflag:$0x0] =	sbarrier.arrive $0xFFFF  }
0x1e: {  	[tilespmem:s14], [sflag:$0x1] =	stream.indirect.gather [hbm4b:s4+s13], $0x40, s3, s13, $0xb8;
	[tilespmem:$0x12E80] =	vst v63  }
0x1f: {  	_ = 	snop  }
0x20: {  	[tilespmem:s16], [sflag:$0x2] =	stream.indirect.gather [hbm4b:s4+s13], $0x40, s15, s13, $0xb8;
	[tilespmem:$0x12E80] =	vst v63  }
0x21: {  	_ =	swait.ge [sflag:s17], $0x1F40  }
0x22: {  	[sflag:s17] =	ssyncset.done $0x0  }
0x23: {  	s25 =	simm.s32 $0x2800;
	[sflag:s17] =	ssyncadd.s32 $0xFFFFE0C0  }
0x24: {  	[spmem:s2] =	stream.indirect.scatter.add.f32 [tilespmem:s14], [sflag:$0x3], $0x40, s25, s13, $0xb8;
	[tilespmem:$0x12E80] =	vst v63  }
0x25: {  	_ =	swait.ge [sflag:s18], $0x1F40  }
0x26: {  	[sflag:s18] =	ssyncset.done $0x0  }
0x27: {  	s30 =	simm.s32 $0x100;
	[sflag:s18] =	ssyncadd.s32 $0xFFFFE0C0  }
0x28: {  	[tilespmem:s14], [sflag:$0x1] =	stream.indirect.gather [hbm4b:s4+s13], $0x40, s30, s13, $0xb8;
	[tilespmem:$0x12E80] =	vst v63  }
0x29: {  	_ =	swait.ge [sflag:s19], $0x1F40  }
0x2a: {  	[sflag:s19] =	ssyncset.done $0x0  }
0x2b: {  	s31 =	simm.s32 $0x2880;
	[sflag:s19] =	ssyncadd.s32 $0xFFFFE0C0  }
0x2c: {  	[spmem:s2] =	stream.indirect.scatter.add.f32 [tilespmem:s16], [sflag:$0x4], $0x40, s31, s13, $0xb8;
	[tilespmem:$0x12E80] =	vst v63  }
0x2d: {  	_ =	swait.ge [sflag:s20], $0x1F40  }
0x2e: {  	[sflag:s20] =	ssyncset.done $0x0  }
0x2f: {  	s26 =	simm.s32 $0x180;
	s25 =	simm.s32 $0x400;
	[sflag:s20] =	ssyncadd.s32 $0xFFFFE0C0  }
.LBB2_2:
0x30: {  	[tilespmem:s16], [sflag:$0x2] =	stream.indirect.gather [hbm4b:s4+s13], $0x40, s26, s13, $0xb8;
	[tilespmem:$0x12E80] =	vst v63  }
0x31: {  	s26 =	smov.u32 s25  }
0x32: {  	p0 =	sne.s32 s25, $0x9800;
	s25 =	sadd.s32 $0x400, s25;
	_ =	swait.ge [sflag:s17], $0x1F40  }
0x33: {  	s26 =	sshra.s32 s26, $0x2;
	[sflag:s17] =	ssyncset.done $0x0  }
0x34: {  	s28 =	sadd.s32 $0x2800, s26;
	[sflag:s17] =	ssyncadd.s32 $0xFFFFE0C0  }
0x35: {  	[spmem:s2] =	stream.indirect.scatter.add.f32 [tilespmem:s14], [sflag:$0x3], $0x40, s28, s13, $0xb8;
	[tilespmem:$0x12E80] =	vst v63  }
0x36: {  	_ =	swait.ge [sflag:s18], $0x1F40  }
0x37: {  	[sflag:s18] =	ssyncset.done $0x0  }
0x38: {  	s28 =	sadd.s32 $0x100, s26;
	[sflag:s18] =	ssyncadd.s32 $0xFFFFE0C0  }
0x39: {  	[tilespmem:s14], [sflag:$0x1] =	stream.indirect.gather [hbm4b:s4+s13], $0x40, s28, s13, $0xb8;
	[tilespmem:$0x12E80] =	vst v63  }
0x3a: {  	_ =	swait.ge [sflag:s19], $0x1F40  }
0x3b: {  	[sflag:s19] =	ssyncset.done $0x0  }
.Ltmp0:
0x3c: {  	s28 =	sadd.s32 $0x2880, s26;
	[sflag:s19] =	ssyncadd.s32 $0xFFFFE0C0;
	(pc) =	sbr.rel @p0 .LBB2_2-.Ltmp0, $4  }
0x3d: {  	[spmem:s2] =	stream.indirect.scatter.add.f32 [tilespmem:s16], [sflag:$0x4], $0x40, s28, s13, $0xb8;
	[tilespmem:$0x12E80] =	vst v63  }
0x3e: {  	_ =	swait.ge [sflag:s20], $0x1F40  }
0x3f: {  	[sflag:s20] =	ssyncset.done $0x0  }
0x40: {  	s26 =	sadd.s32 $0x180, s26;
	[sflag:s20] =	ssyncadd.s32 $0xFFFFE0C0  }
0x41: {  	[tilespmem:s16], [sflag:$0x2] =	stream.indirect.gather [hbm4b:s4+s13], $0x40, s26, s13, $0xb8;
	[tilespmem:$0x12E80] =	vst v63  }
0x42: {  	_ =	swait.ge [sflag:s17], $0x1F40  }
0x43: {  	[sflag:s17] =	ssyncset.done $0x0  }
0x44: {  	[sflag:s17] =	ssyncadd.s32 $0xFFFFE0C0  }
0x45: {  	[spmem:s2] =	stream.indirect.scatter.add.f32 [tilespmem:s14], [sflag:$0x3], $0x40, s21, s13, $0xb8;
	[tilespmem:$0x12E80] =	vst v63  }
0x46: {  	_ =	swait.ge [sflag:s18], $0x1F40  }
0x47: {  	[sflag:s18] =	ssyncset.done $0x0  }
0x48: {  	[sflag:s18] =	ssyncadd.s32 $0xFFFFE0C0  }
0x49: {  	_ =	swait.ge [sflag:s19], $0x1F40  }
0x4a: {  	[sflag:s19] =	ssyncset.done $0x0  }
0x4b: {  	[sflag:s19] =	ssyncadd.s32 $0xFFFFE0C0  }
0x4c: {  	[spmem:s2] =	stream.indirect.scatter.add.f32 [tilespmem:s16], [sflag:$0x4], $0x40, s22, s13, $0xb8;
	[tilespmem:$0x12E80] =	vst v63  }
0x4d: {  	_ =	swait.ge [sflag:s20], $0x1F40  }
0x4e: {  	s24 =	sadd.s32 $0x1, s24;
	[sflag:s20] =	ssyncset.done $0x0  }
0x4f: {  	p0 =	sne.s32 s24, s9;
	[sflag:s20] =	ssyncadd.s32 $0xFFFFE0C0  }
.Ltmp1:
0x50: {  	[bflag:$0x0] =	sbarrier.arrive $0xFFFF;
	(pc) =	sbr.rel @p0 .LBB2_1-.Ltmp1, $4  }
0x51: {  	[hbm:s23], [sflag:s6] =	dma.local [spmem:s10], $0x1400  }
0x52: {  	_ =	swait.ge [sflag:s11], $0x1400  }
0x53: {  	[sflag:s11] =	ssyncset.done $0x0  }
0x54: {  	[sflag:s11] =	ssyncadd.s32 $0xFFFFEC00  }
0x55: {  	_ =	sfence.sel $0x180000  }
0x56: {  	[bflag:$0x0] =	sbarrier.arrive $0xFFFF  }
0x57: {  	p0 =	sne.s32 s0, $0x0;
	_ =	strace $0x90000050  }
0x58: {  	s0 =	sadd.s32 @!p0 $0x100000, s1;
	[bflag:$0x2] =	sbarrier.arrive $0xFFFF  }
0x59: {  	[sflag:s0] =	ssyncadd.tile.s32 @!p0 $0x1;
	_ =	shalt  }
.Lfunc_end2:
_tile_overlayer_lowered:
.L_overlay_start_2:
0x5a: {  	(tag) =	ssettag $0x2  }
0x5b: {  	s0 =	rddreg [dreg:$0x0];
	s2 =	stileid.u32  }
0x5c: {  	s1 =	rddreg [dreg:$0x1];
	p0 =	sne.s32 s2, $0x0  }
0x5d: {  	s3 =	rddreg [dreg:$0x2];
	[bflag:$0x3] =	sbarrier.arrive $0xFFFF;
	s2 =	simm.s32 @!p0 $0x1C05  }
0x5e: {  	[timem:s3], [sflag:s2] =	dma.local @!p0 [hbm:s0], s1  }
0x5f: {  	s0 =	simm.s32 @!p0 $0x5  }
0x60: {  	_ =	swait.ge @!p0 [sflag:s0], s1  }
0x61: {  	s1 =	ssub.s32 @!p0 $0x0, s1;
	[sflag:s0] =	ssyncset.done @!p0 $0x0  }
0x62: {  	[sflag:s0] =	ssyncadd.s32 @!p0 s1  }
0x63: {  	[bflag:$0x3] =	sbarrier.arrive $0xFFFF  }
0x64: {  	_ =	shalt  }

// kernel: kernel.9.cloned.1.call-start
scs
__scs_entry_jumppad:
0x0: {  	(pc) =	sbr.rel $0x88, $3  }
0x1: {  	(tag) =	ssettag $0x0;
	lr =	simm.s32 $0x1  }
0x2: {  	[smem:$0x3F89] =	sst lr;
	_ =	strace $0xD0000000  }
0x3: {  	_ = 	snop  }
0x4: {  	_ = 	snop  }
0x5: {  	_ = 	snop  }
0x6: {  	_ = 	snop  }
0x7: {  	_ = 	snop  }
__scs_overlays_trampoline_lowered:
0x8: {  	[smem:$0x3F98] =	sst s0  }
0x9: {  	[smem:$0x3F99] =	sst s1  }
0xa: {  	[smem:$0x3F9A] =	sst s2  }
0xb: {  	[smem:$0x3F9B] =	sst s3  }
0xc: {  	[smem:$0x3F9C] =	sst s4  }
0xd: {  	[smem:$0x3F9D] =	sst s5  }
0xe: {  	[smem:$0x3F9E] =	sst s6  }
0xf: {  	[smem:$0x3F9F] =	sst s7  }
0x10: {  	[smem:$0x3FA0] =	sst s8  }
0x11: {  	[smem:$0x3FA1] =	sst s9;
	s0 =	simm.s32 @!p0 $0x0  }
0x12: {  	s1 =	sld [smem:$0x3F87];
	s0 =	simm.s32 @p0 $0x1  }
0x13: {  	[smem:$0x3FA2] =	sst s0;
	s0 =	simm.s32 @!p1 $0x0  }
0x14: {  	s2 =	sld [smem:$0x3F86];
	s0 =	simm.s32 @p1 $0x1  }
0x15: {  	[smem:$0x3FA3] =	sst s0;
	s0 =	simm.s32 @!p2 $0x0  }
0x16: {  	s3 =	sld [smem:$0x3FDB];
	s0 =	simm.s32 @p2 $0x1  }
0x17: {  	s4 =	simm.s32 $0x1BF5;
	[smem:$0x3FA5] =	sst s0  }
0x18: {  	s0 =	sld [smem:$0x3F88];
	_ =	swait.ge [sflag:s4], $0x0  }
0x19: {  	s7 =	sld [smem:$0x3F89]  }
0x1a: {  	s8 =	sadd.s32 $0xFFFFE003, lr  }
0x1b: {  	s9 =	sadd.s32 $0xFFFFFEF7, lr;
	s5 =	simm.s32 $0xFFFFFFFF;
	p2 =	slt.u32 s8, $0xFFFFF086  }
0x1c: {  	p1 =	slt.u32 s9, $0xF7A;
	s5 =	simm.s32 @!p2 $0x0  }
0x1d: {  	s5 =	simm.s32 @p1 $0x1;
	p0 =	seq.s32 s7, s2  }
0x1e: {  	s7 =	smul.u32 @!p0 $0xF7A, s2;
	p2 =	seq.s32 @!p0 s5, $0x0  }
0x1f: {  	s9 =	smul.u32 $0xF7A, s1;
	s8 =	simm.s32 @!p0 $0x1BF5;
	p2 =	por !p2, p0  }
0x20: {  	[sflag:s8] =	ssyncset.s32 @!p0 $0xFFFFF086;
	s6 =	sadd.s32 @!p0 s3, s7;
	s7 =	simm.s32 @!p0 $0x108  }
0x21: {  	s3 =	sadd.s32 s3, s9;
	s6 =	sadd.s32 @!p0 $0x88, s6;
	s7 =	simm.s32 @p2 $0x1082  }
0x22: {  	[simem:s7], [sflag:s8] =	dma.local @!p0 [hbm:s6], $0xF7A  }
0x23: {  	s9 =	sor.u32 $0xD0000000, s2;
	s6 =	simm.s32 $0x108;
	_ =	swait.ge @!p0 [sflag:s8], $0x0  }
0x24: {  	s3 =	sadd.s32 $0x88, s3;
	s6 =	simm.s32 @!p1 $0x1082;
	[sflag:s4] =	ssyncset.s32 $0xFFFFF086  }
0x25: {  	[simem:s6], [sflag:s4] =	dma.local [hbm:s3], $0xF7A  }
0x26: {  	[smem:$0x3F89] =	sst s1;
	(tag) =	ssettag s2;
	_ =	strace s9  }
0x27: {  	s1 =	sld [smem:$0x3F99]  }
0x28: {  	s2 =	sld [smem:$0x3F9A]  }
0x29: {  	s4 =	sld [smem:$0x3F9C]  }
0x2a: {  	p0 =	seq.s32 s5, $0x0;
	s5 =	sld [smem:$0x3F9D]  }
0x2b: {  	s6 =	sld [smem:$0x3F9E]  }
0x2c: {  	s7 =	sld [smem:$0x3F9F]  }
0x2d: {  	s3 =	simm.s32 $0x108;
	s8 =	sld [smem:$0x3FA0]  }
0x2e: {  	s3 =	simm.s32 @!p0 $0x1082;
	s9 =	sld [smem:$0x3FA1]  }
0x2f: {  	lr =	sadd.s32 s0, s3;
	s0 =	sld [smem:$0x3F98]  }
0x30: {  	s3 =	sld [smem:$0x3F9B]  }
0x31: {  	[smem:$0x3FA4] =	sst s10  }
0x32: {  	s10 =	sld [smem:$0x3FA2];
	_ =	sdelay $0x3  }
0x33: {  	p0 =	seq.s32 s10, $0x1;
	s10 =	sld [smem:$0x3FA4];
	_ =	sdelay $0x3  }
0x34: {  	[smem:$0x3FA4] =	sst s10  }
0x35: {  	s10 =	sld [smem:$0x3FA3];
	_ =	sdelay $0x3  }
0x36: {  	p1 =	seq.s32 s10, $0x1;
	s10 =	sld [smem:$0x3FA4];
	_ =	sdelay $0x3  }
0x37: {  	[smem:$0x3FA4] =	sst s10  }
0x38: {  	s10 =	sld [smem:$0x3FA5]  }
0x39: {  	_ = 	snop;
	(pc) =	sbr.ind lr, $3  }
0x3a: {  	_ = 	snop  }
0x3b: {  	_ = 	snop  }
0x3c: {  	p2 =	seq.s32 s10, $0x1;
	s10 =	sld [smem:$0x3FA4]  }
0x3d: {  	_ =	shalt  }
0x3e: {  	_ =	shalt  }
0x3f: {  	_ =	shalt  }
0x40: {  	_ =	shalt  }
0x41: {  	_ =	shalt  }
0x42: {  	_ =	shalt  }
0x43: {  	_ =	shalt  }
0x44: {  	_ =	shalt  }
0x45: {  	_ =	shalt  }
0x46: {  	_ =	shalt  }
0x47: {  	_ =	shalt  }
0x48: {  	_ =	shalt  }
0x49: {  	_ =	shalt  }
0x4a: {  	_ =	shalt  }
0x4b: {  	_ =	shalt  }
0x4c: {  	_ =	shalt  }
0x4d: {  	_ =	shalt  }
0x4e: {  	_ =	shalt  }
0x4f: {  	_ =	shalt  }
0x50: {  	_ =	shalt  }
0x51: {  	_ =	shalt  }
0x52: {  	_ =	shalt  }
0x53: {  	_ =	shalt  }
0x54: {  	_ =	shalt  }
0x55: {  	_ =	shalt  }
0x56: {  	_ =	shalt  }
0x57: {  	_ =	shalt  }
0x58: {  	_ =	shalt  }
0x59: {  	_ =	shalt  }
0x5a: {  	_ =	shalt  }
0x5b: {  	_ =	shalt  }
0x5c: {  	_ =	shalt  }
0x5d: {  	_ =	shalt  }
0x5e: {  	_ =	shalt  }
0x5f: {  	_ =	shalt  }
0x60: {  	_ =	shalt  }
0x61: {  	_ =	shalt  }
0x62: {  	_ =	shalt  }
0x63: {  	_ =	shalt  }
0x64: {  	_ =	shalt  }
0x65: {  	_ =	shalt  }
0x66: {  	_ =	shalt  }
0x67: {  	_ =	shalt  }
0x68: {  	_ =	shalt  }
0x69: {  	_ =	shalt  }
0x6a: {  	_ =	shalt  }
0x6b: {  	_ =	shalt  }
0x6c: {  	_ =	shalt  }
0x6d: {  	_ =	shalt  }
0x6e: {  	_ =	shalt  }
0x6f: {  	_ =	shalt  }
0x70: {  	_ =	shalt  }
0x71: {  	_ =	shalt  }
0x72: {  	_ =	shalt  }
0x73: {  	_ =	shalt  }
0x74: {  	_ =	shalt  }
0x75: {  	_ =	shalt  }
0x76: {  	_ =	shalt  }
0x77: {  	_ =	shalt  }
0x78: {  	_ =	shalt  }
0x79: {  	_ =	shalt  }
0x7a: {  	_ =	shalt  }
0x7b: {  	_ =	shalt  }
0x7c: {  	_ =	shalt  }
0x7d: {  	_ =	shalt  }
0x7e: {  	_ =	shalt  }
0x7f: {  	_ =	shalt  }
0x80: {  	_ =	shalt  }
0x81: {  	_ =	shalt  }
0x82: {  	_ =	shalt  }
0x83: {  	_ =	shalt  }
0x84: {  	_ =	shalt  }
0x85: {  	_ =	shalt  }
0x86: {  	_ =	shalt  }
0x87: {  	_ =	shalt  }
.Lfunc_end0:
.L_simem_size_0:
called_computation_lowered:
.L_overlay_start_0:
0x88: {  	s2 =	sld [smem:$0x3FD9]  }
0x89: {  	s3 =	sld [smem:$0x3FFE];
	_ =	sdelay $0x1  }
0x8a: {  	s1 =	srdreg.scid  }
0x8b: {  	s0 =	sand.u32 $0x1, s1  }
0x8c: {  	s16 =	sshll.u32 s0, $0xA;
	s2 =	sadd.s32 s3, s2  }
0x8d: {  	s2 =	sadd.s32 s2, s16  }
0x8e: {  	[smem:$0x3FB0] =	sst s2  }
0x8f: {  	_ = 	snop  }
0x90: {  	(tm) =	ssettm $0x1  }
0x91: {  	s17 =	sld [smem:$0x3FFB];
	_ =	sdelay $0x3  }
0x92: {  	_ =	strace s17  }
0x93: {  	s2 =	sld [smem:$0x3FFC];
	_ =	sdelay $0x3  }
0x94: {  	_ =	strace s2  }
0x95: {  	s2 =	sld [smem:$0x3FFD];
	_ =	sdelay $0x3  }
0x96: {  	_ =	strace s2  }
0x97: {  	_ =	strace $0x8FFFFFFF  }
0x98: {  	s18 =	sld [smem:$0x3FDB];
	_ =	sdelay $0x1  }
0x99: {  	s19 =	simm.s32 $_scs_section_size  }
0x9a: {  	s4 =	simm.s32 $_size__tile_overlayer_lowered;
	s5 =	simm.s32 $_tile_overlayer_lowered  }
0x9b: {  	s22 =	simm.s32 $0x1BFF;
	s21 =	sshll.u32 s5, $0x1;
	s2 =	sadd.s32 s19, s18  }
0x9c: {  	s6 =	simm.s32 $0x0;
	s20 =	sshll.u32 s4, $0x1;
	s4 =	sadd.s32 s21, s2  }
0x9d: {  	[timem:s6], [sflag:s22] =	dma.local [hbm:s4], s20  }
0x9e: {  	_ =	swait.ge [sflag:s22], s20  }
0x9f: {  	s3 =	ssub.s32 $0x0, s20;
	[sflag:s22] =	ssyncset.done $0x0  }
0xa0: {  	[sflag:s22] =	ssyncadd.s32 s3;
	_ =	sdelay $0x1  }
0xa1: {  	s23 =	simm.s32 $0x1B8B  }
0xa2: {  	_ =	swait.ge [sflag:s23], $0x1  }
0xa3: {  	[sflag:s23] =	ssyncset.done $0x0  }
0xa4: {  	s25 =	simm.s32 $0x1B8E;
	s24 =	sld [smem:$0x3FFE];
	[sflag:s23] =	ssyncadd.s32 $0xFFFFFFFF  }
0xa5: {  	s26 =	simm.s32 $execute0_lowered;
	[smem:$0x3FD2] =	sst s25  }
0xa6: {  	s4 =	sshll.u32 s26, $0x1;
	_ =	strace $0x80000046;
	[dreg:$0x1] =	wrdreg $0xFFFFFFFF  }
0xa7: {  	s28 =	simm.s32 $_size_execute0_lowered;
	s2 =	sadd.s32 s2, s4;
	[dreg:$0x0] =	wrdreg $0x0  }
0xa8: {  	s4 =	sshll.u32 s28, $0x1;
	[dreg:$0x2] =	wrdreg s2  }
0xa9: {  	[dreg:$0x3] =	wrdreg s4  }
0xaa: {  	[dreg:$0x4] =	wrdreg $0xC0  }
0xab: {  	_ =	task [dreg:s6], $0x5FFFF  }
0xac: {  	[dreg:$0x1] =	wrdreg $0xFFFFFFFF  }
0xad: {  	[dreg:$0x0] =	wrdreg $0x60  }
0xae: {  	[dreg:$0x2] =	wrdreg s24  }
0xaf: {  	[dreg:$0x3] =	wrdreg $0x96500  }
0xb0: {  	[dreg:$0x4] =	wrdreg $0x136500  }
0xb1: {  	[dreg:$0x5] =	wrdreg $0x9  }
0xb2: {  	_ =	task.clear_ibuf [dreg:s6], $0x6FFFF;
	_ =	strace $0x90000046  }
0xb3: {  	s29 =	simm.s32 $0x9;
	_ =	strace $0x80000048  }
0xb4: {  	_ =	swait.ge [sflag:s29], $0x1  }
0xb5: {  	[sflag:s29] =	ssyncadd.s32 $0xFFFFFFFF  }
0xb6: {  	_ =	strace $0x90000048  }
0xb7: {  	_ =	sfence  }
0xb8: {  	s30 =	sld [smem:$0x0];
	_ =	sdelay $0x2  }
0xb9: {  	s31 =	sshll.u32 s1, $0xD;
	s1 =	sshrl.u32 s1, $0x2  }
0xba: {  	s3 =	sand.u32 $0x4000, s31;
	s1 =	sadd.s32 s1, s30  }
0xbb: {  	s0 =	sor.u32 s3, s0;
	s1 =	sshll.u32 s1, $0x11  }
0xbc: {  	s0 =	sor.u32 s1, s0  }
0xbd: {  	s0 =	sadd.s32 $0x8F2B, s0  }
0xbe: {  	[sflag:s0] =	ssyncadd.remote.s32 $0x1  }
0xbf: {  	_ =	sfence.sel $0xFFFF  }
0xc0: {  	[dreg:$0x0] =	wrdreg $0xFFFFFFFF;
	(pc) =	sbr.abs _section_cstart, $3  }
0xc1: {  	[dreg:$0x1] =	wrdreg $0xFFFFFFFF  }
0xc2: {  	_ =	task.clear_ibuf [dreg:s6], $0x2FFFF;
	_ =	strace $0x9FFFFFFF  }
0xc3: {  	(tm) =	ssettm $0x7FFFFFFF  }
tec
execute0_lowered:
.L_overlay_start_1:
0x0: {  	(tag) =	ssettag $0x1  }
0x1: {  	s0 =	rddreg [dreg:$0x0];
	s1 =	srdreg.scid  }
0x2: {  	s15 =	stileid.u32;
	s2 =	rddreg [dreg:$0x1]  }
0x3: {  	s3 =	rddreg [dreg:$0x2];
	s16 =	simm.s32 $0x8E80;
	s18 =	simm.s32 $0x7D  }
0x4: {  	s19 =	simm.s32 $0x5000;
	s21 =	simm.s32 $0x6F40;
	s28 =	simm.s32 $0x2  }
0x5: {  	s29 =	simm.s32 $0x4;
	s30 =	simm.s32 $0x6;
	s7 =	smul.u32 $0xA000, s15  }
0x6: {  	s31 =	simm.s32 $0x4F00;
	s1 =	sand.u32 $0x1, s1;
	s9 =	smul.u32 $0x2800, s15  }
0x7: {  	s4 =	sshll.u32 s15, $0x1;
	s22 =	sadd.s32 $0x45000, s0;
	s10 =	smul.u32 $0x14000, s1  }
0x8: {  	s24 =	sshll.u32 s15, $0x6;
	s5 =	sor.u32 s1, s4;
	s13 =	smul.u32 $0x5000, s1  }
0x9: {  	s4 =	simm.s32 $0x0;
	s1 =	ssub.s32 $0x2, s1;
	s6 =	smul.u32 $0x500, s5  }
0xa: {  	[smem:$0x7FF] =	sst s4;
	s5 =	sadd.s32 $0x18600, s0;
	s17 =	sshrl.u32 s7, $0x3  }
0xb: {  	s20 =	sshrl.u32 s9, $0x3;
	s23 =	sshrl.u32 s1, $0x1;
	s25 =	sadd.s32 s7, s2  }
0xc: {  	s26 =	sadd.s32 s9, s3;
	_ =	strace $0x80000047;
	s8 =	sadd.s32 s17, s0  }
0xd: {  	s12 =	sadd.s32 s20, s0;
	[dreg:$0x4] =	wrdreg s22;
	s14 =	sadd.s32 s10, s0  }
0xe: {  	s1 =	ssub.s32 s1, s23;
	s15 =	sshrl.u32 s26, $0x3;
	s23 =	simm.s32 $0x1  }
0xf: {  	s26 =	simm.s32 $0x5;
	s11 =	sadd.s32 s6, s0;
	s0 =	sadd.s32 s13, s0  }
0x10: {  	s7 =	sadd.s32 $0x2C000, s8;
	s8 =	sor.u32 $0x1C07, s24;
	s9 =	sadd.s32 $0x40000, s12  }
0x11: {  	s22 =	sadd.s32 $0x4F200, s14;
	s12 =	smax.u32 s1, $0x1;
	s13 =	sshrl.u32 s25, $0x3  }
0x12: {  	s14 =	simm.s32 $0x7;
	s25 =	simm.s32 $0x3;
	s1 =	simm.s32 $0x4F80  }
0x13: {  	s10 =	sadd.s32 $0xE600, s11;
	s11 =	sadd.s32 $0x4600, s11;
	s0 =	sadd.s32 $0x45200, s0  }
0x14: {  	s22 =	sadd.s32 s17, s22;
	s24 =	sadd.s32 s20, s0;
	s0 =	simm.s32 $0x0  }
.LBB2_1:
0x15: {  	[spmem:s13], [sflag:s8] =	dma.local [hbm:s7], $0x1400  }
0x16: {  	_ =	swait.ge [sflag:s14], $0x1400  }
0x17: {  	[sflag:s14] =	ssyncset.done $0x0  }
0x18: {  	[sflag:s14] =	ssyncadd.s32 $0xFFFFEC00  }
0x19: {  	[spmem:s15], [sflag:s8] =	dma.local [hbm:s9], $0x500  }
0x1a: {  	_ =	swait.ge [sflag:s14], $0x500  }
0x1b: {  	[sflag:s14] =	ssyncset.done $0x0  }
0x1c: {  	s6 =	rddreg [dreg:$0x4];
	[sflag:s14] =	ssyncadd.s32 $0xFFFFFB00  }
0x1d: {  	[tilespmem:s16], [sflag:$0x7] =	stream.linear.gather [hbm4b:s6+s4], $0x7D0, $0x38;
	[tilespmem:$0x15E50] =	vst v63  }
0x1e: {  	_ =	swait.ge [sflag:s14], $0x7D0  }
0x1f: {  	[sflag:s14] =	ssyncset.done $0x0  }
0x20: {  	[sflag:s14] =	ssyncadd.s32 $0xFFFFF830  }
0x21: {  	[tilespmem:s4], [sflag:$0x7] =	stream.linear.gather [hbm4b:s10+s4], $0x2800, $0x38;
	[tilespmem:$0x15E50] =	vst v63  }
0x22: {  	_ =	swait.ge [sflag:s14], $0x2800  }
0x23: {  	[sflag:s14] =	ssyncset.done $0x0  }
0x24: {  	s17 =	simm.s32 $0x2800;
	[sflag:s14] =	ssyncadd.s32 $0xFFFFD800  }
0x25: {  	[tilespmem:s17], [sflag:$0x7] =	stream.linear.gather [hbm4b:s11+s4], $0x2800, $0x38;
	[tilespmem:$0x15E50] =	vst v63  }
0x26: {  	_ =	swait.ge [sflag:s14], $0x2800  }
0x27: {  	[sflag:s14] =	ssyncset.done $0x0  }
0x28: {  	[sflag:s14] =	ssyncadd.s32 $0xFFFFD800  }
0x29: {  	[bflag:$0x0] =	sbarrier.arrive $0xFFFF  }
0x2a: {  	[tilespmem:s19], [sflag:$0x1] =	stream.indirect.gather [hbm4b:s5+s18], $0x40, s4, s18, $0xb8;
	[tilespmem:$0x15E50] =	vst v63  }
0x2b: {  	s20 =	simm.s32 $0x80  }
0x2c: {  	[tilespmem:s21], [sflag:$0x2] =	stream.indirect.gather [hbm4b:s5+s18], $0x40, s20, s18, $0xb8;
	[tilespmem:$0x15E50] =	vst v63  }
0x2d: {  	_ =	swait.ge [sflag:s23], $0x1F40  }
0x2e: {  	[sflag:s23] =	ssyncset.done $0x0  }
0x2f: {  	s17 =	simm.s32 $0x2800;
	[sflag:s23] =	ssyncadd.s32 $0xFFFFE0C0  }
0x30: {  	[spmem:s2] =	stream.indirect.scatter.add.f32 [tilespmem:s19], [sflag:$0x3], $0x40, s17, s18, $0xb8;
	[tilespmem:$0x15E50] =	vst v63  }
0x31: {  	_ = 	snop  }
0x32: {  	[spmem:s3] =	stream.indirect.scatter.add.f32 [tilespmem:s16], [sflag:$0x5], $0x10, s17, s18, $0xb8;
	[tilespmem:$0x15E50] =	vst v63  }
0x33: {  	_ =	swait.ge [sflag:s25], $0x1F40  }
0x34: {  	[sflag:s25] =	ssyncset.done $0x0  }
0x35: {  	[sflag:s25] =	ssyncadd.s32 $0xFFFFE0C0  }
0x36: {  	_ =	swait.ge [sflag:s26], $0x7D0  }
0x37: {  	[sflag:s26] =	ssyncset.done $0x0  }
0x38: {  	s6 =	simm.s32 $0x100;
	[sflag:s26] =	ssyncadd.s32 $0xFFFFF830  }
0x39: {  	[tilespmem:s19], [sflag:$0x1] =	stream.indirect.gather [hbm4b:s5+s18], $0x40, s6, s18, $0xb8;
	[tilespmem:$0x15E50] =	vst v63  }
0x3a: {  	_ =	swait.ge [sflag:s28], $0x1F40  }
0x3b: {  	[sflag:s28] =	ssyncset.done $0x0  }
0x3c: {  	s20 =	simm.s32 $0x2880;
	[sflag:s28] =	ssyncadd.s32 $0xFFFFE0C0  }
0x3d: {  	[spmem:s2] =	stream.indirect.scatter.add.f32 [tilespmem:s21], [sflag:$0x4], $0x40, s20, s18, $0xb8;
	[tilespmem:$0x15E50] =	vst v63  }
0x3e: {  	_ = 	snop  }
0x3f: {  	[spmem:s3] =	stream.indirect.scatter.add.f32 [tilespmem:s16], [sflag:$0x6], $0x10, s20, s18, $0xb8;
	[tilespmem:$0x15E50] =	vst v63  }
0x40: {  	_ =	swait.ge [sflag:s29], $0x1F40  }
0x41: {  	[sflag:s29] =	ssyncset.done $0x0  }
0x42: {  	[sflag:s29] =	ssyncadd.s32 $0xFFFFE0C0  }
0x43: {  	_ =	swait.ge [sflag:s30], $0x7D0  }
0x44: {  	[sflag:s30] =	ssyncset.done $0x0  }
0x45: {  	s17 =	simm.s32 $0x400;
	s20 =	simm.s32 $0x180;
	[sflag:s30] =	ssyncadd.s32 $0xFFFFF830  }
.LBB2_2:
0x46: {  	[tilespmem:s21], [sflag:$0x2] =	stream.indirect.gather [hbm4b:s5+s18], $0x40, s20, s18, $0xb8;
	[tilespmem:$0x15E50] =	vst v63  }
0x47: {  	s20 =	smov.u32 s17  }
0x48: {  	p0 =	sne.s32 s17, $0x9800;
	s17 =	sadd.s32 $0x400, s17;
	_ =	swait.ge [sflag:s23], $0x1F40  }
0x49: {  	s20 =	sshra.s32 s20, $0x2;
	[sflag:s23] =	ssyncset.done $0x0  }
0x4a: {  	s6 =	sadd.s32 $0x2800, s20;
	[sflag:s23] =	ssyncadd.s32 $0xFFFFE0C0  }
0x4b: {  	[spmem:s2] =	stream.indirect.scatter.add.f32 [tilespmem:s19], [sflag:$0x3], $0x40, s6, s18, $0xb8;
	[tilespmem:$0x15E50] =	vst v63  }
0x4c: {  	_ = 	snop  }
0x4d: {  	[spmem:s3] =	stream.indirect.scatter.add.f32 [tilespmem:s16], [sflag:$0x5], $0x10, s6, s18, $0xb8;
	[tilespmem:$0x15E50] =	vst v63  }
0x4e: {  	_ =	swait.ge [sflag:s25], $0x1F40  }
0x4f: {  	[sflag:s25] =	ssyncset.done $0x0  }
0x50: {  	[sflag:s25] =	ssyncadd.s32 $0xFFFFE0C0  }
0x51: {  	_ =	swait.ge [sflag:s26], $0x7D0  }
0x52: {  	[sflag:s26] =	ssyncset.done $0x0  }
0x53: {  	s6 =	sadd.s32 $0x100, s20;
	[sflag:s26] =	ssyncadd.s32 $0xFFFFF830  }
0x54: {  	[tilespmem:s19], [sflag:$0x1] =	stream.indirect.gather [hbm4b:s5+s18], $0x40, s6, s18, $0xb8;
	[tilespmem:$0x15E50] =	vst v63  }
0x55: {  	_ =	swait.ge [sflag:s28], $0x1F40  }
0x56: {  	[sflag:s28] =	ssyncset.done $0x0  }
0x57: {  	s6 =	sadd.s32 $0x2880, s20;
	[sflag:s28] =	ssyncadd.s32 $0xFFFFE0C0  }
0x58: {  	[spmem:s2] =	stream.indirect.scatter.add.f32 [tilespmem:s21], [sflag:$0x4], $0x40, s6, s18, $0xb8;
	[tilespmem:$0x15E50] =	vst v63  }
0x59: {  	_ = 	snop  }
0x5a: {  	[spmem:s3] =	stream.indirect.scatter.add.f32 [tilespmem:s16], [sflag:$0x6], $0x10, s6, s18, $0xb8;
	[tilespmem:$0x15E50] =	vst v63  }
0x5b: {  	_ =	swait.ge [sflag:s29], $0x1F40  }
.Ltmp0:
0x5c: {  	[sflag:s29] =	ssyncset.done $0x0;
	(pc) =	sbr.rel @p0 .LBB2_2-.Ltmp0, $4  }
0x5d: {  	[sflag:s29] =	ssyncadd.s32 $0xFFFFE0C0  }
0x5e: {  	_ =	swait.ge [sflag:s30], $0x7D0  }
0x5f: {  	[sflag:s30] =	ssyncset.done $0x0  }
0x60: {  	s20 =	sadd.s32 $0x180, s20;
	[sflag:s30] =	ssyncadd.s32 $0xFFFFF830  }
0x61: {  	[tilespmem:s21], [sflag:$0x2] =	stream.indirect.gather [hbm4b:s5+s18], $0x40, s20, s18, $0xb8;
	[tilespmem:$0x15E50] =	vst v63  }
0x62: {  	_ =	swait.ge [sflag:s23], $0x1F40  }
0x63: {  	[sflag:s23] =	ssyncset.done $0x0  }
0x64: {  	[sflag:s23] =	ssyncadd.s32 $0xFFFFE0C0  }
0x65: {  	[spmem:s2] =	stream.indirect.scatter.add.f32 [tilespmem:s19], [sflag:$0x3], $0x40, s31, s18, $0xb8;
	[tilespmem:$0x15E50] =	vst v63  }
0x66: {  	_ = 	snop  }
0x67: {  	[spmem:s3] =	stream.indirect.scatter.add.f32 [tilespmem:s16], [sflag:$0x5], $0x10, s31, s18, $0xb8;
	[tilespmem:$0x15E50] =	vst v63  }
0x68: {  	_ =	swait.ge [sflag:s25], $0x1F40  }
0x69: {  	[sflag:s25] =	ssyncset.done $0x0  }
0x6a: {  	[sflag:s25] =	ssyncadd.s32 $0xFFFFE0C0  }
0x6b: {  	_ =	swait.ge [sflag:s26], $0x7D0  }
0x6c: {  	[sflag:s26] =	ssyncset.done $0x0  }
0x6d: {  	[sflag:s26] =	ssyncadd.s32 $0xFFFFF830  }
0x6e: {  	_ =	swait.ge [sflag:s28], $0x1F40  }
0x6f: {  	[sflag:s28] =	ssyncset.done $0x0  }
0x70: {  	[sflag:s28] =	ssyncadd.s32 $0xFFFFE0C0  }
0x71: {  	[spmem:s2] =	stream.indirect.scatter.add.f32 [tilespmem:s21], [sflag:$0x4], $0x40, s1, s18, $0xb8;
	[tilespmem:$0x15E50] =	vst v63  }
0x72: {  	_ = 	snop  }
0x73: {  	[spmem:s3] =	stream.indirect.scatter.add.f32 [tilespmem:s16], [sflag:$0x6], $0x10, s1, s18, $0xb8;
	[tilespmem:$0x15E50] =	vst v63  }
0x74: {  	_ =	swait.ge [sflag:s29], $0x1F40  }
0x75: {  	[sflag:s29] =	ssyncset.done $0x0  }
0x76: {  	[sflag:s29] =	ssyncadd.s32 $0xFFFFE0C0  }
0x77: {  	_ =	swait.ge [sflag:s30], $0x7D0  }
0x78: {  	[sflag:s30] =	ssyncset.done $0x0  }
0x79: {  	[sflag:s30] =	ssyncadd.s32 $0xFFFFF830  }
0x7a: {  	[bflag:$0x0] =	sbarrier.arrive $0xFFFF  }
0x7b: {  	[hbm:s22], [sflag:s8] =	dma.local [spmem:s13], $0x1400  }
0x7c: {  	s0 =	sadd.s32 $0x1, s0;
	_ =	swait.ge [sflag:s14], $0x1400  }
0x7d: {  	p0 =	sne.s32 s0, s12;
	[sflag:s14] =	ssyncset.done $0x0  }
.Ltmp1:
0x7e: {  	[sflag:s14] =	ssyncadd.s32 $0xFFFFEC00;
	(pc) =	sbr.rel @p0 .LBB2_1-.Ltmp1, $4  }
0x7f: {  	[hbm:s24], [sflag:s8] =	dma.local [spmem:s15], $0x500  }
0x80: {  	_ =	swait.ge [sflag:s14], $0x500  }
0x81: {  	[sflag:s14] =	ssyncset.done $0x0  }
0x82: {  	[sflag:s14] =	ssyncadd.s32 $0xFFFFFB00  }
0x83: {  	_ =	sfence.sel $0x180000  }
0x84: {  	[bflag:$0x0] =	sbarrier.arrive $0xFFFF  }
0x85: {  	_ =	strace $0x90000047  }
0x86: {  	s0 =	stileid.u32;
	[bflag:$0x2] =	sbarrier.arrive $0xFFFF  }
0x87: {  	p0 =	sne.s32 s0, $0x0;
	s0 =	rddreg [dreg:$0x3]  }
0x88: {  	s0 =	sadd.s32 @!p0 $0x100000, s0  }
0x89: {  	[sflag:s0] =	ssyncadd.tile.s32 @!p0 $0x1;
	_ =	shalt  }
.Lfunc_end2:
_tile_overlayer_lowered:
.L_overlay_start_2:
0x8a: {  	(tag) =	ssettag $0x2  }
0x8b: {  	s0 =	rddreg [dreg:$0x0];
	s2 =	stileid.u32  }
0x8c: {  	s1 =	rddreg [dreg:$0x1];
	p0 =	sne.s32 s2, $0x0  }
0x8d: {  	s3 =	rddreg [dreg:$0x2];
	[bflag:$0x3] =	sbarrier.arrive $0xFFFF;
	s2 =	simm.s32 @!p0 $0x1C07  }
0x8e: {  	[timem:s3], [sflag:s2] =	dma.local @!p0 [hbm:s0], s1  }
0x8f: {  	s0 =	simm.s32 @!p0 $0x7  }
0x90: {  	_ =	swait.ge @!p0 [sflag:s0], s1  }
0x91: {  	s1 =	ssub.s32 @!p0 $0x0, s1;
	[sflag:s0] =	ssyncset.done @!p0 $0x0  }
0x92: {  	[sflag:s0] =	ssyncadd.s32 @!p0 s1  }
0x93: {  	[bflag:$0x3] =	sbarrier.arrive $0xFFFF  }
0x94: {  	_ =	shalt  }

</sc_bundles>
